<compile_context>
chip_gen: v7x
topology: tpu7x:2x2x1
jax: 0.10.2.dev20260603
libtpu: 0.0.44.dev20260713+nightly
codegen_flags: <defaults>
</compile_context>

<pallas_src>
import functools

import jax
import jax.numpy as jnp
from jax import lax
from jax.experimental import pallas as pl
from jax.experimental.pallas import tpu as pltpu
from jax.experimental.pallas import tpu_sc as plsc

NCLS = 50
BATCH = 64
NPTS = 4096
BPB = 8
TC_GRID = BATCH // BPB

NWORK = 32
RPW = BATCH // NWORK
NBINS = 64
ENC = 8192
UNROLL = 4


def _argmax_body(logits_ref, pred_ref):
    best = logits_ref[0]
    idx = jnp.zeros((BPB, NPTS), jnp.int32)
    for c in range(1, NCLS):
        v = logits_ref[c]
        gt = v > best
        best = jnp.where(gt, v, best)
        idx = jnp.where(gt, c, idx)
    pred_ref[...] = idx


def _tc_argmax(logits_cmajor):
    return pl.pallas_call(
        _argmax_body,
        grid=(TC_GRID,),
        in_specs=[pl.BlockSpec((NCLS, BPB, NPTS), lambda i: (0, i, 0))],
        out_specs=pl.BlockSpec((BPB, NPTS), lambda i: (i, 0)),
        out_shape=jax.ShapeDtypeStruct((BATCH, NPTS), jnp.int32),
    )(logits_cmajor)


_SC_MESH = dict(
    mesh=plsc.VectorSubcoreMesh(core_axis_name="c", subcore_axis_name="s"),
    compiler_params=pltpu.CompilerParams(needs_layout_passes=False),
)


@functools.partial(
    pl.kernel,
    out_type=jax.ShapeDtypeStruct((NWORK, 3 * NBINS), jnp.float32),
    scratch_types=[
        pltpu.VMEM((RPW, NPTS), jnp.int32),
        pltpu.VMEM((RPW, NPTS), jnp.int32),
        pltpu.VMEM((2 * 16 * NBINS,), jnp.float32),
        pltpu.VMEM((3 * NBINS,), jnp.float32),
    ],
    **_SC_MESH,
)
def _sc_hist(pred_hbm, lab_hbm, out_hbm, pv, lv, lhist, hist):
    cid = lax.axis_index("c")
    sid = lax.axis_index("s")
    w = sid * 2 + cid
    pltpu.sync_copy(pred_hbm.at[pl.ds(w * RPW, RPW)], pv)
    pltpu.sync_copy(lab_hbm.at[pl.ds(w * RPW, RPW)], lv)

    zeros16 = jnp.zeros((16,), jnp.float32)
    for j in range(2 * 16 * NBINS // 16):
        lhist[pl.ds(j * 16, 16)] = zeros16

    enc = jnp.float32(ENC + 1)
    one = jnp.float32(1.0)
    ones = jnp.ones((16,), jnp.float32)
    lbase = lax.iota(jnp.int32, 16) * NBINS

    for r in range(RPW):
        def body(k, carry):
            for u in range(UNROLL):
                off = k * (16 * UNROLL) + u * 16
                p = pv[r, pl.ds(off, 16)]
                l = lv[r, pl.ds(off, 16)]
                w16 = jnp.where(p == l, enc, one)
                plsc.addupdate_scatter(lhist, [lbase + p], w16)
                plsc.addupdate_scatter(lhist, [lbase + (l + 16 * NBINS)], ones)
            return carry
        lax.fori_loop(0, NPTS // (16 * UNROLL), body, 0)

    for j in range(NBINS // 16):
        acc_i = zeros16
        acc_c = zeros16
        acc_l = zeros16
        for t in range(16):
            vi = lhist[pl.ds(t * NBINS + j * 16, 16)].astype(jnp.int32)
            acc_i = acc_i + (vi >> 13).astype(jnp.float32)
            acc_c = acc_c + (vi & (ENC - 1)).astype(jnp.float32)
            acc_l = acc_l + lhist[pl.ds(16 * NBINS + t * NBINS + j * 16, 16)]
        hist[pl.ds(j * 16, 16)] = acc_i
        hist[pl.ds(NBINS + j * 16, 16)] = acc_c
        hist[pl.ds(2 * NBINS + j * 16, 16)] = acc_l

    pltpu.sync_copy(hist, out_hbm.at[w])


@jax.jit
def kernel(seg_logits, seg_labels):
    pred = _tc_argmax(jnp.transpose(seg_logits, (1, 0, 2)))
    part = jnp.sum(_sc_hist(pred, seg_labels), axis=0)
    inter = part[0:NCLS]
    union = part[NBINS:NBINS + NCLS] + part[2 * NBINS:2 * NBINS + NCLS] - inter
    return inter, union

# --- scband reference (transcript-rebuilt; emitter-appended) ---
"""Pipeline reference for scband-intersection-and-union-17093969838371 (READ-ONLY COPY).

The authoritative reference and input builder live on the scoring server;
editing this copy changes nothing except your own understanding.
"""

import jax, jax.numpy as jnp
import numpy as np

NUM_CLASSES = 50


def setup_inputs(seed: int = 0) -> dict:
    key = jax.random.key(seed)
    k1, k2 = jax.random.split(key)
    seg_logits = jax.random.normal(k1, (64, NUM_CLASSES, 4096), dtype=jnp.float32)
    seg_labels = jax.random.randint(k2, (64, 4096), 0, NUM_CLASSES, dtype=jnp.int32)
    return {"seg_logits": seg_logits, "seg_labels": seg_labels}


def reference(seg_logits, seg_labels):
    # pred_labels = seg_logits.argmax(1)
    pred_labels = jnp.argmax(seg_logits, axis=1).astype(jnp.int32)
    pred_flat = pred_labels.ravel()
    lab_flat = seg_labels.ravel()
    # intersection = histc(pred_labels[pred_labels == seg_labels]) ; implemented as a
    # weighted bincount to keep static shapes (values are ints in [0, C), so histc with
    # bins=C, min=0, max=C-1 is exactly a bincount).
    match = (pred_flat == lab_flat).astype(jnp.float32)
    intersection = jnp.bincount(pred_flat, weights=match, length=NUM_CLASSES).astype(jnp.float32)
    total_num_pred = jnp.bincount(pred_flat, length=NUM_CLASSES).astype(jnp.float32)
    total_num_labels = jnp.bincount(lab_flat, length=NUM_CLASSES).astype(jnp.float32)
    union = total_num_pred + total_num_labels - intersection
    return (intersection, union)

if __name__ == "__main__":
    import jax
    _d = setup_inputs()
    print(jax.jit(kernel)(*tuple(_d.values())))

</pallas_src>

<mosaic_0001>
#map = affine_map<(d0, d1) -> (0, 0)>
module attributes {stable_mosaic.version = 14 : i64} {
  func.func @_sc_hist(%arg0: i32, %arg1: i32, %arg2: memref<64x4096xi32, #tpu.memory_space<hbm>>, %arg3: memref<64x4096xi32, #tpu.memory_space<hbm>>, %arg4: memref<32x192xf32, #tpu.memory_space<hbm>>, %arg5: memref<2x4096xi32, #tpu.memory_space<vmem>>, %arg6: memref<2x4096xi32, #tpu.memory_space<vmem>>, %arg7: memref<2048xf32, #tpu.memory_space<vmem>>, %arg8: memref<192xf32, #tpu.memory_space<vmem>>) attributes {dimension_semantics = [#tpu.dimension_semantics<core_parallel>, #tpu.dimension_semantics<subcore_parallel>], iteration_bounds = array<i64: 2, 16>, scalar_prefetch = 0 : i64, scratch_operands = 4 : i64, tpu.core_type = #tpu.core_type<sc_vector_subcore>, window_params = [{transform_indices = #map}, {transform_indices = #map}, {transform_indices = #map}]} {
    %mul3A = arith.constant 2 : i32
    %mul3A_0 = arith.muli %arg1, %mul3A : i32
    %add3A = arith.addi %mul3A_0, %arg0 : i32
    %mul3A_1 = arith.constant 2 : i32
    %mul3A_2 = arith.muli %add3A, %mul3A_1 : i32
    "tpu.region"() ({
      %run_scoped3A = tpu.sem_alloc : memref<!tpu.dma_semaphore, #tpu.memory_space<semaphore_mem>>
      %dma_start3A = arith.constant 0 : i32
      %dma_start3A_1325 = tpu.memref_slice %arg2[%mul3A_2, %dma_start3A] : memref<64x4096xi32, #tpu.memory_space<hbm>> -> memref<2x4096xi32, #tpu.memory_space<hbm>>
      %dma_start3A_1326 = arith.constant 0 : i32
      %dma_start3A_1327 = tpu.memref_slice %arg2[%mul3A_2, %dma_start3A_1326] : memref<64x4096xi32, #tpu.memory_space<hbm>> -> memref<2x4096xi32, #tpu.memory_space<hbm>>
      tpu.enqueue_dma source(%dma_start3A_1327 : memref<2x4096xi32, #tpu.memory_space<hbm>>) target(%arg5 : memref<2x4096xi32, #tpu.memory_space<vmem>>) target_semaphore(%run_scoped3A : memref<!tpu.dma_semaphore, #tpu.memory_space<semaphore_mem>>)
      %dma_wait3A = arith.constant 0 : i32
      %dma_wait3A_1328 = tpu.memref_slice %arg2[%mul3A_2, %dma_wait3A] : memref<64x4096xi32, #tpu.memory_space<hbm>> -> memref<2x4096xi32, #tpu.memory_space<hbm>>
      %dma_wait3A_1329 = arith.constant 0 : i32
      %dma_wait3A_1330 = tpu.memref_slice %arg2[%mul3A_2, %dma_wait3A_1329] : memref<64x4096xi32, #tpu.memory_space<hbm>> -> memref<2x4096xi32, #tpu.memory_space<hbm>>
      tpu.wait_dma2 semaphore(%run_scoped3A : memref<!tpu.dma_semaphore, #tpu.memory_space<semaphore_mem>>) src(%dma_wait3A_1330 : memref<2x4096xi32, #tpu.memory_space<hbm>>) dst(%arg5 : memref<2x4096xi32, #tpu.memory_space<vmem>>)
      tpu.yield
    }) : () -> ()
    %mul3A_3 = arith.constant 2 : i32
    %mul3A_4 = arith.muli %add3A, %mul3A_3 : i32
    "tpu.region"() ({
      %run_scoped3A = tpu.sem_alloc : memref<!tpu.dma_semaphore, #tpu.memory_space<semaphore_mem>>
      %dma_start3A = arith.constant 0 : i32
      %dma_start3A_1325 = tpu.memref_slice %arg3[%mul3A_4, %dma_start3A] : memref<64x4096xi32, #tpu.memory_space<hbm>> -> memref<2x4096xi32, #tpu.memory_space<hbm>>
      %dma_start3A_1326 = arith.constant 0 : i32
      %dma_start3A_1327 = tpu.memref_slice %arg3[%mul3A_4, %dma_start3A_1326] : memref<64x4096xi32, #tpu.memory_space<hbm>> -> memref<2x4096xi32, #tpu.memory_space<hbm>>
      tpu.enqueue_dma source(%dma_start3A_1327 : memref<2x4096xi32, #tpu.memory_space<hbm>>) target(%arg6 : memref<2x4096xi32, #tpu.memory_space<vmem>>) target_semaphore(%run_scoped3A : memref<!tpu.dma_semaphore, #tpu.memory_space<semaphore_mem>>)
      %dma_wait3A = arith.constant 0 : i32
      %dma_wait3A_1328 = tpu.memref_slice %arg3[%mul3A_4, %dma_wait3A] : memref<64x4096xi32, #tpu.memory_space<hbm>> -> memref<2x4096xi32, #tpu.memory_space<hbm>>
      %dma_wait3A_1329 = arith.constant 0 : i32
      %dma_wait3A_1330 = tpu.memref_slice %arg3[%mul3A_4, %dma_wait3A_1329] : memref<64x4096xi32, #tpu.memory_space<hbm>> -> memref<2x4096xi32, #tpu.memory_space<hbm>>
      tpu.wait_dma2 semaphore(%run_scoped3A : memref<!tpu.dma_semaphore, #tpu.memory_space<semaphore_mem>>) src(%dma_wait3A_1330 : memref<2x4096xi32, #tpu.memory_space<hbm>>) dst(%arg6 : memref<2x4096xi32, #tpu.memory_space<vmem>>)
      tpu.yield
    }) : () -> ()
    %broadcast_in_dim3A = arith.constant 0.000000e+00 : f32
    %broadcast_in_dim3A_5 = vector.broadcast %broadcast_in_dim3A : f32 to vector<16xf32>
    %swap3A = arith.constant 0 : index
    %swap3A_6 = tpu.vector_load %arg7[%swap3A] {strides = array<i32>} : memref<2048xf32, #tpu.memory_space<vmem>>, vector<16xf32>,
    tpu.vector_store %arg7[%swap3A], %broadcast_in_dim3A_5 {strides = array<i32>} : memref<2048xf32, #tpu.memory_space<vmem>>, vector<16xf32>,
    %swap3A_7 = arith.constant 16 : index
    %swap3A_8 = tpu.vector_load %arg7[%swap3A_7] {strides = array<i32>} : memref<2048xf32, #tpu.memory_space<vmem>>, vector<16xf32>,
    tpu.vector_store %arg7[%swap3A_7], %broadcast_in_dim3A_5 {strides = array<i32>} : memref<2048xf32, #tpu.memory_space<vmem>>, vector<16xf32>,
    %swap3A_9 = arith.constant 32 : index
    %swap3A_10 = tpu.vector_load %arg7[%swap3A_9] {strides = array<i32>} : memref<2048xf32, #tpu.memory_space<vmem>>, vector<16xf32>,
    tpu.vector_store %arg7[%swap3A_9], %broadcast_in_dim3A_5 {strides = array<i32>} : memref<2048xf32, #tpu.memory_space<vmem>>, vector<16xf32>,
    %swap3A_11 = arith.constant 48 : index
    %swap3A_12 = tpu.vector_load %arg7[%swap3A_11] {strides = array<i32>} : memref<2048xf32, #tpu.memory_space<vmem>>, vector<16xf32>,
    tpu.vector_store %arg7[%swap3A_11], %broadcast_in_dim3A_5 {strides = array<i32>} : memref<2048xf32, #tpu.memory_space<vmem>>, vector<16xf32>,
    %swap3A_13 = arith.constant 64 : index
    %swap3A_14 = tpu.vector_load %arg7[%swap3A_13] {strides = array<i32>} : memref<2048xf32, #tpu.memory_space<vmem>>, vector<16xf32>,
    tpu.vector_store %arg7[%swap3A_13], %broadcast_in_dim3A_5 {strides = array<i32>} : memref<2048xf32, #tpu.memory_space<vmem>>, vector<16xf32>,
    %swap3A_15 = arith.constant 80 : index
    %swap3A_16 = tpu.vector_load %arg7[%swap3A_15] {strides = array<i32>} : memref<2048xf32, #tpu.memory_space<vmem>>, vector<16xf32>,
    tpu.vector_store %arg7[%swap3A_15], %broadcast_in_dim3A_5 {strides = array<i32>} : memref<2048xf32, #tpu.memory_space<vmem>>, vector<16xf32>,
    %swap3A_17 = arith.constant 96 : index
    %swap3A_18 = tpu.vector_load %arg7[%swap3A_17] {strides = array<i32>} : memref<2048xf32, #tpu.memory_space<vmem>>, vector<16xf32>,
    tpu.vector_store %arg7[%swap3A_17], %broadcast_in_dim3A_5 {strides = array<i32>} : memref<2048xf32, #tpu.memory_space<vmem>>, vector<16xf32>,
    %swap3A_19 = arith.constant 112 : index
    %swap3A_20 = tpu.vector_load %arg7[%swap3A_19] {strides = array<i32>} : memref<2048xf32, #tpu.memory_space<vmem>>, vector<16xf32>,
    tpu.vector_store %arg7[%swap3A_19], %broadcast_in_dim3A_5 {strides = array<i32>} : memref<2048xf32, #tpu.memory_space<vmem>>, vector<16xf32>,
    %swap3A_21 = arith.constant 128 : index
    %swap3A_22 = tpu.vector_load %arg7[%swap3A_21] {strides = array<i32>} : memref<2048xf32, #tpu.memory_space<vmem>>, vector<16xf32>,
    tpu.vector_store %arg7[%swap3A_21], %broadcast_in_dim3A_5 {strides = array<i32>} : memref<2048xf32, #tpu.memory_space<vmem>>, vector<16xf32>,
    %swap3A_23 = arith.constant 144 : index
    %swap3A_24 = tpu.vector_load %arg7[%swap3A_23] {strides = array<i32>} : memref<2048xf32, #tpu.memory_space<vmem>>, vector<16xf32>,
    tpu.vector_store %arg7[%swap3A_23], %broadcast_in_dim3A_5 {strides = array<i32>} : memref<2048xf32, #tpu.memory_space<vmem>>, vector<16xf32>,
    %swap3A_25 = arith.constant 160 : index
    %swap3A_26 = tpu.vector_load %arg7[%swap3A_25] {strides = array<i32>} : memref<2048xf32, #tpu.memory_space<vmem>>, vector<16xf32>,
    tpu.vector_store %arg7[%swap3A_25], %broadcast_in_dim3A_5 {strides = array<i32>} : memref<2048xf32, #tpu.memory_space<vmem>>, vector<16xf32>,
    %swap3A_27 = arith.constant 176 : index
    %swap3A_28 = tpu.vector_load %arg7[%swap3A_27] {strides = array<i32>} : memref<2048xf32, #tpu.memory_space<vmem>>, vector<16xf32>,
    tpu.vector_store %arg7[%swap3A_27], %broadcast_in_dim3A_5 {strides = array<i32>} : memref<2048xf32, #tpu.memory_space<vmem>>, vector<16xf32>,
    %swap3A_29 = arith.constant 192 : index
    %swap3A_30 = tpu.vector_load %arg7[%swap3A_29] {strides = array<i32>} : memref<2048xf32, #tpu.memory_space<vmem>>, vector<16xf32>,
    tpu.vector_store %arg7[%swap3A_29], %broadcast_in_dim3A_5 {strides = array<i32>} : memref<2048xf32, #tpu.memory_space<vmem>>, vector<16xf32>,
    %swap3A_31 = arith.constant 208 : index
    %swap3A_32 = tpu.vector_load %arg7[%swap3A_31] {strides = array<i32>} : memref<2048xf32, #tpu.memory_space<vmem>>, vector<16xf32>,
    tpu.vector_store %arg7[%swap3A_31], %broadcast_in_dim3A_5 {strides = array<i32>} : memref<2048xf32, #tpu.memory_space<vmem>>, vector<16xf32>,
    %swap3A_33 = arith.constant 224 : index
    %swap3A_34 = tpu.vector_load %arg7[%swap3A_33] {strides = array<i32>} : memref<2048xf32, #tpu.memory_space<vmem>>, vector<16xf32>,
    tpu.vector_store %arg7[%swap3A_33], %broadcast_in_dim3A_5 {strides = array<i32>} : memref<2048xf32, #tpu.memory_space<vmem>>, vector<16xf32>,
    %swap3A_35 = arith.constant 240 : index
    %swap3A_36 = tpu.vector_load %arg7[%swap3A_35] {strides = array<i32>} : memref<2048xf32, #tpu.memory_space<vmem>>, vector<16xf32>,
    tpu.vector_store %arg7[%swap3A_35], %broadcast_in_dim3A_5 {strides = array<i32>} : memref<2048xf32, #tpu.memory_space<vmem>>, vector<16xf32>,
    %swap3A_37 = arith.constant 256 : index
    %swap3A_38 = tpu.vector_load %arg7[%swap3A_37] {strides = array<i32>} : memref<2048xf32, #tpu.memory_space<vmem>>, vector<16xf32>,
    tpu.vector_store %arg7[%swap3A_37], %broadcast_in_dim3A_5 {strides = array<i32>} : memref<2048xf32, #tpu.memory_space<vmem>>, vector<16xf32>,
    %swap3A_39 = arith.constant 272 : index
    %swap3A_40 = tpu.vector_load %arg7[%swap3A_39] {strides = array<i32>} : memref<2048xf32, #tpu.memory_space<vmem>>, vector<16xf32>,
    tpu.vector_store %arg7[%swap3A_39], %broadcast_in_dim3A_5 {strides = array<i32>} : memref<2048xf32, #tpu.memory_space<vmem>>, vector<16xf32>,
    %swap3A_41 = arith.constant 288 : index
    %swap3A_42 = tpu.vector_load %arg7[%swap3A_41] {strides = array<i32>} : memref<2048xf32, #tpu.memory_space<vmem>>, vector<16xf32>,
    tpu.vector_store %arg7[%swap3A_41], %broadcast_in_dim3A_5 {strides = array<i32>} : memref<2048xf32, #tpu.memory_space<vmem>>, vector<16xf32>,
    %swap3A_43 = arith.constant 304 : index
    %swap3A_44 = tpu.vector_load %arg7[%swap3A_43] {strides = array<i32>} : memref<2048xf32, #tpu.memory_space<vmem>>, vector<16xf32>,
    tpu.vector_store %arg7[%swap3A_43], %broadcast_in_dim3A_5 {strides = array<i32>} : memref<2048xf32, #tpu.memory_space<vmem>>, vector<16xf32>,
    %swap3A_45 = arith.constant 320 : index
    %swap3A_46 = tpu.vector_load %arg7[%swap3A_45] {strides = array<i32>} : memref<2048xf32, #tpu.memory_space<vmem>>, vector<16xf32>,
    tpu.vector_store %arg7[%swap3A_45], %broadcast_in_dim3A_5 {strides = array<i32>} : memref<2048xf32, #tpu.memory_space<vmem>>, vector<16xf32>,
    %swap3A_47 = arith.constant 336 : index
    %swap3A_48 = tpu.vector_load %arg7[%swap3A_47] {strides = array<i32>} : memref<2048xf32, #tpu.memory_space<vmem>>, vector<16xf32>,
    tpu.vector_store %arg7[%swap3A_47], %broadcast_in_dim3A_5 {strides = array<i32>} : memref<2048xf32, #tpu.memory_space<vmem>>, vector<16xf32>,
    %swap3A_49 = arith.constant 352 : index
    %swap3A_50 = tpu.vector_load %arg7[%swap3A_49] {strides = array<i32>} : memref<2048xf32, #tpu.memory_space<vmem>>, vector<16xf32>,
    tpu.vector_store %arg7[%swap3A_49], %broadcast_in_dim3A_5 {strides = array<i32>} : memref<2048xf32, #tpu.memory_space<vmem>>, vector<16xf32>,
    %swap3A_51 = arith.constant 368 : index
    %swap3A_52 = tpu.vector_load %arg7[%swap3A_51] {strides = array<i32>} : memref<2048xf32, #tpu.memory_space<vmem>>, vector<16xf32>,
    tpu.vector_store %arg7[%swap3A_51], %broadcast_in_dim3A_5 {strides = array<i32>} : memref<2048xf32, #tpu.memory_space<vmem>>, vector<16xf32>,
    %swap3A_53 = arith.constant 384 : index
    %swap3A_54 = tpu.vector_load %arg7[%swap3A_53] {strides = array<i32>} : memref<2048xf32, #tpu.memory_space<vmem>>, vector<16xf32>,
    tpu.vector_store %arg7[%swap3A_53], %broadcast_in_dim3A_5 {strides = array<i32>} : memref<2048xf32, #tpu.memory_space<vmem>>, vector<16xf32>,
    %swap3A_55 = arith.constant 400 : index
    %swap3A_56 = tpu.vector_load %arg7[%swap3A_55] {strides = array<i32>} : memref<2048xf32, #tpu.memory_space<vmem>>, vector<16xf32>,
    tpu.vector_store %arg7[%swap3A_55], %broadcast_in_dim3A_5 {strides = array<i32>} : memref<2048xf32, #tpu.memory_space<vmem>>, vector<16xf32>,
    %swap3A_57 = arith.constant 416 : index
    %swap3A_58 = tpu.vector_load %arg7[%swap3A_57] {strides = array<i32>} : memref<2048xf32, #tpu.memory_space<vmem>>, vector<16xf32>,
    tpu.vector_store %arg7[%swap3A_57], %broadcast_in_dim3A_5 {strides = array<i32>} : memref<2048xf32, #tpu.memory_space<vmem>>, vector<16xf32>,
    %swap3A_59 = arith.constant 432 : index
    %swap3A_60 = tpu.vector_load %arg7[%swap3A_59] {strides = array<i32>} : memref<2048xf32, #tpu.memory_space<vmem>>, vector<16xf32>,
    tpu.vector_store %arg7[%swap3A_59], %broadcast_in_dim3A_5 {strides = array<i32>} : memref<2048xf32, #tpu.memory_space<vmem>>, vector<16xf32>,
    %swap3A_61 = arith.constant 448 : index
    %swap3A_62 = tpu.vector_load %arg7[%swap3A_61] {strides = array<i32>} : memref<2048xf32, #tpu.memory_space<vmem>>, vector<16xf32>,
    tpu.vector_store %arg7[%swap3A_61], %broadcast_in_dim3A_5 {strides = array<i32>} : memref<2048xf32, #tpu.memory_space<vmem>>, vector<16xf32>,
    %swap3A_63 = arith.constant 464 : index
    %swap3A_64 = tpu.vector_load %arg7[%swap3A_63] {strides = array<i32>} : memref<2048xf32, #tpu.memory_space<vmem>>, vector<16xf32>,
    tpu.vector_store %arg7[%swap3A_63], %broadcast_in_dim3A_5 {strides = array<i32>} : memref<2048xf32, #tpu.memory_space<vmem>>, vector<16xf32>,
    %swap3A_65 = arith.constant 480 : index
    %swap3A_66 = tpu.vector_load %arg7[%swap3A_65] {strides = array<i32>} : memref<2048xf32, #tpu.memory_space<vmem>>, vector<16xf32>,
    tpu.vector_store %arg7[%swap3A_65], %broadcast_in_dim3A_5 {strides = array<i32>} : memref<2048xf32, #tpu.memory_space<vmem>>, vector<16xf32>,
    %swap3A_67 = arith.constant 496 : index
    %swap3A_68 = tpu.vector_load %arg7[%swap3A_67] {strides = array<i32>} : memref<2048xf32, #tpu.memory_space<vmem>>, vector<16xf32>,
    tpu.vector_store %arg7[%swap3A_67], %broadcast_in_dim3A_5 {strides = array<i32>} : memref<2048xf32, #tpu.memory_space<vmem>>, vector<16xf32>,
    %swap3A_69 = arith.constant 512 : index
    %swap3A_70 = tpu.vector_load %arg7[%swap3A_69] {strides = array<i32>} : memref<2048xf32, #tpu.memory_space<vmem>>, vector<16xf32>,
    tpu.vector_store %arg7[%swap3A_69], %broadcast_in_dim3A_5 {strides = array<i32>} : memref<2048xf32, #tpu.memory_space<vmem>>, vector<16xf32>,
    %swap3A_71 = arith.constant 528 : index
    %swap3A_72 = tpu.vector_load %arg7[%swap3A_71] {strides = array<i32>} : memref<2048xf32, #tpu.memory_space<vmem>>, vector<16xf32>,
    tpu.vector_store %arg7[%swap3A_71], %broadcast_in_dim3A_5 {strides = array<i32>} : memref<2048xf32, #tpu.memory_space<vmem>>, vector<16xf32>,
    %swap3A_73 = arith.constant 544 : index
    %swap3A_74 = tpu.vector_load %arg7[%swap3A_73] {strides = array<i32>} : memref<2048xf32, #tpu.memory_space<vmem>>, vector<16xf32>,
    tpu.vector_store %arg7[%swap3A_73], %broadcast_in_dim3A_5 {strides = array<i32>} : memref<2048xf32, #tpu.memory_space<vmem>>, vector<16xf32>,
    %swap3A_75 = arith.constant 560 : index
    %swap3A_76 = tpu.vector_load %arg7[%swap3A_75] {strides = array<i32>} : memref<2048xf32, #tpu.memory_space<vmem>>, vector<16xf32>,
    tpu.vector_store %arg7[%swap3A_75], %broadcast_in_dim3A_5 {strides = array<i32>} : memref<2048xf32, #tpu.memory_space<vmem>>, vector<16xf32>,
    %swap3A_77 = arith.constant 576 : index
    %swap3A_78 = tpu.vector_load %arg7[%swap3A_77] {strides = array<i32>} : memref<2048xf32, #tpu.memory_space<vmem>>, vector<16xf32>,
    tpu.vector_store %arg7[%swap3A_77], %broadcast_in_dim3A_5 {strides = array<i32>} : memref<2048xf32, #tpu.memory_space<vmem>>, vector<16xf32>,
    %swap3A_79 = arith.constant 592 : index
    %swap3A_80 = tpu.vector_load %arg7[%swap3A_79] {strides = array<i32>} : memref<2048xf32, #tpu.memory_space<vmem>>, vector<16xf32>,
    tpu.vector_store %arg7[%swap3A_79], %broadcast_in_dim3A_5 {strides = array<i32>} : memref<2048xf32, #tpu.memory_space<vmem>>, vector<16xf32>,
    %swap3A_81 = arith.constant 608 : index
    %swap3A_82 = tpu.vector_load %arg7[%swap3A_81] {strides = array<i32>} : memref<2048xf32, #tpu.memory_space<vmem>>, vector<16xf32>,
    tpu.vector_store %arg7[%swap3A_81], %broadcast_in_dim3A_5 {strides = array<i32>} : memref<2048xf32, #tpu.memory_space<vmem>>, vector<16xf32>,
    %swap3A_83 = arith.constant 624 : index
    %swap3A_84 = tpu.vector_load %arg7[%swap3A_83] {strides = array<i32>} : memref<2048xf32, #tpu.memory_space<vmem>>, vector<16xf32>,
    tpu.vector_store %arg7[%swap3A_83], %broadcast_in_dim3A_5 {strides = array<i32>} : memref<2048xf32, #tpu.memory_space<vmem>>, vector<16xf32>,
    %swap3A_85 = arith.constant 640 : index
    %swap3A_86 = tpu.vector_load %arg7[%swap3A_85] {strides = array<i32>} : memref<2048xf32, #tpu.memory_space<vmem>>, vector<16xf32>,
    tpu.vector_store %arg7[%swap3A_85], %broadcast_in_dim3A_5 {strides = array<i32>} : memref<2048xf32, #tpu.memory_space<vmem>>, vector<16xf32>,
    %swap3A_87 = arith.constant 656 : index
    %swap3A_88 = tpu.vector_load %arg7[%swap3A_87] {strides = array<i32>} : memref<2048xf32, #tpu.memory_space<vmem>>, vector<16xf32>,
    tpu.vector_store %arg7[%swap3A_87], %broadcast_in_dim3A_5 {strides = array<i32>} : memref<2048xf32, #tpu.memory_space<vmem>>, vector<16xf32>,
    %swap3A_89 = arith.constant 672 : index
    %swap3A_90 = tpu.vector_load %arg7[%swap3A_89] {strides = array<i32>} : memref<2048xf32, #tpu.memory_space<vmem>>, vector<16xf32>,
    tpu.vector_store %arg7[%swap3A_89], %broadcast_in_dim3A_5 {strides = array<i32>} : memref<2048xf32, #tpu.memory_space<vmem>>, vector<16xf32>,
    %swap3A_91 = arith.constant 688 : index
    %swap3A_92 = tpu.vector_load %arg7[%swap3A_91] {strides = array<i32>} : memref<2048xf32, #tpu.memory_space<vmem>>, vector<16xf32>,
    tpu.vector_store %arg7[%swap3A_91], %broadcast_in_dim3A_5 {strides = array<i32>} : memref<2048xf32, #tpu.memory_space<vmem>>, vector<16xf32>,
    %swap3A_93 = arith.constant 704 : index
    %swap3A_94 = tpu.vector_load %arg7[%swap3A_93] {strides = array<i32>} : memref<2048xf32, #tpu.memory_space<vmem>>, vector<16xf32>,
    tpu.vector_store %arg7[%swap3A_93], %broadcast_in_dim3A_5 {strides = array<i32>} : memref<2048xf32, #tpu.memory_space<vmem>>, vector<16xf32>,
    %swap3A_95 = arith.constant 720 : index
    %swap3A_96 = tpu.vector_load %arg7[%swap3A_95] {strides = array<i32>} : memref<2048xf32, #tpu.memory_space<vmem>>, vector<16xf32>,
    tpu.vector_store %arg7[%swap3A_95], %broadcast_in_dim3A_5 {strides = array<i32>} : memref<2048xf32, #tpu.memory_space<vmem>>, vector<16xf32>,
    %swap3A_97 = arith.constant 736 : index
    %swap3A_98 = tpu.vector_load %arg7[%swap3A_97] {strides = array<i32>} : memref<2048xf32, #tpu.memory_space<vmem>>, vector<16xf32>,
    tpu.vector_store %arg7[%swap3A_97], %broadcast_in_dim3A_5 {strides = array<i32>} : memref<2048xf32, #tpu.memory_space<vmem>>, vector<16xf32>,
    %swap3A_99 = arith.constant 752 : index
    %swap3A_100 = tpu.vector_load %arg7[%swap3A_99] {strides = array<i32>} : memref<2048xf32, #tpu.memory_space<vmem>>, vector<16xf32>,
    tpu.vector_store %arg7[%swap3A_99], %broadcast_in_dim3A_5 {strides = array<i32>} : memref<2048xf32, #tpu.memory_space<vmem>>, vector<16xf32>,
    %swap3A_101 = arith.constant 768 : index
    %swap3A_102 = tpu.vector_load %arg7[%swap3A_101] {strides = array<i32>} : memref<2048xf32, #tpu.memory_space<vmem>>, vector<16xf32>,
    tpu.vector_store %arg7[%swap3A_101], %broadcast_in_dim3A_5 {strides = array<i32>} : memref<2048xf32, #tpu.memory_space<vmem>>, vector<16xf32>,
    %swap3A_103 = arith.constant 784 : index
    %swap3A_104 = tpu.vector_load %arg7[%swap3A_103] {strides = array<i32>} : memref<2048xf32, #tpu.memory_space<vmem>>, vector<16xf32>,
    tpu.vector_store %arg7[%swap3A_103], %broadcast_in_dim3A_5 {strides = array<i32>} : memref<2048xf32, #tpu.memory_space<vmem>>, vector<16xf32>,
    %swap3A_105 = arith.constant 800 : index
    %swap3A_106 = tpu.vector_load %arg7[%swap3A_105] {strides = array<i32>} : memref<2048xf32, #tpu.memory_space<vmem>>, vector<16xf32>,
    tpu.vector_store %arg7[%swap3A_105], %broadcast_in_dim3A_5 {strides = array<i32>} : memref<2048xf32, #tpu.memory_space<vmem>>, vector<16xf32>,
    %swap3A_107 = arith.constant 816 : index
    %swap3A_108 = tpu.vector_load %arg7[%swap3A_107] {strides = array<i32>} : memref<2048xf32, #tpu.memory_space<vmem>>, vector<16xf32>,
    tpu.vector_store %arg7[%swap3A_107], %broadcast_in_dim3A_5 {strides = array<i32>} : memref<2048xf32, #tpu.memory_space<vmem>>, vector<16xf32>,
    %swap3A_109 = arith.constant 832 : index
    %swap3A_110 = tpu.vector_load %arg7[%swap3A_109] {strides = array<i32>} : memref<2048xf32, #tpu.memory_space<vmem>>, vector<16xf32>,
    tpu.vector_store %arg7[%swap3A_109], %broadcast_in_dim3A_5 {strides = array<i32>} : memref<2048xf32, #tpu.memory_space<vmem>>, vector<16xf32>,
    %swap3A_111 = arith.constant 848 : index
    %swap3A_112 = tpu.vector_load %arg7[%swap3A_111] {strides = array<i32>} : memref<2048xf32, #tpu.memory_space<vmem>>, vector<16xf32>,
    tpu.vector_store %arg7[%swap3A_111], %broadcast_in_dim3A_5 {strides = array<i32>} : memref<2048xf32, #tpu.memory_space<vmem>>, vector<16xf32>,
    %swap3A_113 = arith.constant 864 : index
    %swap3A_114 = tpu.vector_load %arg7[%swap3A_113] {strides = array<i32>} : memref<2048xf32, #tpu.memory_space<vmem>>, vector<16xf32>,
    tpu.vector_store %arg7[%swap3A_113], %broadcast_in_dim3A_5 {strides = array<i32>} : memref<2048xf32, #tpu.memory_space<vmem>>, vector<16xf32>,
    %swap3A_115 = arith.constant 880 : index
    %swap3A_116 = tpu.vector_load %arg7[%swap3A_115] {strides = array<i32>} : memref<2048xf32, #tpu.memory_space<vmem>>, vector<16xf32>,
    tpu.vector_store %arg7[%swap3A_115], %broadcast_in_dim3A_5 {strides = array<i32>} : memref<2048xf32, #tpu.memory_space<vmem>>, vector<16xf32>,
    %swap3A_117 = arith.constant 896 : index
    %swap3A_118 = tpu.vector_load %arg7[%swap3A_117] {strides = array<i32>} : memref<2048xf32, #tpu.memory_space<vmem>>, vector<16xf32>,
    tpu.vector_store %arg7[%swap3A_117], %broadcast_in_dim3A_5 {strides = array<i32>} : memref<2048xf32, #tpu.memory_space<vmem>>, vector<16xf32>,
    %swap3A_119 = arith.constant 912 : index
    %swap3A_120 = tpu.vector_load %arg7[%swap3A_119] {strides = array<i32>} : memref<2048xf32, #tpu.memory_space<vmem>>, vector<16xf32>,
    tpu.vector_store %arg7[%swap3A_119], %broadcast_in_dim3A_5 {strides = array<i32>} : memref<2048xf32, #tpu.memory_space<vmem>>, vector<16xf32>,
    %swap3A_121 = arith.constant 928 : index
    %swap3A_122 = tpu.vector_load %arg7[%swap3A_121] {strides = array<i32>} : memref<2048xf32, #tpu.memory_space<vmem>>, vector<16xf32>,
    tpu.vector_store %arg7[%swap3A_121], %broadcast_in_dim3A_5 {strides = array<i32>} : memref<2048xf32, #tpu.memory_space<vmem>>, vector<16xf32>,
    %swap3A_123 = arith.constant 944 : index
    %swap3A_124 = tpu.vector_load %arg7[%swap3A_123] {strides = array<i32>} : memref<2048xf32, #tpu.memory_space<vmem>>, vector<16xf32>,
    tpu.vector_store %arg7[%swap3A_123], %broadcast_in_dim3A_5 {strides = array<i32>} : memref<2048xf32, #tpu.memory_space<vmem>>, vector<16xf32>,
    %swap3A_125 = arith.constant 960 : index
    %swap3A_126 = tpu.vector_load %arg7[%swap3A_125] {strides = array<i32>} : memref<2048xf32, #tpu.memory_space<vmem>>, vector<16xf32>,
    tpu.vector_store %arg7[%swap3A_125], %broadcast_in_dim3A_5 {strides = array<i32>} : memref<2048xf32, #tpu.memory_space<vmem>>, vector<16xf32>,
    %swap3A_127 = arith.constant 976 : index
    %swap3A_128 = tpu.vector_load %arg7[%swap3A_127] {strides = array<i32>} : memref<2048xf32, #tpu.memory_space<vmem>>, vector<16xf32>,
    tpu.vector_store %arg7[%swap3A_127], %broadcast_in_dim3A_5 {strides = array<i32>} : memref<2048xf32, #tpu.memory_space<vmem>>, vector<16xf32>,
    %swap3A_129 = arith.constant 992 : index
    %swap3A_130 = tpu.vector_load %arg7[%swap3A_129] {strides = array<i32>} : memref<2048xf32, #tpu.memory_space<vmem>>, vector<16xf32>,
    tpu.vector_store %arg7[%swap3A_129], %broadcast_in_dim3A_5 {strides = array<i32>} : memref<2048xf32, #tpu.memory_space<vmem>>, vector<16xf32>,
    %swap3A_131 = arith.constant 1008 : index
    %swap3A_132 = tpu.vector_load %arg7[%swap3A_131] {strides = array<i32>} : memref<2048xf32, #tpu.memory_space<vmem>>, vector<16xf32>,
    tpu.vector_store %arg7[%swap3A_131], %broadcast_in_dim3A_5 {strides = array<i32>} : memref<2048xf32, #tpu.memory_space<vmem>>, vector<16xf32>,
    %swap3A_133 = arith.constant 1024 : index
    %swap3A_134 = tpu.vector_load %arg7[%swap3A_133] {strides = array<i32>} : memref<2048xf32, #tpu.memory_space<vmem>>, vector<16xf32>,
    tpu.vector_store %arg7[%swap3A_133], %broadcast_in_dim3A_5 {strides = array<i32>} : memref<2048xf32, #tpu.memory_space<vmem>>, vector<16xf32>,
    %swap3A_135 = arith.constant 1040 : index
    %swap3A_136 = tpu.vector_load %arg7[%swap3A_135] {strides = array<i32>} : memref<2048xf32, #tpu.memory_space<vmem>>, vector<16xf32>,
    tpu.vector_store %arg7[%swap3A_135], %broadcast_in_dim3A_5 {strides = array<i32>} : memref<2048xf32, #tpu.memory_space<vmem>>, vector<16xf32>,
    %swap3A_137 = arith.constant 1056 : index
    %swap3A_138 = tpu.vector_load %arg7[%swap3A_137] {strides = array<i32>} : memref<2048xf32, #tpu.memory_space<vmem>>, vector<16xf32>,
    tpu.vector_store %arg7[%swap3A_137], %broadcast_in_dim3A_5 {strides = array<i32>} : memref<2048xf32, #tpu.memory_space<vmem>>, vector<16xf32>,
    %swap3A_139 = arith.constant 1072 : index
    %swap3A_140 = tpu.vector_load %arg7[%swap3A_139] {strides = array<i32>} : memref<2048xf32, #tpu.memory_space<vmem>>, vector<16xf32>,
    tpu.vector_store %arg7[%swap3A_139], %broadcast_in_dim3A_5 {strides = array<i32>} : memref<2048xf32, #tpu.memory_space<vmem>>, vector<16xf32>,
    %swap3A_141 = arith.constant 1088 : index
    %swap3A_142 = tpu.vector_load %arg7[%swap3A_141] {strides = array<i32>} : memref<2048xf32, #tpu.memory_space<vmem>>, vector<16xf32>,
    tpu.vector_store %arg7[%swap3A_141], %broadcast_in_dim3A_5 {strides = array<i32>} : memref<2048xf32, #tpu.memory_space<vmem>>, vector<16xf32>,
    %swap3A_143 = arith.constant 1104 : index
    %swap3A_144 = tpu.vector_load %arg7[%swap3A_143] {strides = array<i32>} : memref<2048xf32, #tpu.memory_space<vmem>>, vector<16xf32>,
    tpu.vector_store %arg7[%swap3A_143], %broadcast_in_dim3A_5 {strides = array<i32>} : memref<2048xf32, #tpu.memory_space<vmem>>, vector<16xf32>,
    %swap3A_145 = arith.constant 1120 : index
    %swap3A_146 = tpu.vector_load %arg7[%swap3A_145] {strides = array<i32>} : memref<2048xf32, #tpu.memory_space<vmem>>, vector<16xf32>,
    tpu.vector_store %arg7[%swap3A_145], %broadcast_in_dim3A_5 {strides = array<i32>} : memref<2048xf32, #tpu.memory_space<vmem>>, vector<16xf32>,
    %swap3A_147 = arith.constant 1136 : index
    %swap3A_148 = tpu.vector_load %arg7[%swap3A_147] {strides = array<i32>} : memref<2048xf32, #tpu.memory_space<vmem>>, vector<16xf32>,
    tpu.vector_store %arg7[%swap3A_147], %broadcast_in_dim3A_5 {strides = array<i32>} : memref<2048xf32, #tpu.memory_space<vmem>>, vector<16xf32>,
    %swap3A_149 = arith.constant 1152 : index
    %swap3A_150 = tpu.vector_load %arg7[%swap3A_149] {strides = array<i32>} : memref<2048xf32, #tpu.memory_space<vmem>>, vector<16xf32>,
    tpu.vector_store %arg7[%swap3A_149], %broadcast_in_dim3A_5 {strides = array<i32>} : memref<2048xf32, #tpu.memory_space<vmem>>, vector<16xf32>,
    %swap3A_151 = arith.constant 1168 : index
    %swap3A_152 = tpu.vector_load %arg7[%swap3A_151] {strides = array<i32>} : memref<2048xf32, #tpu.memory_space<vmem>>, vector<16xf32>,
    tpu.vector_store %arg7[%swap3A_151], %broadcast_in_dim3A_5 {strides = array<i32>} : memref<2048xf32, #tpu.memory_space<vmem>>, vector<16xf32>,
    %swap3A_153 = arith.constant 1184 : index
    %swap3A_154 = tpu.vector_load %arg7[%swap3A_153] {strides = array<i32>} : memref<2048xf32, #tpu.memory_space<vmem>>, vector<16xf32>,
    tpu.vector_store %arg7[%swap3A_153], %broadcast_in_dim3A_5 {strides = array<i32>} : memref<2048xf32, #tpu.memory_space<vmem>>, vector<16xf32>,
    %swap3A_155 = arith.constant 1200 : index
    %swap3A_156 = tpu.vector_load %arg7[%swap3A_155] {strides = array<i32>} : memref<2048xf32, #tpu.memory_space<vmem>>, vector<16xf32>,
    tpu.vector_store %arg7[%swap3A_155], %broadcast_in_dim3A_5 {strides = array<i32>} : memref<2048xf32, #tpu.memory_space<vmem>>, vector<16xf32>,
    %swap3A_157 = arith.constant 1216 : index
    %swap3A_158 = tpu.vector_load %arg7[%swap3A_157] {strides = array<i32>} : memref<2048xf32, #tpu.memory_space<vmem>>, vector<16xf32>,
    tpu.vector_store %arg7[%swap3A_157], %broadcast_in_dim3A_5 {strides = array<i32>} : memref<2048xf32, #tpu.memory_space<vmem>>, vector<16xf32>,
    %swap3A_159 = arith.constant 1232 : index
    %swap3A_160 = tpu.vector_load %arg7[%swap3A_159] {strides = array<i32>} : memref<2048xf32, #tpu.memory_space<vmem>>, vector<16xf32>,
    tpu.vector_store %arg7[%swap3A_159], %broadcast_in_dim3A_5 {strides = array<i32>} : memref<2048xf32, #tpu.memory_space<vmem>>, vector<16xf32>,
    %swap3A_161 = arith.constant 1248 : index
    %swap3A_162 = tpu.vector_load %arg7[%swap3A_161] {strides = array<i32>} : memref<2048xf32, #tpu.memory_space<vmem>>, vector<16xf32>,
    tpu.vector_store %arg7[%swap3A_161], %broadcast_in_dim3A_5 {strides = array<i32>} : memref<2048xf32, #tpu.memory_space<vmem>>, vector<16xf32>,
    %swap3A_163 = arith.constant 1264 : index
    %swap3A_164 = tpu.vector_load %arg7[%swap3A_163] {strides = array<i32>} : memref<2048xf32, #tpu.memory_space<vmem>>, vector<16xf32>,
    tpu.vector_store %arg7[%swap3A_163], %broadcast_in_dim3A_5 {strides = array<i32>} : memref<2048xf32, #tpu.memory_space<vmem>>, vector<16xf32>,
    %swap3A_165 = arith.constant 1280 : index
    %swap3A_166 = tpu.vector_load %arg7[%swap3A_165] {strides = array<i32>} : memref<2048xf32, #tpu.memory_space<vmem>>, vector<16xf32>,
    tpu.vector_store %arg7[%swap3A_165], %broadcast_in_dim3A_5 {strides = array<i32>} : memref<2048xf32, #tpu.memory_space<vmem>>, vector<16xf32>,
    %swap3A_167 = arith.constant 1296 : index
    %swap3A_168 = tpu.vector_load %arg7[%swap3A_167] {strides = array<i32>} : memref<2048xf32, #tpu.memory_space<vmem>>, vector<16xf32>,
    tpu.vector_store %arg7[%swap3A_167], %broadcast_in_dim3A_5 {strides = array<i32>} : memref<2048xf32, #tpu.memory_space<vmem>>, vector<16xf32>,
    %swap3A_169 = arith.constant 1312 : index
    %swap3A_170 = tpu.vector_load %arg7[%swap3A_169] {strides = array<i32>} : memref<2048xf32, #tpu.memory_space<vmem>>, vector<16xf32>,
    tpu.vector_store %arg7[%swap3A_169], %broadcast_in_dim3A_5 {strides = array<i32>} : memref<2048xf32, #tpu.memory_space<vmem>>, vector<16xf32>,
    %swap3A_171 = arith.constant 1328 : index
    %swap3A_172 = tpu.vector_load %arg7[%swap3A_171] {strides = array<i32>} : memref<2048xf32, #tpu.memory_space<vmem>>, vector<16xf32>,
    tpu.vector_store %arg7[%swap3A_171], %broadcast_in_dim3A_5 {strides = array<i32>} : memref<2048xf32, #tpu.memory_space<vmem>>, vector<16xf32>,
    %swap3A_173 = arith.constant 1344 : index
    %swap3A_174 = tpu.vector_load %arg7[%swap3A_173] {strides = array<i32>} : memref<2048xf32, #tpu.memory_space<vmem>>, vector<16xf32>,
    tpu.vector_store %arg7[%swap3A_173], %broadcast_in_dim3A_5 {strides = array<i32>} : memref<2048xf32, #tpu.memory_space<vmem>>, vector<16xf32>,
    %swap3A_175 = arith.constant 1360 : index
    %swap3A_176 = tpu.vector_load %arg7[%swap3A_175] {strides = array<i32>} : memref<2048xf32, #tpu.memory_space<vmem>>, vector<16xf32>,
    tpu.vector_store %arg7[%swap3A_175], %broadcast_in_dim3A_5 {strides = array<i32>} : memref<2048xf32, #tpu.memory_space<vmem>>, vector<16xf32>,
    %swap3A_177 = arith.constant 1376 : index
    %swap3A_178 = tpu.vector_load %arg7[%swap3A_177] {strides = array<i32>} : memref<2048xf32, #tpu.memory_space<vmem>>, vector<16xf32>,
    tpu.vector_store %arg7[%swap3A_177], %broadcast_in_dim3A_5 {strides = array<i32>} : memref<2048xf32, #tpu.memory_space<vmem>>, vector<16xf32>,
    %swap3A_179 = arith.constant 1392 : index
    %swap3A_180 = tpu.vector_load %arg7[%swap3A_179] {strides = array<i32>} : memref<2048xf32, #tpu.memory_space<vmem>>, vector<16xf32>,
    tpu.vector_store %arg7[%swap3A_179], %broadcast_in_dim3A_5 {strides = array<i32>} : memref<2048xf32, #tpu.memory_space<vmem>>, vector<16xf32>,
    %swap3A_181 = arith.constant 1408 : index
    %swap3A_182 = tpu.vector_load %arg7[%swap3A_181] {strides = array<i32>} : memref<2048xf32, #tpu.memory_space<vmem>>, vector<16xf32>,
    tpu.vector_store %arg7[%swap3A_181], %broadcast_in_dim3A_5 {strides = array<i32>} : memref<2048xf32, #tpu.memory_space<vmem>>, vector<16xf32>,
    %swap3A_183 = arith.constant 1424 : index
    %swap3A_184 = tpu.vector_load %arg7[%swap3A_183] {strides = array<i32>} : memref<2048xf32, #tpu.memory_space<vmem>>, vector<16xf32>,
    tpu.vector_store %arg7[%swap3A_183], %broadcast_in_dim3A_5 {strides = array<i32>} : memref<2048xf32, #tpu.memory_space<vmem>>, vector<16xf32>,
    %swap3A_185 = arith.constant 1440 : index
    %swap3A_186 = tpu.vector_load %arg7[%swap3A_185] {strides = array<i32>} : memref<2048xf32, #tpu.memory_space<vmem>>, vector<16xf32>,
    tpu.vector_store %arg7[%swap3A_185], %broadcast_in_dim3A_5 {strides = array<i32>} : memref<2048xf32, #tpu.memory_space<vmem>>, vector<16xf32>,
    %swap3A_187 = arith.constant 1456 : index
    %swap3A_188 = tpu.vector_load %arg7[%swap3A_187] {strides = array<i32>} : memref<2048xf32, #tpu.memory_space<vmem>>, vector<16xf32>,
    tpu.vector_store %arg7[%swap3A_187], %broadcast_in_dim3A_5 {strides = array<i32>} : memref<2048xf32, #tpu.memory_space<vmem>>, vector<16xf32>,
    %swap3A_189 = arith.constant 1472 : index
    %swap3A_190 = tpu.vector_load %arg7[%swap3A_189] {strides = array<i32>} : memref<2048xf32, #tpu.memory_space<vmem>>, vector<16xf32>,
    tpu.vector_store %arg7[%swap3A_189], %broadcast_in_dim3A_5 {strides = array<i32>} : memref<2048xf32, #tpu.memory_space<vmem>>, vector<16xf32>,
    %swap3A_191 = arith.constant 1488 : index
    %swap3A_192 = tpu.vector_load %arg7[%swap3A_191] {strides = array<i32>} : memref<2048xf32, #tpu.memory_space<vmem>>, vector<16xf32>,
    tpu.vector_store %arg7[%swap3A_191], %broadcast_in_dim3A_5 {strides = array<i32>} : memref<2048xf32, #tpu.memory_space<vmem>>, vector<16xf32>,
    %swap3A_193 = arith.constant 1504 : index
    %swap3A_194 = tpu.vector_load %arg7[%swap3A_193] {strides = array<i32>} : memref<2048xf32, #tpu.memory_space<vmem>>, vector<16xf32>,
    tpu.vector_store %arg7[%swap3A_193], %broadcast_in_dim3A_5 {strides = array<i32>} : memref<2048xf32, #tpu.memory_space<vmem>>, vector<16xf32>,
    %swap3A_195 = arith.constant 1520 : index
    %swap3A_196 = tpu.vector_load %arg7[%swap3A_195] {strides = array<i32>} : memref<2048xf32, #tpu.memory_space<vmem>>, vector<16xf32>,
    tpu.vector_store %arg7[%swap3A_195], %broadcast_in_dim3A_5 {strides = array<i32>} : memref<2048xf32, #tpu.memory_space<vmem>>, vector<16xf32>,
    %swap3A_197 = arith.constant 1536 : index
    %swap3A_198 = tpu.vector_load %arg7[%swap3A_197] {strides = array<i32>} : memref<2048xf32, #tpu.memory_space<vmem>>, vector<16xf32>,
    tpu.vector_store %arg7[%swap3A_197], %broadcast_in_dim3A_5 {strides = array<i32>} : memref<2048xf32, #tpu.memory_space<vmem>>, vector<16xf32>,
    %swap3A_199 = arith.constant 1552 : index
    %swap3A_200 = tpu.vector_load %arg7[%swap3A_199] {strides = array<i32>} : memref<2048xf32, #tpu.memory_space<vmem>>, vector<16xf32>,
    tpu.vector_store %arg7[%swap3A_199], %broadcast_in_dim3A_5 {strides = array<i32>} : memref<2048xf32, #tpu.memory_space<vmem>>, vector<16xf32>,
    %swap3A_201 = arith.constant 1568 : index
    %swap3A_202 = tpu.vector_load %arg7[%swap3A_201] {strides = array<i32>} : memref<2048xf32, #tpu.memory_space<vmem>>, vector<16xf32>,
    tpu.vector_store %arg7[%swap3A_201], %broadcast_in_dim3A_5 {strides = array<i32>} : memref<2048xf32, #tpu.memory_space<vmem>>, vector<16xf32>,
    %swap3A_203 = arith.constant 1584 : index
    %swap3A_204 = tpu.vector_load %arg7[%swap3A_203] {strides = array<i32>} : memref<2048xf32, #tpu.memory_space<vmem>>, vector<16xf32>,
    tpu.vector_store %arg7[%swap3A_203], %broadcast_in_dim3A_5 {strides = array<i32>} : memref<2048xf32, #tpu.memory_space<vmem>>, vector<16xf32>,
    %swap3A_205 = arith.constant 1600 : index
    %swap3A_206 = tpu.vector_load %arg7[%swap3A_205] {strides = array<i32>} : memref<2048xf32, #tpu.memory_space<vmem>>, vector<16xf32>,
    tpu.vector_store %arg7[%swap3A_205], %broadcast_in_dim3A_5 {strides = array<i32>} : memref<2048xf32, #tpu.memory_space<vmem>>, vector<16xf32>,
    %swap3A_207 = arith.constant 1616 : index
    %swap3A_208 = tpu.vector_load %arg7[%swap3A_207] {strides = array<i32>} : memref<2048xf32, #tpu.memory_space<vmem>>, vector<16xf32>,
    tpu.vector_store %arg7[%swap3A_207], %broadcast_in_dim3A_5 {strides = array<i32>} : memref<2048xf32, #tpu.memory_space<vmem>>, vector<16xf32>,
    %swap3A_209 = arith.constant 1632 : index
    %swap3A_210 = tpu.vector_load %arg7[%swap3A_209] {strides = array<i32>} : memref<2048xf32, #tpu.memory_space<vmem>>, vector<16xf32>,
    tpu.vector_store %arg7[%swap3A_209], %broadcast_in_dim3A_5 {strides = array<i32>} : memref<2048xf32, #tpu.memory_space<vmem>>, vector<16xf32>,
    %swap3A_211 = arith.constant 1648 : index
    %swap3A_212 = tpu.vector_load %arg7[%swap3A_211] {strides = array<i32>} : memref<2048xf32, #tpu.memory_space<vmem>>, vector<16xf32>,
    tpu.vector_store %arg7[%swap3A_211], %broadcast_in_dim3A_5 {strides = array<i32>} : memref<2048xf32, #tpu.memory_space<vmem>>, vector<16xf32>,
    %swap3A_213 = arith.constant 1664 : index
    %swap3A_214 = tpu.vector_load %arg7[%swap3A_213] {strides = array<i32>} : memref<2048xf32, #tpu.memory_space<vmem>>, vector<16xf32>,
    tpu.vector_store %arg7[%swap3A_213], %broadcast_in_dim3A_5 {strides = array<i32>} : memref<2048xf32, #tpu.memory_space<vmem>>, vector<16xf32>,
    %swap3A_215 = arith.constant 1680 : index
    %swap3A_216 = tpu.vector_load %arg7[%swap3A_215] {strides = array<i32>} : memref<2048xf32, #tpu.memory_space<vmem>>, vector<16xf32>,
    tpu.vector_store %arg7[%swap3A_215], %broadcast_in_dim3A_5 {strides = array<i32>} : memref<2048xf32, #tpu.memory_space<vmem>>, vector<16xf32>,
    %swap3A_217 = arith.constant 1696 : index
    %swap3A_218 = tpu.vector_load %arg7[%swap3A_217] {strides = array<i32>} : memref<2048xf32, #tpu.memory_space<vmem>>, vector<16xf32>,
    tpu.vector_store %arg7[%swap3A_217], %broadcast_in_dim3A_5 {strides = array<i32>} : memref<2048xf32, #tpu.memory_space<vmem>>, vector<16xf32>,
    %swap3A_219 = arith.constant 1712 : index
    %swap3A_220 = tpu.vector_load %arg7[%swap3A_219] {strides = array<i32>} : memref<2048xf32, #tpu.memory_space<vmem>>, vector<16xf32>,
    tpu.vector_store %arg7[%swap3A_219], %broadcast_in_dim3A_5 {strides = array<i32>} : memref<2048xf32, #tpu.memory_space<vmem>>, vector<16xf32>,
    %swap3A_221 = arith.constant 1728 : index
    %swap3A_222 = tpu.vector_load %arg7[%swap3A_221] {strides = array<i32>} : memref<2048xf32, #tpu.memory_space<vmem>>, vector<16xf32>,
    tpu.vector_store %arg7[%swap3A_221], %broadcast_in_dim3A_5 {strides = array<i32>} : memref<2048xf32, #tpu.memory_space<vmem>>, vector<16xf32>,
    %swap3A_223 = arith.constant 1744 : index
    %swap3A_224 = tpu.vector_load %arg7[%swap3A_223] {strides = array<i32>} : memref<2048xf32, #tpu.memory_space<vmem>>, vector<16xf32>,
    tpu.vector_store %arg7[%swap3A_223], %broadcast_in_dim3A_5 {strides = array<i32>} : memref<2048xf32, #tpu.memory_space<vmem>>, vector<16xf32>,
    %swap3A_225 = arith.constant 1760 : index
    %swap3A_226 = tpu.vector_load %arg7[%swap3A_225] {strides = array<i32>} : memref<2048xf32, #tpu.memory_space<vmem>>, vector<16xf32>,
    tpu.vector_store %arg7[%swap3A_225], %broadcast_in_dim3A_5 {strides = array<i32>} : memref<2048xf32, #tpu.memory_space<vmem>>, vector<16xf32>,
    %swap3A_227 = arith.constant 1776 : index
    %swap3A_228 = tpu.vector_load %arg7[%swap3A_227] {strides = array<i32>} : memref<2048xf32, #tpu.memory_space<vmem>>, vector<16xf32>,
    tpu.vector_store %arg7[%swap3A_227], %broadcast_in_dim3A_5 {strides = array<i32>} : memref<2048xf32, #tpu.memory_space<vmem>>, vector<16xf32>,
    %swap3A_229 = arith.constant 1792 : index
    %swap3A_230 = tpu.vector_load %arg7[%swap3A_229] {strides = array<i32>} : memref<2048xf32, #tpu.memory_space<vmem>>, vector<16xf32>,
    tpu.vector_store %arg7[%swap3A_229], %broadcast_in_dim3A_5 {strides = array<i32>} : memref<2048xf32, #tpu.memory_space<vmem>>, vector<16xf32>,
    %swap3A_231 = arith.constant 1808 : index
    %swap3A_232 = tpu.vector_load %arg7[%swap3A_231] {strides = array<i32>} : memref<2048xf32, #tpu.memory_space<vmem>>, vector<16xf32>,
    tpu.vector_store %arg7[%swap3A_231], %broadcast_in_dim3A_5 {strides = array<i32>} : memref<2048xf32, #tpu.memory_space<vmem>>, vector<16xf32>,
    %swap3A_233 = arith.constant 1824 : index
    %swap3A_234 = tpu.vector_load %arg7[%swap3A_233] {strides = array<i32>} : memref<2048xf32, #tpu.memory_space<vmem>>, vector<16xf32>,
    tpu.vector_store %arg7[%swap3A_233], %broadcast_in_dim3A_5 {strides = array<i32>} : memref<2048xf32, #tpu.memory_space<vmem>>, vector<16xf32>,
    %swap3A_235 = arith.constant 1840 : index
    %swap3A_236 = tpu.vector_load %arg7[%swap3A_235] {strides = array<i32>} : memref<2048xf32, #tpu.memory_space<vmem>>, vector<16xf32>,
    tpu.vector_store %arg7[%swap3A_235], %broadcast_in_dim3A_5 {strides = array<i32>} : memref<2048xf32, #tpu.memory_space<vmem>>, vector<16xf32>,
    %swap3A_237 = arith.constant 1856 : index
    %swap3A_238 = tpu.vector_load %arg7[%swap3A_237] {strides = array<i32>} : memref<2048xf32, #tpu.memory_space<vmem>>, vector<16xf32>,
    tpu.vector_store %arg7[%swap3A_237], %broadcast_in_dim3A_5 {strides = array<i32>} : memref<2048xf32, #tpu.memory_space<vmem>>, vector<16xf32>,
    %swap3A_239 = arith.constant 1872 : index
    %swap3A_240 = tpu.vector_load %arg7[%swap3A_239] {strides = array<i32>} : memref<2048xf32, #tpu.memory_space<vmem>>, vector<16xf32>,
    tpu.vector_store %arg7[%swap3A_239], %broadcast_in_dim3A_5 {strides = array<i32>} : memref<2048xf32, #tpu.memory_space<vmem>>, vector<16xf32>,
    %swap3A_241 = arith.constant 1888 : index
    %swap3A_242 = tpu.vector_load %arg7[%swap3A_241] {strides = array<i32>} : memref<2048xf32, #tpu.memory_space<vmem>>, vector<16xf32>,
    tpu.vector_store %arg7[%swap3A_241], %broadcast_in_dim3A_5 {strides = array<i32>} : memref<2048xf32, #tpu.memory_space<vmem>>, vector<16xf32>,
    %swap3A_243 = arith.constant 1904 : index
    %swap3A_244 = tpu.vector_load %arg7[%swap3A_243] {strides = array<i32>} : memref<2048xf32, #tpu.memory_space<vmem>>, vector<16xf32>,
    tpu.vector_store %arg7[%swap3A_243], %broadcast_in_dim3A_5 {strides = array<i32>} : memref<2048xf32, #tpu.memory_space<vmem>>, vector<16xf32>,
    %swap3A_245 = arith.constant 1920 : index
    %swap3A_246 = tpu.vector_load %arg7[%swap3A_245] {strides = array<i32>} : memref<2048xf32, #tpu.memory_space<vmem>>, vector<16xf32>,
    tpu.vector_store %arg7[%swap3A_245], %broadcast_in_dim3A_5 {strides = array<i32>} : memref<2048xf32, #tpu.memory_space<vmem>>, vector<16xf32>,
    %swap3A_247 = arith.constant 1936 : index
    %swap3A_248 = tpu.vector_load %arg7[%swap3A_247] {strides = array<i32>} : memref<2048xf32, #tpu.memory_space<vmem>>, vector<16xf32>,
    tpu.vector_store %arg7[%swap3A_247], %broadcast_in_dim3A_5 {strides = array<i32>} : memref<2048xf32, #tpu.memory_space<vmem>>, vector<16xf32>,
    %swap3A_249 = arith.constant 1952 : index
    %swap3A_250 = tpu.vector_load %arg7[%swap3A_249] {strides = array<i32>} : memref<2048xf32, #tpu.memory_space<vmem>>, vector<16xf32>,
    tpu.vector_store %arg7[%swap3A_249], %broadcast_in_dim3A_5 {strides = array<i32>} : memref<2048xf32, #tpu.memory_space<vmem>>, vector<16xf32>,
    %swap3A_251 = arith.constant 1968 : index
    %swap3A_252 = tpu.vector_load %arg7[%swap3A_251] {strides = array<i32>} : memref<2048xf32, #tpu.memory_space<vmem>>, vector<16xf32>,
    tpu.vector_store %arg7[%swap3A_251], %broadcast_in_dim3A_5 {strides = array<i32>} : memref<2048xf32, #tpu.memory_space<vmem>>, vector<16xf32>,
    %swap3A_253 = arith.constant 1984 : index
    %swap3A_254 = tpu.vector_load %arg7[%swap3A_253] {strides = array<i32>} : memref<2048xf32, #tpu.memory_space<vmem>>, vector<16xf32>,
    tpu.vector_store %arg7[%swap3A_253], %broadcast_in_dim3A_5 {strides = array<i32>} : memref<2048xf32, #tpu.memory_space<vmem>>, vector<16xf32>,
    %swap3A_255 = arith.constant 2000 : index
    %swap3A_256 = tpu.vector_load %arg7[%swap3A_255] {strides = array<i32>} : memref<2048xf32, #tpu.memory_space<vmem>>, vector<16xf32>,
    tpu.vector_store %arg7[%swap3A_255], %broadcast_in_dim3A_5 {strides = array<i32>} : memref<2048xf32, #tpu.memory_space<vmem>>, vector<16xf32>,
    %swap3A_257 = arith.constant 2016 : index
    %swap3A_258 = tpu.vector_load %arg7[%swap3A_257] {strides = array<i32>} : memref<2048xf32, #tpu.memory_space<vmem>>, vector<16xf32>,
    tpu.vector_store %arg7[%swap3A_257], %broadcast_in_dim3A_5 {strides = array<i32>} : memref<2048xf32, #tpu.memory_space<vmem>>, vector<16xf32>,
    %swap3A_259 = arith.constant 2032 : index
    %swap3A_260 = tpu.vector_load %arg7[%swap3A_259] {strides = array<i32>} : memref<2048xf32, #tpu.memory_space<vmem>>, vector<16xf32>,
    tpu.vector_store %arg7[%swap3A_259], %broadcast_in_dim3A_5 {strides = array<i32>} : memref<2048xf32, #tpu.memory_space<vmem>>, vector<16xf32>,
    %broadcast_in_dim3A_261 = arith.constant 1.000000e+00 : f32
    %broadcast_in_dim3A_262 = vector.broadcast %broadcast_in_dim3A_261 : f32 to vector<16xf32>
    %iota3A = tpu.iota {dimensions = array<i32: 0>} : vector<16xi32>
    %mul3A_263 = arith.constant 64 : i32
    %mul3A_264 = vector.broadcast %mul3A_263 : i32 to vector<16xi32>
    %mul3A_265 = arith.muli %iota3A, %mul3A_264 : vector<16xi32>
    %scan3A = arith.constant 0 : i32
    %scan3A_266 = arith.constant 8.193000e+03 : f32
    %scan3A_267 = arith.constant 1.000000e+00 : f32
    %scan3A_268 = arith.constant 0 : i32
    %scan3A_269 = arith.constant 64 : i32
    %scan3A_270 = arith.addi %scan3A_268, %scan3A_269 : i32
    %scan3A_271 = arith.constant 1 : i32
    scf.for %scan3A_1325 = %scan3A_268 to %scan3A_270 step %scan3A_271  : i32 {
      %mul3A_1326 = arith.constant 64 : i32
      %mul3A_1327 = arith.muli %scan3A_1325, %mul3A_1326 : i32
      %add3A_1328 = arith.constant 0 : i32
      %add3A_1329 = arith.addi %mul3A_1327, %add3A_1328 : i32
      %get3A_1330 = arith.constant 0 : i32
      %get3A_1331 = arith.index_cast %get3A_1330 : i32 to index
      %get3A_1332 = arith.index_cast %add3A_1329 : i32 to index
      %get3A_1333 = tpu.vector_load %arg5[%get3A_1331, %get3A_1332] {strides = array<i32>} : memref<2x4096xi32, #tpu.memory_space<vmem>>, vector<16xi32>,
      %get3A_1334 = arith.constant 0 : i32
      %get3A_1335 = arith.index_cast %get3A_1334 : i32 to index
      %get3A_1336 = arith.index_cast %add3A_1329 : i32 to index
      %get3A_1337 = tpu.vector_load %arg6[%get3A_1335, %get3A_1336] {strides = array<i32>} : memref<2x4096xi32, #tpu.memory_space<vmem>>, vector<16xi32>,
      %eq3A = arith.cmpi eq, %get3A_1333, %get3A_1337 : vector<16xi32>
      %broadcast_in_dim3A_1338 = vector.broadcast %scan3A_266 : f32 to vector<16xf32>
      %broadcast_in_dim3A_1339 = vector.broadcast %scan3A_267 : f32 to vector<16xf32>
      %select_n3A = arith.select %eq3A, %broadcast_in_dim3A_1338, %broadcast_in_dim3A_1339 : vector<16xi1>, vector<16xf32>
      %add3A_1340 = arith.addi %mul3A_265, %get3A_1333 : vector<16xi32>
      tpu.vector_store_idx %arg7[%add3A_1340], %select_n3A {add = true} : memref<2048xf32, #tpu.memory_space<vmem>>[vector<16xi32>], vector<16xf32>,
      %add3A_1341 = arith.constant 1024 : i32
      %add3A_1342 = vector.broadcast %add3A_1341 : i32 to vector<16xi32>
      %add3A_1343 = arith.addi %get3A_1337, %add3A_1342 : vector<16xi32>
      %add3A_1344 = arith.addi %mul3A_265, %add3A_1343 : vector<16xi32>
      tpu.vector_store_idx %arg7[%add3A_1344], %broadcast_in_dim3A_262 {add = true} : memref<2048xf32, #tpu.memory_space<vmem>>[vector<16xi32>], vector<16xf32>,
      %mul3A_1345 = arith.constant 64 : i32
      %mul3A_1346 = arith.muli %scan3A_1325, %mul3A_1345 : i32
      %add3A_1347 = arith.constant 16 : i32
      %add3A_1348 = arith.addi %mul3A_1346, %add3A_1347 : i32
      %get3A_1349 = arith.constant 0 : i32
      %get3A_1350 = arith.index_cast %get3A_1349 : i32 to index
      %get3A_1351 = arith.index_cast %add3A_1348 : i32 to index
      %get3A_1352 = tpu.vector_load %arg5[%get3A_1350, %get3A_1351] {strides = array<i32>} : memref<2x4096xi32, #tpu.memory_space<vmem>>, vector<16xi32>,
      %get3A_1353 = arith.constant 0 : i32
      %get3A_1354 = arith.index_cast %get3A_1353 : i32 to index
      %get3A_1355 = arith.index_cast %add3A_1348 : i32 to index
      %get3A_1356 = tpu.vector_load %arg6[%get3A_1354, %get3A_1355] {strides = array<i32>} : memref<2x4096xi32, #tpu.memory_space<vmem>>, vector<16xi32>,
      %eq3A_1357 = arith.cmpi eq, %get3A_1352, %get3A_1356 : vector<16xi32>
      %broadcast_in_dim3A_1358 = vector.broadcast %scan3A_266 : f32 to vector<16xf32>
      %broadcast_in_dim3A_1359 = vector.broadcast %scan3A_267 : f32 to vector<16xf32>
      %select_n3A_1360 = arith.select %eq3A_1357, %broadcast_in_dim3A_1358, %broadcast_in_dim3A_1359 : vector<16xi1>, vector<16xf32>
      %add3A_1361 = arith.addi %mul3A_265, %get3A_1352 : vector<16xi32>
      tpu.vector_store_idx %arg7[%add3A_1361], %select_n3A_1360 {add = true} : memref<2048xf32, #tpu.memory_space<vmem>>[vector<16xi32>], vector<16xf32>,
      %add3A_1362 = arith.constant 1024 : i32
      %add3A_1363 = vector.broadcast %add3A_1362 : i32 to vector<16xi32>
      %add3A_1364 = arith.addi %get3A_1356, %add3A_1363 : vector<16xi32>
      %add3A_1365 = arith.addi %mul3A_265, %add3A_1364 : vector<16xi32>
      tpu.vector_store_idx %arg7[%add3A_1365], %broadcast_in_dim3A_262 {add = true} : memref<2048xf32, #tpu.memory_space<vmem>>[vector<16xi32>], vector<16xf32>,
      %mul3A_1366 = arith.constant 64 : i32
      %mul3A_1367 = arith.muli %scan3A_1325, %mul3A_1366 : i32
      %add3A_1368 = arith.constant 32 : i32
      %add3A_1369 = arith.addi %mul3A_1367, %add3A_1368 : i32
      %get3A_1370 = arith.constant 0 : i32
      %get3A_1371 = arith.index_cast %get3A_1370 : i32 to index
      %get3A_1372 = arith.index_cast %add3A_1369 : i32 to index
      %get3A_1373 = tpu.vector_load %arg5[%get3A_1371, %get3A_1372] {strides = array<i32>} : memref<2x4096xi32, #tpu.memory_space<vmem>>, vector<16xi32>,
      %get3A_1374 = arith.constant 0 : i32
      %get3A_1375 = arith.index_cast %get3A_1374 : i32 to index
      %get3A_1376 = arith.index_cast %add3A_1369 : i32 to index
      %get3A_1377 = tpu.vector_load %arg6[%get3A_1375, %get3A_1376] {strides = array<i32>} : memref<2x4096xi32, #tpu.memory_space<vmem>>, vector<16xi32>,
      %eq3A_1378 = arith.cmpi eq, %get3A_1373, %get3A_1377 : vector<16xi32>
      %broadcast_in_dim3A_1379 = vector.broadcast %scan3A_266 : f32 to vector<16xf32>
      %broadcast_in_dim3A_1380 = vector.broadcast %scan3A_267 : f32 to vector<16xf32>
      %select_n3A_1381 = arith.select %eq3A_1378, %broadcast_in_dim3A_1379, %broadcast_in_dim3A_1380 : vector<16xi1>, vector<16xf32>
      %add3A_1382 = arith.addi %mul3A_265, %get3A_1373 : vector<16xi32>
      tpu.vector_store_idx %arg7[%add3A_1382], %select_n3A_1381 {add = true} : memref<2048xf32, #tpu.memory_space<vmem>>[vector<16xi32>], vector<16xf32>,
      %add3A_1383 = arith.constant 1024 : i32
      %add3A_1384 = vector.broadcast %add3A_1383 : i32 to vector<16xi32>
      %add3A_1385 = arith.addi %get3A_1377, %add3A_1384 : vector<16xi32>
      %add3A_1386 = arith.addi %mul3A_265, %add3A_1385 : vector<16xi32>
      tpu.vector_store_idx %arg7[%add3A_1386], %broadcast_in_dim3A_262 {add = true} : memref<2048xf32, #tpu.memory_space<vmem>>[vector<16xi32>], vector<16xf32>,
      %mul3A_1387 = arith.constant 64 : i32
      %mul3A_1388 = arith.muli %scan3A_1325, %mul3A_1387 : i32
      %add3A_1389 = arith.constant 48 : i32
      %add3A_1390 = arith.addi %mul3A_1388, %add3A_1389 : i32
      %get3A_1391 = arith.constant 0 : i32
      %get3A_1392 = arith.index_cast %get3A_1391 : i32 to index
      %get3A_1393 = arith.index_cast %add3A_1390 : i32 to index
      %get3A_1394 = tpu.vector_load %arg5[%get3A_1392, %get3A_1393] {strides = array<i32>} : memref<2x4096xi32, #tpu.memory_space<vmem>>, vector<16xi32>,
      %get3A_1395 = arith.constant 0 : i32
      %get3A_1396 = arith.index_cast %get3A_1395 : i32 to index
      %get3A_1397 = arith.index_cast %add3A_1390 : i32 to index
      %get3A_1398 = tpu.vector_load %arg6[%get3A_1396, %get3A_1397] {strides = array<i32>} : memref<2x4096xi32, #tpu.memory_space<vmem>>, vector<16xi32>,
      %eq3A_1399 = arith.cmpi eq, %get3A_1394, %get3A_1398 : vector<16xi32>
      %broadcast_in_dim3A_1400 = vector.broadcast %scan3A_266 : f32 to vector<16xf32>
      %broadcast_in_dim3A_1401 = vector.broadcast %scan3A_267 : f32 to vector<16xf32>
      %select_n3A_1402 = arith.select %eq3A_1399, %broadcast_in_dim3A_1400, %broadcast_in_dim3A_1401 : vector<16xi1>, vector<16xf32>
      %add3A_1403 = arith.addi %mul3A_265, %get3A_1394 : vector<16xi32>
      tpu.vector_store_idx %arg7[%add3A_1403], %select_n3A_1402 {add = true} : memref<2048xf32, #tpu.memory_space<vmem>>[vector<16xi32>], vector<16xf32>,
      %add3A_1404 = arith.constant 1024 : i32
      %add3A_1405 = vector.broadcast %add3A_1404 : i32 to vector<16xi32>
      %add3A_1406 = arith.addi %get3A_1398, %add3A_1405 : vector<16xi32>
      %add3A_1407 = arith.addi %mul3A_265, %add3A_1406 : vector<16xi32>
      tpu.vector_store_idx %arg7[%add3A_1407], %broadcast_in_dim3A_262 {add = true} : memref<2048xf32, #tpu.memory_space<vmem>>[vector<16xi32>], vector<16xf32>,
    }
    %scan3A_272 = arith.constant 64 : i32
    %scan3A_273 = arith.constant 0 : i32
    %scan3A_274 = arith.constant 8.193000e+03 : f32
    %scan3A_275 = arith.constant 1.000000e+00 : f32
    %scan3A_276 = arith.constant 0 : i32
    %scan3A_277 = arith.constant 64 : i32
    %scan3A_278 = arith.addi %scan3A_276, %scan3A_277 : i32
    %scan3A_279 = arith.constant 1 : i32
    scf.for %scan3A_1325 = %scan3A_276 to %scan3A_278 step %scan3A_279  : i32 {
      %mul3A_1326 = arith.constant 64 : i32
      %mul3A_1327 = arith.muli %scan3A_1325, %mul3A_1326 : i32
      %add3A_1328 = arith.constant 0 : i32
      %add3A_1329 = arith.addi %mul3A_1327, %add3A_1328 : i32
      %get3A_1330 = arith.constant 1 : i32
      %get3A_1331 = arith.index_cast %get3A_1330 : i32 to index
      %get3A_1332 = arith.index_cast %add3A_1329 : i32 to index
      %get3A_1333 = tpu.vector_load %arg5[%get3A_1331, %get3A_1332] {strides = array<i32>} : memref<2x4096xi32, #tpu.memory_space<vmem>>, vector<16xi32>,
      %get3A_1334 = arith.constant 1 : i32
      %get3A_1335 = arith.index_cast %get3A_1334 : i32 to index
      %get3A_1336 = arith.index_cast %add3A_1329 : i32 to index
      %get3A_1337 = tpu.vector_load %arg6[%get3A_1335, %get3A_1336] {strides = array<i32>} : memref<2x4096xi32, #tpu.memory_space<vmem>>, vector<16xi32>,
      %eq3A = arith.cmpi eq, %get3A_1333, %get3A_1337 : vector<16xi32>
      %broadcast_in_dim3A_1338 = vector.broadcast %scan3A_274 : f32 to vector<16xf32>
      %broadcast_in_dim3A_1339 = vector.broadcast %scan3A_275 : f32 to vector<16xf32>
      %select_n3A = arith.select %eq3A, %broadcast_in_dim3A_1338, %broadcast_in_dim3A_1339 : vector<16xi1>, vector<16xf32>
      %add3A_1340 = arith.addi %mul3A_265, %get3A_1333 : vector<16xi32>
      tpu.vector_store_idx %arg7[%add3A_1340], %select_n3A {add = true} : memref<2048xf32, #tpu.memory_space<vmem>>[vector<16xi32>], vector<16xf32>,
      %add3A_1341 = arith.constant 1024 : i32
      %add3A_1342 = vector.broadcast %add3A_1341 : i32 to vector<16xi32>
      %add3A_1343 = arith.addi %get3A_1337, %add3A_1342 : vector<16xi32>
      %add3A_1344 = arith.addi %mul3A_265, %add3A_1343 : vector<16xi32>
      tpu.vector_store_idx %arg7[%add3A_1344], %broadcast_in_dim3A_262 {add = true} : memref<2048xf32, #tpu.memory_space<vmem>>[vector<16xi32>], vector<16xf32>,
      %mul3A_1345 = arith.constant 64 : i32
      %mul3A_1346 = arith.muli %scan3A_1325, %mul3A_1345 : i32
      %add3A_1347 = arith.constant 16 : i32
      %add3A_1348 = arith.addi %mul3A_1346, %add3A_1347 : i32
      %get3A_1349 = arith.constant 1 : i32
      %get3A_1350 = arith.index_cast %get3A_1349 : i32 to index
      %get3A_1351 = arith.index_cast %add3A_1348 : i32 to index
      %get3A_1352 = tpu.vector_load %arg5[%get3A_1350, %get3A_1351] {strides = array<i32>} : memref<2x4096xi32, #tpu.memory_space<vmem>>, vector<16xi32>,
      %get3A_1353 = arith.constant 1 : i32
      %get3A_1354 = arith.index_cast %get3A_1353 : i32 to index
      %get3A_1355 = arith.index_cast %add3A_1348 : i32 to index
      %get3A_1356 = tpu.vector_load %arg6[%get3A_1354, %get3A_1355] {strides = array<i32>} : memref<2x4096xi32, #tpu.memory_space<vmem>>, vector<16xi32>,
      %eq3A_1357 = arith.cmpi eq, %get3A_1352, %get3A_1356 : vector<16xi32>
      %broadcast_in_dim3A_1358 = vector.broadcast %scan3A_274 : f32 to vector<16xf32>
      %broadcast_in_dim3A_1359 = vector.broadcast %scan3A_275 : f32 to vector<16xf32>
      %select_n3A_1360 = arith.select %eq3A_1357, %broadcast_in_dim3A_1358, %broadcast_in_dim3A_1359 : vector<16xi1>, vector<16xf32>
      %add3A_1361 = arith.addi %mul3A_265, %get3A_1352 : vector<16xi32>
      tpu.vector_store_idx %arg7[%add3A_1361], %select_n3A_1360 {add = true} : memref<2048xf32, #tpu.memory_space<vmem>>[vector<16xi32>], vector<16xf32>,
      %add3A_1362 = arith.constant 1024 : i32
      %add3A_1363 = vector.broadcast %add3A_1362 : i32 to vector<16xi32>
      %add3A_1364 = arith.addi %get3A_1356, %add3A_1363 : vector<16xi32>
      %add3A_1365 = arith.addi %mul3A_265, %add3A_1364 : vector<16xi32>
      tpu.vector_store_idx %arg7[%add3A_1365], %broadcast_in_dim3A_262 {add = true} : memref<2048xf32, #tpu.memory_space<vmem>>[vector<16xi32>], vector<16xf32>,
      %mul3A_1366 = arith.constant 64 : i32
      %mul3A_1367 = arith.muli %scan3A_1325, %mul3A_1366 : i32
      %add3A_1368 = arith.constant 32 : i32
      %add3A_1369 = arith.addi %mul3A_1367, %add3A_1368 : i32
      %get3A_1370 = arith.constant 1 : i32
      %get3A_1371 = arith.index_cast %get3A_1370 : i32 to index
      %get3A_1372 = arith.index_cast %add3A_1369 : i32 to index
      %get3A_1373 = tpu.vector_load %arg5[%get3A_1371, %get3A_1372] {strides = array<i32>} : memref<2x4096xi32, #tpu.memory_space<vmem>>, vector<16xi32>,
      %get3A_1374 = arith.constant 1 : i32
      %get3A_1375 = arith.index_cast %get3A_1374 : i32 to index
      %get3A_1376 = arith.index_cast %add3A_1369 : i32 to index
      %get3A_1377 = tpu.vector_load %arg6[%get3A_1375, %get3A_1376] {strides = array<i32>} : memref<2x4096xi32, #tpu.memory_space<vmem>>, vector<16xi32>,
      %eq3A_1378 = arith.cmpi eq, %get3A_1373, %get3A_1377 : vector<16xi32>
      %broadcast_in_dim3A_1379 = vector.broadcast %scan3A_274 : f32 to vector<16xf32>
      %broadcast_in_dim3A_1380 = vector.broadcast %scan3A_275 : f32 to vector<16xf32>
      %select_n3A_1381 = arith.select %eq3A_1378, %broadcast_in_dim3A_1379, %broadcast_in_dim3A_1380 : vector<16xi1>, vector<16xf32>
      %add3A_1382 = arith.addi %mul3A_265, %get3A_1373 : vector<16xi32>
      tpu.vector_store_idx %arg7[%add3A_1382], %select_n3A_1381 {add = true} : memref<2048xf32, #tpu.memory_space<vmem>>[vector<16xi32>], vector<16xf32>,
      %add3A_1383 = arith.constant 1024 : i32
      %add3A_1384 = vector.broadcast %add3A_1383 : i32 to vector<16xi32>
      %add3A_1385 = arith.addi %get3A_1377, %add3A_1384 : vector<16xi32>
      %add3A_1386 = arith.addi %mul3A_265, %add3A_1385 : vector<16xi32>
      tpu.vector_store_idx %arg7[%add3A_1386], %broadcast_in_dim3A_262 {add = true} : memref<2048xf32, #tpu.memory_space<vmem>>[vector<16xi32>], vector<16xf32>,
      %mul3A_1387 = arith.constant 64 : i32
      %mul3A_1388 = arith.muli %scan3A_1325, %mul3A_1387 : i32
      %add3A_1389 = arith.constant 48 : i32
      %add3A_1390 = arith.addi %mul3A_1388, %add3A_1389 : i32
      %get3A_1391 = arith.constant 1 : i32
      %get3A_1392 = arith.index_cast %get3A_1391 : i32 to index
      %get3A_1393 = arith.index_cast %add3A_1390 : i32 to index
      %get3A_1394 = tpu.vector_load %arg5[%get3A_1392, %get3A_1393] {strides = array<i32>} : memref<2x4096xi32, #tpu.memory_space<vmem>>, vector<16xi32>,
      %get3A_1395 = arith.constant 1 : i32
      %get3A_1396 = arith.index_cast %get3A_1395 : i32 to index
      %get3A_1397 = arith.index_cast %add3A_1390 : i32 to index
      %get3A_1398 = tpu.vector_load %arg6[%get3A_1396, %get3A_1397] {strides = array<i32>} : memref<2x4096xi32, #tpu.memory_space<vmem>>, vector<16xi32>,
      %eq3A_1399 = arith.cmpi eq, %get3A_1394, %get3A_1398 : vector<16xi32>
      %broadcast_in_dim3A_1400 = vector.broadcast %scan3A_274 : f32 to vector<16xf32>
      %broadcast_in_dim3A_1401 = vector.broadcast %scan3A_275 : f32 to vector<16xf32>
      %select_n3A_1402 = arith.select %eq3A_1399, %broadcast_in_dim3A_1400, %broadcast_in_dim3A_1401 : vector<16xi1>, vector<16xf32>
      %add3A_1403 = arith.addi %mul3A_265, %get3A_1394 : vector<16xi32>
      tpu.vector_store_idx %arg7[%add3A_1403], %select_n3A_1402 {add = true} : memref<2048xf32, #tpu.memory_space<vmem>>[vector<16xi32>], vector<16xf32>,
      %add3A_1404 = arith.constant 1024 : i32
      %add3A_1405 = vector.broadcast %add3A_1404 : i32 to vector<16xi32>
      %add3A_1406 = arith.addi %get3A_1398, %add3A_1405 : vector<16xi32>
      %add3A_1407 = arith.addi %mul3A_265, %add3A_1406 : vector<16xi32>
      tpu.vector_store_idx %arg7[%add3A_1407], %broadcast_in_dim3A_262 {add = true} : memref<2048xf32, #tpu.memory_space<vmem>>[vector<16xi32>], vector<16xf32>,
    }
    %scan3A_280 = arith.constant 64 : i32
    %get3A = arith.constant 0 : index
    %get3A_281 = tpu.vector_load %arg7[%get3A] {strides = array<i32>} : memref<2048xf32, #tpu.memory_space<vmem>>, vector<16xf32>,
    %convert_element_type3A = arith.fptosi %get3A_281 : vector<16xf32> to vector<16xi32>
    %shift_right_arithmetic3A = arith.constant 13 : i32
    %shift_right_arithmetic3A_282 = vector.broadcast %shift_right_arithmetic3A : i32 to vector<16xi32>
    %shift_right_arithmetic3A_283 = arith.shrsi %convert_element_type3A, %shift_right_arithmetic3A_282 : vector<16xi32>
    %convert_element_type3A_284 = arith.sitofp %shift_right_arithmetic3A_283 : vector<16xi32> to vector<16xf32>
    %add3A_285 = arith.addf %broadcast_in_dim3A_5, %convert_element_type3A_284 : vector<16xf32>
    %and3A = arith.constant 8191 : i32
    %and3A_286 = vector.broadcast %and3A : i32 to vector<16xi32>
    %and3A_287 = arith.andi %convert_element_type3A, %and3A_286 : vector<16xi32>
    %convert_element_type3A_288 = arith.sitofp %and3A_287 : vector<16xi32> to vector<16xf32>
    %add3A_289 = arith.addf %broadcast_in_dim3A_5, %convert_element_type3A_288 : vector<16xf32>
    %get3A_290 = arith.constant 1024 : index
    %get3A_291 = tpu.vector_load %arg7[%get3A_290] {strides = array<i32>} : memref<2048xf32, #tpu.memory_space<vmem>>, vector<16xf32>,
    %add3A_292 = arith.addf %broadcast_in_dim3A_5, %get3A_291 : vector<16xf32>
    %get3A_293 = arith.constant 64 : index
    %get3A_294 = tpu.vector_load %arg7[%get3A_293] {strides = array<i32>} : memref<2048xf32, #tpu.memory_space<vmem>>, vector<16xf32>,
    %convert_element_type3A_295 = arith.fptosi %get3A_294 : vector<16xf32> to vector<16xi32>
    %shift_right_arithmetic3A_296 = arith.constant 13 : i32
    %shift_right_arithmetic3A_297 = vector.broadcast %shift_right_arithmetic3A_296 : i32 to vector<16xi32>
    %shift_right_arithmetic3A_298 = arith.shrsi %convert_element_type3A_295, %shift_right_arithmetic3A_297 : vector<16xi32>
    %convert_element_type3A_299 = arith.sitofp %shift_right_arithmetic3A_298 : vector<16xi32> to vector<16xf32>
    %add3A_300 = arith.addf %add3A_285, %convert_element_type3A_299 : vector<16xf32>
    %and3A_301 = arith.constant 8191 : i32
    %and3A_302 = vector.broadcast %and3A_301 : i32 to vector<16xi32>
    %and3A_303 = arith.andi %convert_element_type3A_295, %and3A_302 : vector<16xi32>
    %convert_element_type3A_304 = arith.sitofp %and3A_303 : vector<16xi32> to vector<16xf32>
    %add3A_305 = arith.addf %add3A_289, %convert_element_type3A_304 : vector<16xf32>
    %get3A_306 = arith.constant 1088 : index
    %get3A_307 = tpu.vector_load %arg7[%get3A_306] {strides = array<i32>} : memref<2048xf32, #tpu.memory_space<vmem>>, vector<16xf32>,
    %add3A_308 = arith.addf %add3A_292, %get3A_307 : vector<16xf32>
    %get3A_309 = arith.constant 128 : index
    %get3A_310 = tpu.vector_load %arg7[%get3A_309] {strides = array<i32>} : memref<2048xf32, #tpu.memory_space<vmem>>, vector<16xf32>,
    %convert_element_type3A_311 = arith.fptosi %get3A_310 : vector<16xf32> to vector<16xi32>
    %shift_right_arithmetic3A_312 = arith.constant 13 : i32
    %shift_right_arithmetic3A_313 = vector.broadcast %shift_right_arithmetic3A_312 : i32 to vector<16xi32>
    %shift_right_arithmetic3A_314 = arith.shrsi %convert_element_type3A_311, %shift_right_arithmetic3A_313 : vector<16xi32>
    %convert_element_type3A_315 = arith.sitofp %shift_right_arithmetic3A_314 : vector<16xi32> to vector<16xf32>
    %add3A_316 = arith.addf %add3A_300, %convert_element_type3A_315 : vector<16xf32>
    %and3A_317 = arith.constant 8191 : i32
    %and3A_318 = vector.broadcast %and3A_317 : i32 to vector<16xi32>
    %and3A_319 = arith.andi %convert_element_type3A_311, %and3A_318 : vector<16xi32>
    %convert_element_type3A_320 = arith.sitofp %and3A_319 : vector<16xi32> to vector<16xf32>
    %add3A_321 = arith.addf %add3A_305, %convert_element_type3A_320 : vector<16xf32>
    %get3A_322 = arith.constant 1152 : index
    %get3A_323 = tpu.vector_load %arg7[%get3A_322] {strides = array<i32>} : memref<2048xf32, #tpu.memory_space<vmem>>, vector<16xf32>,
    %add3A_324 = arith.addf %add3A_308, %get3A_323 : vector<16xf32>
    %get3A_325 = arith.constant 192 : index
    %get3A_326 = tpu.vector_load %arg7[%get3A_325] {strides = array<i32>} : memref<2048xf32, #tpu.memory_space<vmem>>, vector<16xf32>,
    %convert_element_type3A_327 = arith.fptosi %get3A_326 : vector<16xf32> to vector<16xi32>
    %shift_right_arithmetic3A_328 = arith.constant 13 : i32
    %shift_right_arithmetic3A_329 = vector.broadcast %shift_right_arithmetic3A_328 : i32 to vector<16xi32>
    %shift_right_arithmetic3A_330 = arith.shrsi %convert_element_type3A_327, %shift_right_arithmetic3A_329 : vector<16xi32>
    %convert_element_type3A_331 = arith.sitofp %shift_right_arithmetic3A_330 : vector<16xi32> to vector<16xf32>
    %add3A_332 = arith.addf %add3A_316, %convert_element_type3A_331 : vector<16xf32>
    %and3A_333 = arith.constant 8191 : i32
    %and3A_334 = vector.broadcast %and3A_333 : i32 to vector<16xi32>
    %and3A_335 = arith.andi %convert_element_type3A_327, %and3A_334 : vector<16xi32>
    %convert_element_type3A_336 = arith.sitofp %and3A_335 : vector<16xi32> to vector<16xf32>
    %add3A_337 = arith.addf %add3A_321, %convert_element_type3A_336 : vector<16xf32>
    %get3A_338 = arith.constant 1216 : index
    %get3A_339 = tpu.vector_load %arg7[%get3A_338] {strides = array<i32>} : memref<2048xf32, #tpu.memory_space<vmem>>, vector<16xf32>,
    %add3A_340 = arith.addf %add3A_324, %get3A_339 : vector<16xf32>
    %get3A_341 = arith.constant 256 : index
    %get3A_342 = tpu.vector_load %arg7[%get3A_341] {strides = array<i32>} : memref<2048xf32, #tpu.memory_space<vmem>>, vector<16xf32>,
    %convert_element_type3A_343 = arith.fptosi %get3A_342 : vector<16xf32> to vector<16xi32>
    %shift_right_arithmetic3A_344 = arith.constant 13 : i32
    %shift_right_arithmetic3A_345 = vector.broadcast %shift_right_arithmetic3A_344 : i32 to vector<16xi32>
    %shift_right_arithmetic3A_346 = arith.shrsi %convert_element_type3A_343, %shift_right_arithmetic3A_345 : vector<16xi32>
    %convert_element_type3A_347 = arith.sitofp %shift_right_arithmetic3A_346 : vector<16xi32> to vector<16xf32>
    %add3A_348 = arith.addf %add3A_332, %convert_element_type3A_347 : vector<16xf32>
    %and3A_349 = arith.constant 8191 : i32
    %and3A_350 = vector.broadcast %and3A_349 : i32 to vector<16xi32>
    %and3A_351 = arith.andi %convert_element_type3A_343, %and3A_350 : vector<16xi32>
    %convert_element_type3A_352 = arith.sitofp %and3A_351 : vector<16xi32> to vector<16xf32>
    %add3A_353 = arith.addf %add3A_337, %convert_element_type3A_352 : vector<16xf32>
    %get3A_354 = arith.constant 1280 : index
    %get3A_355 = tpu.vector_load %arg7[%get3A_354] {strides = array<i32>} : memref<2048xf32, #tpu.memory_space<vmem>>, vector<16xf32>,
    %add3A_356 = arith.addf %add3A_340, %get3A_355 : vector<16xf32>
    %get3A_357 = arith.constant 320 : index
    %get3A_358 = tpu.vector_load %arg7[%get3A_357] {strides = array<i32>} : memref<2048xf32, #tpu.memory_space<vmem>>, vector<16xf32>,
    %convert_element_type3A_359 = arith.fptosi %get3A_358 : vector<16xf32> to vector<16xi32>
    %shift_right_arithmetic3A_360 = arith.constant 13 : i32
    %shift_right_arithmetic3A_361 = vector.broadcast %shift_right_arithmetic3A_360 : i32 to vector<16xi32>
    %shift_right_arithmetic3A_362 = arith.shrsi %convert_element_type3A_359, %shift_right_arithmetic3A_361 : vector<16xi32>
    %convert_element_type3A_363 = arith.sitofp %shift_right_arithmetic3A_362 : vector<16xi32> to vector<16xf32>
    %add3A_364 = arith.addf %add3A_348, %convert_element_type3A_363 : vector<16xf32>
    %and3A_365 = arith.constant 8191 : i32
    %and3A_366 = vector.broadcast %and3A_365 : i32 to vector<16xi32>
    %and3A_367 = arith.andi %convert_element_type3A_359, %and3A_366 : vector<16xi32>
    %convert_element_type3A_368 = arith.sitofp %and3A_367 : vector<16xi32> to vector<16xf32>
    %add3A_369 = arith.addf %add3A_353, %convert_element_type3A_368 : vector<16xf32>
    %get3A_370 = arith.constant 1344 : index
    %get3A_371 = tpu.vector_load %arg7[%get3A_370] {strides = array<i32>} : memref<2048xf32, #tpu.memory_space<vmem>>, vector<16xf32>,
    %add3A_372 = arith.addf %add3A_356, %get3A_371 : vector<16xf32>
    %get3A_373 = arith.constant 384 : index
    %get3A_374 = tpu.vector_load %arg7[%get3A_373] {strides = array<i32>} : memref<2048xf32, #tpu.memory_space<vmem>>, vector<16xf32>,
    %convert_element_type3A_375 = arith.fptosi %get3A_374 : vector<16xf32> to vector<16xi32>
    %shift_right_arithmetic3A_376 = arith.constant 13 : i32
    %shift_right_arithmetic3A_377 = vector.broadcast %shift_right_arithmetic3A_376 : i32 to vector<16xi32>
    %shift_right_arithmetic3A_378 = arith.shrsi %convert_element_type3A_375, %shift_right_arithmetic3A_377 : vector<16xi32>
    %convert_element_type3A_379 = arith.sitofp %shift_right_arithmetic3A_378 : vector<16xi32> to vector<16xf32>
    %add3A_380 = arith.addf %add3A_364, %convert_element_type3A_379 : vector<16xf32>
    %and3A_381 = arith.constant 8191 : i32
    %and3A_382 = vector.broadcast %and3A_381 : i32 to vector<16xi32>
    %and3A_383 = arith.andi %convert_element_type3A_375, %and3A_382 : vector<16xi32>
    %convert_element_type3A_384 = arith.sitofp %and3A_383 : vector<16xi32> to vector<16xf32>
    %add3A_385 = arith.addf %add3A_369, %convert_element_type3A_384 : vector<16xf32>
    %get3A_386 = arith.constant 1408 : index
    %get3A_387 = tpu.vector_load %arg7[%get3A_386] {strides = array<i32>} : memref<2048xf32, #tpu.memory_space<vmem>>, vector<16xf32>,
    %add3A_388 = arith.addf %add3A_372, %get3A_387 : vector<16xf32>
    %get3A_389 = arith.constant 448 : index
    %get3A_390 = tpu.vector_load %arg7[%get3A_389] {strides = array<i32>} : memref<2048xf32, #tpu.memory_space<vmem>>, vector<16xf32>,
    %convert_element_type3A_391 = arith.fptosi %get3A_390 : vector<16xf32> to vector<16xi32>
    %shift_right_arithmetic3A_392 = arith.constant 13 : i32
    %shift_right_arithmetic3A_393 = vector.broadcast %shift_right_arithmetic3A_392 : i32 to vector<16xi32>
    %shift_right_arithmetic3A_394 = arith.shrsi %convert_element_type3A_391, %shift_right_arithmetic3A_393 : vector<16xi32>
    %convert_element_type3A_395 = arith.sitofp %shift_right_arithmetic3A_394 : vector<16xi32> to vector<16xf32>
    %add3A_396 = arith.addf %add3A_380, %convert_element_type3A_395 : vector<16xf32>
    %and3A_397 = arith.constant 8191 : i32
    %and3A_398 = vector.broadcast %and3A_397 : i32 to vector<16xi32>
    %and3A_399 = arith.andi %convert_element_type3A_391, %and3A_398 : vector<16xi32>
    %convert_element_type3A_400 = arith.sitofp %and3A_399 : vector<16xi32> to vector<16xf32>
    %add3A_401 = arith.addf %add3A_385, %convert_element_type3A_400 : vector<16xf32>
    %get3A_402 = arith.constant 1472 : index
    %get3A_403 = tpu.vector_load %arg7[%get3A_402] {strides = array<i32>} : memref<2048xf32, #tpu.memory_space<vmem>>, vector<16xf32>,
    %add3A_404 = arith.addf %add3A_388, %get3A_403 : vector<16xf32>
    %get3A_405 = arith.constant 512 : index
    %get3A_406 = tpu.vector_load %arg7[%get3A_405] {strides = array<i32>} : memref<2048xf32, #tpu.memory_space<vmem>>, vector<16xf32>,
    %convert_element_type3A_407 = arith.fptosi %get3A_406 : vector<16xf32> to vector<16xi32>
    %shift_right_arithmetic3A_408 = arith.constant 13 : i32
    %shift_right_arithmetic3A_409 = vector.broadcast %shift_right_arithmetic3A_408 : i32 to vector<16xi32>
    %shift_right_arithmetic3A_410 = arith.shrsi %convert_element_type3A_407, %shift_right_arithmetic3A_409 : vector<16xi32>
    %convert_element_type3A_411 = arith.sitofp %shift_right_arithmetic3A_410 : vector<16xi32> to vector<16xf32>
    %add3A_412 = arith.addf %add3A_396, %convert_element_type3A_411 : vector<16xf32>
    %and3A_413 = arith.constant 8191 : i32
    %and3A_414 = vector.broadcast %and3A_413 : i32 to vector<16xi32>
    %and3A_415 = arith.andi %convert_element_type3A_407, %and3A_414 : vector<16xi32>
    %convert_element_type3A_416 = arith.sitofp %and3A_415 : vector<16xi32> to vector<16xf32>
    %add3A_417 = arith.addf %add3A_401, %convert_element_type3A_416 : vector<16xf32>
    %get3A_418 = arith.constant 1536 : index
    %get3A_419 = tpu.vector_load %arg7[%get3A_418] {strides = array<i32>} : memref<2048xf32, #tpu.memory_space<vmem>>, vector<16xf32>,
    %add3A_420 = arith.addf %add3A_404, %get3A_419 : vector<16xf32>
    %get3A_421 = arith.constant 576 : index
    %get3A_422 = tpu.vector_load %arg7[%get3A_421] {strides = array<i32>} : memref<2048xf32, #tpu.memory_space<vmem>>, vector<16xf32>,
    %convert_element_type3A_423 = arith.fptosi %get3A_422 : vector<16xf32> to vector<16xi32>
    %shift_right_arithmetic3A_424 = arith.constant 13 : i32
    %shift_right_arithmetic3A_425 = vector.broadcast %shift_right_arithmetic3A_424 : i32 to vector<16xi32>
    %shift_right_arithmetic3A_426 = arith.shrsi %convert_element_type3A_423, %shift_right_arithmetic3A_425 : vector<16xi32>
    %convert_element_type3A_427 = arith.sitofp %shift_right_arithmetic3A_426 : vector<16xi32> to vector<16xf32>
    %add3A_428 = arith.addf %add3A_412, %convert_element_type3A_427 : vector<16xf32>
    %and3A_429 = arith.constant 8191 : i32
    %and3A_430 = vector.broadcast %and3A_429 : i32 to vector<16xi32>
    %and3A_431 = arith.andi %convert_element_type3A_423, %and3A_430 : vector<16xi32>
    %convert_element_type3A_432 = arith.sitofp %and3A_431 : vector<16xi32> to vector<16xf32>
    %add3A_433 = arith.addf %add3A_417, %convert_element_type3A_432 : vector<16xf32>
    %get3A_434 = arith.constant 1600 : index
    %get3A_435 = tpu.vector_load %arg7[%get3A_434] {strides = array<i32>} : memref<2048xf32, #tpu.memory_space<vmem>>, vector<16xf32>,
    %add3A_436 = arith.addf %add3A_420, %get3A_435 : vector<16xf32>
    %get3A_437 = arith.constant 640 : index
    %get3A_438 = tpu.vector_load %arg7[%get3A_437] {strides = array<i32>} : memref<2048xf32, #tpu.memory_space<vmem>>, vector<16xf32>,
    %convert_element_type3A_439 = arith.fptosi %get3A_438 : vector<16xf32> to vector<16xi32>
    %shift_right_arithmetic3A_440 = arith.constant 13 : i32
    %shift_right_arithmetic3A_441 = vector.broadcast %shift_right_arithmetic3A_440 : i32 to vector<16xi32>
    %shift_right_arithmetic3A_442 = arith.shrsi %convert_element_type3A_439, %shift_right_arithmetic3A_441 : vector<16xi32>
    %convert_element_type3A_443 = arith.sitofp %shift_right_arithmetic3A_442 : vector<16xi32> to vector<16xf32>
    %add3A_444 = arith.addf %add3A_428, %convert_element_type3A_443 : vector<16xf32>
    %and3A_445 = arith.constant 8191 : i32
    %and3A_446 = vector.broadcast %and3A_445 : i32 to vector<16xi32>
    %and3A_447 = arith.andi %convert_element_type3A_439, %and3A_446 : vector<16xi32>
    %convert_element_type3A_448 = arith.sitofp %and3A_447 : vector<16xi32> to vector<16xf32>
    %add3A_449 = arith.addf %add3A_433, %convert_element_type3A_448 : vector<16xf32>
    %get3A_450 = arith.constant 1664 : index
    %get3A_451 = tpu.vector_load %arg7[%get3A_450] {strides = array<i32>} : memref<2048xf32, #tpu.memory_space<vmem>>, vector<16xf32>,
    %add3A_452 = arith.addf %add3A_436, %get3A_451 : vector<16xf32>
    %get3A_453 = arith.constant 704 : index
    %get3A_454 = tpu.vector_load %arg7[%get3A_453] {strides = array<i32>} : memref<2048xf32, #tpu.memory_space<vmem>>, vector<16xf32>,
    %convert_element_type3A_455 = arith.fptosi %get3A_454 : vector<16xf32> to vector<16xi32>
    %shift_right_arithmetic3A_456 = arith.constant 13 : i32
    %shift_right_arithmetic3A_457 = vector.broadcast %shift_right_arithmetic3A_456 : i32 to vector<16xi32>
    %shift_right_arithmetic3A_458 = arith.shrsi %convert_element_type3A_455, %shift_right_arithmetic3A_457 : vector<16xi32>
    %convert_element_type3A_459 = arith.sitofp %shift_right_arithmetic3A_458 : vector<16xi32> to vector<16xf32>
    %add3A_460 = arith.addf %add3A_444, %convert_element_type3A_459 : vector<16xf32>
    %and3A_461 = arith.constant 8191 : i32
    %and3A_462 = vector.broadcast %and3A_461 : i32 to vector<16xi32>
    %and3A_463 = arith.andi %convert_element_type3A_455, %and3A_462 : vector<16xi32>
    %convert_element_type3A_464 = arith.sitofp %and3A_463 : vector<16xi32> to vector<16xf32>
    %add3A_465 = arith.addf %add3A_449, %convert_element_type3A_464 : vector<16xf32>
    %get3A_466 = arith.constant 1728 : index
    %get3A_467 = tpu.vector_load %arg7[%get3A_466] {strides = array<i32>} : memref<2048xf32, #tpu.memory_space<vmem>>, vector<16xf32>,
    %add3A_468 = arith.addf %add3A_452, %get3A_467 : vector<16xf32>
    %get3A_469 = arith.constant 768 : index
    %get3A_470 = tpu.vector_load %arg7[%get3A_469] {strides = array<i32>} : memref<2048xf32, #tpu.memory_space<vmem>>, vector<16xf32>,
    %convert_element_type3A_471 = arith.fptosi %get3A_470 : vector<16xf32> to vector<16xi32>
    %shift_right_arithmetic3A_472 = arith.constant 13 : i32
    %shift_right_arithmetic3A_473 = vector.broadcast %shift_right_arithmetic3A_472 : i32 to vector<16xi32>
    %shift_right_arithmetic3A_474 = arith.shrsi %convert_element_type3A_471, %shift_right_arithmetic3A_473 : vector<16xi32>
    %convert_element_type3A_475 = arith.sitofp %shift_right_arithmetic3A_474 : vector<16xi32> to vector<16xf32>
    %add3A_476 = arith.addf %add3A_460, %convert_element_type3A_475 : vector<16xf32>
    %and3A_477 = arith.constant 8191 : i32
    %and3A_478 = vector.broadcast %and3A_477 : i32 to vector<16xi32>
    %and3A_479 = arith.andi %convert_element_type3A_471, %and3A_478 : vector<16xi32>
    %convert_element_type3A_480 = arith.sitofp %and3A_479 : vector<16xi32> to vector<16xf32>
    %add3A_481 = arith.addf %add3A_465, %convert_element_type3A_480 : vector<16xf32>
    %get3A_482 = arith.constant 1792 : index
    %get3A_483 = tpu.vector_load %arg7[%get3A_482] {strides = array<i32>} : memref<2048xf32, #tpu.memory_space<vmem>>, vector<16xf32>,
    %add3A_484 = arith.addf %add3A_468, %get3A_483 : vector<16xf32>
    %get3A_485 = arith.constant 832 : index
    %get3A_486 = tpu.vector_load %arg7[%get3A_485] {strides = array<i32>} : memref<2048xf32, #tpu.memory_space<vmem>>, vector<16xf32>,
    %convert_element_type3A_487 = arith.fptosi %get3A_486 : vector<16xf32> to vector<16xi32>
    %shift_right_arithmetic3A_488 = arith.constant 13 : i32
    %shift_right_arithmetic3A_489 = vector.broadcast %shift_right_arithmetic3A_488 : i32 to vector<16xi32>
    %shift_right_arithmetic3A_490 = arith.shrsi %convert_element_type3A_487, %shift_right_arithmetic3A_489 : vector<16xi32>
    %convert_element_type3A_491 = arith.sitofp %shift_right_arithmetic3A_490 : vector<16xi32> to vector<16xf32>
    %add3A_492 = arith.addf %add3A_476, %convert_element_type3A_491 : vector<16xf32>
    %and3A_493 = arith.constant 8191 : i32
    %and3A_494 = vector.broadcast %and3A_493 : i32 to vector<16xi32>
    %and3A_495 = arith.andi %convert_element_type3A_487, %and3A_494 : vector<16xi32>
    %convert_element_type3A_496 = arith.sitofp %and3A_495 : vector<16xi32> to vector<16xf32>
    %add3A_497 = arith.addf %add3A_481, %convert_element_type3A_496 : vector<16xf32>
    %get3A_498 = arith.constant 1856 : index
    %get3A_499 = tpu.vector_load %arg7[%get3A_498] {strides = array<i32>} : memref<2048xf32, #tpu.memory_space<vmem>>, vector<16xf32>,
    %add3A_500 = arith.addf %add3A_484, %get3A_499 : vector<16xf32>
    %get3A_501 = arith.constant 896 : index
    %get3A_502 = tpu.vector_load %arg7[%get3A_501] {strides = array<i32>} : memref<2048xf32, #tpu.memory_space<vmem>>, vector<16xf32>,
    %convert_element_type3A_503 = arith.fptosi %get3A_502 : vector<16xf32> to vector<16xi32>
    %shift_right_arithmetic3A_504 = arith.constant 13 : i32
    %shift_right_arithmetic3A_505 = vector.broadcast %shift_right_arithmetic3A_504 : i32 to vector<16xi32>
    %shift_right_arithmetic3A_506 = arith.shrsi %convert_element_type3A_503, %shift_right_arithmetic3A_505 : vector<16xi32>
    %convert_element_type3A_507 = arith.sitofp %shift_right_arithmetic3A_506 : vector<16xi32> to vector<16xf32>
    %add3A_508 = arith.addf %add3A_492, %convert_element_type3A_507 : vector<16xf32>
    %and3A_509 = arith.constant 8191 : i32
    %and3A_510 = vector.broadcast %and3A_509 : i32 to vector<16xi32>
    %and3A_511 = arith.andi %convert_element_type3A_503, %and3A_510 : vector<16xi32>
    %convert_element_type3A_512 = arith.sitofp %and3A_511 : vector<16xi32> to vector<16xf32>
    %add3A_513 = arith.addf %add3A_497, %convert_element_type3A_512 : vector<16xf32>
    %get3A_514 = arith.constant 1920 : index
    %get3A_515 = tpu.vector_load %arg7[%get3A_514] {strides = array<i32>} : memref<2048xf32, #tpu.memory_space<vmem>>, vector<16xf32>,
    %add3A_516 = arith.addf %add3A_500, %get3A_515 : vector<16xf32>
    %get3A_517 = arith.constant 960 : index
    %get3A_518 = tpu.vector_load %arg7[%get3A_517] {strides = array<i32>} : memref<2048xf32, #tpu.memory_space<vmem>>, vector<16xf32>,
    %convert_element_type3A_519 = arith.fptosi %get3A_518 : vector<16xf32> to vector<16xi32>
    %shift_right_arithmetic3A_520 = arith.constant 13 : i32
    %shift_right_arithmetic3A_521 = vector.broadcast %shift_right_arithmetic3A_520 : i32 to vector<16xi32>
    %shift_right_arithmetic3A_522 = arith.shrsi %convert_element_type3A_519, %shift_right_arithmetic3A_521 : vector<16xi32>
    %convert_element_type3A_523 = arith.sitofp %shift_right_arithmetic3A_522 : vector<16xi32> to vector<16xf32>
    %add3A_524 = arith.addf %add3A_508, %convert_element_type3A_523 : vector<16xf32>
    %and3A_525 = arith.constant 8191 : i32
    %and3A_526 = vector.broadcast %and3A_525 : i32 to vector<16xi32>
    %and3A_527 = arith.andi %convert_element_type3A_519, %and3A_526 : vector<16xi32>
    %convert_element_type3A_528 = arith.sitofp %and3A_527 : vector<16xi32> to vector<16xf32>
    %add3A_529 = arith.addf %add3A_513, %convert_element_type3A_528 : vector<16xf32>
    %get3A_530 = arith.constant 1984 : index
    %get3A_531 = tpu.vector_load %arg7[%get3A_530] {strides = array<i32>} : memref<2048xf32, #tpu.memory_space<vmem>>, vector<16xf32>,
    %add3A_532 = arith.addf %add3A_516, %get3A_531 : vector<16xf32>
    %swap3A_533 = arith.constant 0 : index
    %swap3A_534 = tpu.vector_load %arg8[%swap3A_533] {strides = array<i32>} : memref<192xf32, #tpu.memory_space<vmem>>, vector<16xf32>,
    tpu.vector_store %arg8[%swap3A_533], %add3A_524 {strides = array<i32>} : memref<192xf32, #tpu.memory_space<vmem>>, vector<16xf32>,
    %swap3A_535 = arith.constant 64 : index
    %swap3A_536 = tpu.vector_load %arg8[%swap3A_535] {strides = array<i32>} : memref<192xf32, #tpu.memory_space<vmem>>, vector<16xf32>,
    tpu.vector_store %arg8[%swap3A_535], %add3A_529 {strides = array<i32>} : memref<192xf32, #tpu.memory_space<vmem>>, vector<16xf32>,
    %swap3A_537 = arith.constant 128 : index
    %swap3A_538 = tpu.vector_load %arg8[%swap3A_537] {strides = array<i32>} : memref<192xf32, #tpu.memory_space<vmem>>, vector<16xf32>,
    tpu.vector_store %arg8[%swap3A_537], %add3A_532 {strides = array<i32>} : memref<192xf32, #tpu.memory_space<vmem>>, vector<16xf32>,
    %get3A_539 = arith.constant 16 : index
    %get3A_540 = tpu.vector_load %arg7[%get3A_539] {strides = array<i32>} : memref<2048xf32, #tpu.memory_space<vmem>>, vector<16xf32>,
    %convert_element_type3A_541 = arith.fptosi %get3A_540 : vector<16xf32> to vector<16xi32>
    %shift_right_arithmetic3A_542 = arith.constant 13 : i32
    %shift_right_arithmetic3A_543 = vector.broadcast %shift_right_arithmetic3A_542 : i32 to vector<16xi32>
    %shift_right_arithmetic3A_544 = arith.shrsi %convert_element_type3A_541, %shift_right_arithmetic3A_543 : vector<16xi32>
    %convert_element_type3A_545 = arith.sitofp %shift_right_arithmetic3A_544 : vector<16xi32> to vector<16xf32>
    %add3A_546 = arith.addf %broadcast_in_dim3A_5, %convert_element_type3A_545 : vector<16xf32>
    %and3A_547 = arith.constant 8191 : i32
    %and3A_548 = vector.broadcast %and3A_547 : i32 to vector<16xi32>
    %and3A_549 = arith.andi %convert_element_type3A_541, %and3A_548 : vector<16xi32>
    %convert_element_type3A_550 = arith.sitofp %and3A_549 : vector<16xi32> to vector<16xf32>
    %add3A_551 = arith.addf %broadcast_in_dim3A_5, %convert_element_type3A_550 : vector<16xf32>
    %get3A_552 = arith.constant 1040 : index
    %get3A_553 = tpu.vector_load %arg7[%get3A_552] {strides = array<i32>} : memref<2048xf32, #tpu.memory_space<vmem>>, vector<16xf32>,
    %add3A_554 = arith.addf %broadcast_in_dim3A_5, %get3A_553 : vector<16xf32>
    %get3A_555 = arith.constant 80 : index
    %get3A_556 = tpu.vector_load %arg7[%get3A_555] {strides = array<i32>} : memref<2048xf32, #tpu.memory_space<vmem>>, vector<16xf32>,
    %convert_element_type3A_557 = arith.fptosi %get3A_556 : vector<16xf32> to vector<16xi32>
    %shift_right_arithmetic3A_558 = arith.constant 13 : i32
    %shift_right_arithmetic3A_559 = vector.broadcast %shift_right_arithmetic3A_558 : i32 to vector<16xi32>
    %shift_right_arithmetic3A_560 = arith.shrsi %convert_element_type3A_557, %shift_right_arithmetic3A_559 : vector<16xi32>
    %convert_element_type3A_561 = arith.sitofp %shift_right_arithmetic3A_560 : vector<16xi32> to vector<16xf32>
    %add3A_562 = arith.addf %add3A_546, %convert_element_type3A_561 : vector<16xf32>
    %and3A_563 = arith.constant 8191 : i32
    %and3A_564 = vector.broadcast %and3A_563 : i32 to vector<16xi32>
    %and3A_565 = arith.andi %convert_element_type3A_557, %and3A_564 : vector<16xi32>
    %convert_element_type3A_566 = arith.sitofp %and3A_565 : vector<16xi32> to vector<16xf32>
    %add3A_567 = arith.addf %add3A_551, %convert_element_type3A_566 : vector<16xf32>
    %get3A_568 = arith.constant 1104 : index
    %get3A_569 = tpu.vector_load %arg7[%get3A_568] {strides = array<i32>} : memref<2048xf32, #tpu.memory_space<vmem>>, vector<16xf32>,
    %add3A_570 = arith.addf %add3A_554, %get3A_569 : vector<16xf32>
    %get3A_571 = arith.constant 144 : index
    %get3A_572 = tpu.vector_load %arg7[%get3A_571] {strides = array<i32>} : memref<2048xf32, #tpu.memory_space<vmem>>, vector<16xf32>,
    %convert_element_type3A_573 = arith.fptosi %get3A_572 : vector<16xf32> to vector<16xi32>
    %shift_right_arithmetic3A_574 = arith.constant 13 : i32
    %shift_right_arithmetic3A_575 = vector.broadcast %shift_right_arithmetic3A_574 : i32 to vector<16xi32>
    %shift_right_arithmetic3A_576 = arith.shrsi %convert_element_type3A_573, %shift_right_arithmetic3A_575 : vector<16xi32>
    %convert_element_type3A_577 = arith.sitofp %shift_right_arithmetic3A_576 : vector<16xi32> to vector<16xf32>
    %add3A_578 = arith.addf %add3A_562, %convert_element_type3A_577 : vector<16xf32>
    %and3A_579 = arith.constant 8191 : i32
    %and3A_580 = vector.broadcast %and3A_579 : i32 to vector<16xi32>
    %and3A_581 = arith.andi %convert_element_type3A_573, %and3A_580 : vector<16xi32>
    %convert_element_type3A_582 = arith.sitofp %and3A_581 : vector<16xi32> to vector<16xf32>
    %add3A_583 = arith.addf %add3A_567, %convert_element_type3A_582 : vector<16xf32>
    %get3A_584 = arith.constant 1168 : index
    %get3A_585 = tpu.vector_load %arg7[%get3A_584] {strides = array<i32>} : memref<2048xf32, #tpu.memory_space<vmem>>, vector<16xf32>,
    %add3A_586 = arith.addf %add3A_570, %get3A_585 : vector<16xf32>
    %get3A_587 = arith.constant 208 : index
    %get3A_588 = tpu.vector_load %arg7[%get3A_587] {strides = array<i32>} : memref<2048xf32, #tpu.memory_space<vmem>>, vector<16xf32>,
    %convert_element_type3A_589 = arith.fptosi %get3A_588 : vector<16xf32> to vector<16xi32>
    %shift_right_arithmetic3A_590 = arith.constant 13 : i32
    %shift_right_arithmetic3A_591 = vector.broadcast %shift_right_arithmetic3A_590 : i32 to vector<16xi32>
    %shift_right_arithmetic3A_592 = arith.shrsi %convert_element_type3A_589, %shift_right_arithmetic3A_591 : vector<16xi32>
    %convert_element_type3A_593 = arith.sitofp %shift_right_arithmetic3A_592 : vector<16xi32> to vector<16xf32>
    %add3A_594 = arith.addf %add3A_578, %convert_element_type3A_593 : vector<16xf32>
    %and3A_595 = arith.constant 8191 : i32
    %and3A_596 = vector.broadcast %and3A_595 : i32 to vector<16xi32>
    %and3A_597 = arith.andi %convert_element_type3A_589, %and3A_596 : vector<16xi32>
    %convert_element_type3A_598 = arith.sitofp %and3A_597 : vector<16xi32> to vector<16xf32>
    %add3A_599 = arith.addf %add3A_583, %convert_element_type3A_598 : vector<16xf32>
    %get3A_600 = arith.constant 1232 : index
    %get3A_601 = tpu.vector_load %arg7[%get3A_600] {strides = array<i32>} : memref<2048xf32, #tpu.memory_space<vmem>>, vector<16xf32>,
    %add3A_602 = arith.addf %add3A_586, %get3A_601 : vector<16xf32>
    %get3A_603 = arith.constant 272 : index
    %get3A_604 = tpu.vector_load %arg7[%get3A_603] {strides = array<i32>} : memref<2048xf32, #tpu.memory_space<vmem>>, vector<16xf32>,
    %convert_element_type3A_605 = arith.fptosi %get3A_604 : vector<16xf32> to vector<16xi32>
    %shift_right_arithmetic3A_606 = arith.constant 13 : i32
    %shift_right_arithmetic3A_607 = vector.broadcast %shift_right_arithmetic3A_606 : i32 to vector<16xi32>
    %shift_right_arithmetic3A_608 = arith.shrsi %convert_element_type3A_605, %shift_right_arithmetic3A_607 : vector<16xi32>
    %convert_element_type3A_609 = arith.sitofp %shift_right_arithmetic3A_608 : vector<16xi32> to vector<16xf32>
    %add3A_610 = arith.addf %add3A_594, %convert_element_type3A_609 : vector<16xf32>
    %and3A_611 = arith.constant 8191 : i32
    %and3A_612 = vector.broadcast %and3A_611 : i32 to vector<16xi32>
    %and3A_613 = arith.andi %convert_element_type3A_605, %and3A_612 : vector<16xi32>
    %convert_element_type3A_614 = arith.sitofp %and3A_613 : vector<16xi32> to vector<16xf32>
    %add3A_615 = arith.addf %add3A_599, %convert_element_type3A_614 : vector<16xf32>
    %get3A_616 = arith.constant 1296 : index
    %get3A_617 = tpu.vector_load %arg7[%get3A_616] {strides = array<i32>} : memref<2048xf32, #tpu.memory_space<vmem>>, vector<16xf32>,
    %add3A_618 = arith.addf %add3A_602, %get3A_617 : vector<16xf32>
    %get3A_619 = arith.constant 336 : index
    %get3A_620 = tpu.vector_load %arg7[%get3A_619] {strides = array<i32>} : memref<2048xf32, #tpu.memory_space<vmem>>, vector<16xf32>,
    %convert_element_type3A_621 = arith.fptosi %get3A_620 : vector<16xf32> to vector<16xi32>
    %shift_right_arithmetic3A_622 = arith.constant 13 : i32
    %shift_right_arithmetic3A_623 = vector.broadcast %shift_right_arithmetic3A_622 : i32 to vector<16xi32>
    %shift_right_arithmetic3A_624 = arith.shrsi %convert_element_type3A_621, %shift_right_arithmetic3A_623 : vector<16xi32>
    %convert_element_type3A_625 = arith.sitofp %shift_right_arithmetic3A_624 : vector<16xi32> to vector<16xf32>
    %add3A_626 = arith.addf %add3A_610, %convert_element_type3A_625 : vector<16xf32>
    %and3A_627 = arith.constant 8191 : i32
    %and3A_628 = vector.broadcast %and3A_627 : i32 to vector<16xi32>
    %and3A_629 = arith.andi %convert_element_type3A_621, %and3A_628 : vector<16xi32>
    %convert_element_type3A_630 = arith.sitofp %and3A_629 : vector<16xi32> to vector<16xf32>
    %add3A_631 = arith.addf %add3A_615, %convert_element_type3A_630 : vector<16xf32>
    %get3A_632 = arith.constant 1360 : index
    %get3A_633 = tpu.vector_load %arg7[%get3A_632] {strides = array<i32>} : memref<2048xf32, #tpu.memory_space<vmem>>, vector<16xf32>,
    %add3A_634 = arith.addf %add3A_618, %get3A_633 : vector<16xf32>
    %get3A_635 = arith.constant 400 : index
    %get3A_636 = tpu.vector_load %arg7[%get3A_635] {strides = array<i32>} : memref<2048xf32, #tpu.memory_space<vmem>>, vector<16xf32>,
    %convert_element_type3A_637 = arith.fptosi %get3A_636 : vector<16xf32> to vector<16xi32>
    %shift_right_arithmetic3A_638 = arith.constant 13 : i32
    %shift_right_arithmetic3A_639 = vector.broadcast %shift_right_arithmetic3A_638 : i32 to vector<16xi32>
    %shift_right_arithmetic3A_640 = arith.shrsi %convert_element_type3A_637, %shift_right_arithmetic3A_639 : vector<16xi32>
    %convert_element_type3A_641 = arith.sitofp %shift_right_arithmetic3A_640 : vector<16xi32> to vector<16xf32>
    %add3A_642 = arith.addf %add3A_626, %convert_element_type3A_641 : vector<16xf32>
    %and3A_643 = arith.constant 8191 : i32
    %and3A_644 = vector.broadcast %and3A_643 : i32 to vector<16xi32>
    %and3A_645 = arith.andi %convert_element_type3A_637, %and3A_644 : vector<16xi32>
    %convert_element_type3A_646 = arith.sitofp %and3A_645 : vector<16xi32> to vector<16xf32>
    %add3A_647 = arith.addf %add3A_631, %convert_element_type3A_646 : vector<16xf32>
    %get3A_648 = arith.constant 1424 : index
    %get3A_649 = tpu.vector_load %arg7[%get3A_648] {strides = array<i32>} : memref<2048xf32, #tpu.memory_space<vmem>>, vector<16xf32>,
    %add3A_650 = arith.addf %add3A_634, %get3A_649 : vector<16xf32>
    %get3A_651 = arith.constant 464 : index
    %get3A_652 = tpu.vector_load %arg7[%get3A_651] {strides = array<i32>} : memref<2048xf32, #tpu.memory_space<vmem>>, vector<16xf32>,
    %convert_element_type3A_653 = arith.fptosi %get3A_652 : vector<16xf32> to vector<16xi32>
    %shift_right_arithmetic3A_654 = arith.constant 13 : i32
    %shift_right_arithmetic3A_655 = vector.broadcast %shift_right_arithmetic3A_654 : i32 to vector<16xi32>
    %shift_right_arithmetic3A_656 = arith.shrsi %convert_element_type3A_653, %shift_right_arithmetic3A_655 : vector<16xi32>
    %convert_element_type3A_657 = arith.sitofp %shift_right_arithmetic3A_656 : vector<16xi32> to vector<16xf32>
    %add3A_658 = arith.addf %add3A_642, %convert_element_type3A_657 : vector<16xf32>
    %and3A_659 = arith.constant 8191 : i32
    %and3A_660 = vector.broadcast %and3A_659 : i32 to vector<16xi32>
    %and3A_661 = arith.andi %convert_element_type3A_653, %and3A_660 : vector<16xi32>
    %convert_element_type3A_662 = arith.sitofp %and3A_661 : vector<16xi32> to vector<16xf32>
    %add3A_663 = arith.addf %add3A_647, %convert_element_type3A_662 : vector<16xf32>
    %get3A_664 = arith.constant 1488 : index
    %get3A_665 = tpu.vector_load %arg7[%get3A_664] {strides = array<i32>} : memref<2048xf32, #tpu.memory_space<vmem>>, vector<16xf32>,
    %add3A_666 = arith.addf %add3A_650, %get3A_665 : vector<16xf32>
    %get3A_667 = arith.constant 528 : index
    %get3A_668 = tpu.vector_load %arg7[%get3A_667] {strides = array<i32>} : memref<2048xf32, #tpu.memory_space<vmem>>, vector<16xf32>,
    %convert_element_type3A_669 = arith.fptosi %get3A_668 : vector<16xf32> to vector<16xi32>
    %shift_right_arithmetic3A_670 = arith.constant 13 : i32
    %shift_right_arithmetic3A_671 = vector.broadcast %shift_right_arithmetic3A_670 : i32 to vector<16xi32>
    %shift_right_arithmetic3A_672 = arith.shrsi %convert_element_type3A_669, %shift_right_arithmetic3A_671 : vector<16xi32>
    %convert_element_type3A_673 = arith.sitofp %shift_right_arithmetic3A_672 : vector<16xi32> to vector<16xf32>
    %add3A_674 = arith.addf %add3A_658, %convert_element_type3A_673 : vector<16xf32>
    %and3A_675 = arith.constant 8191 : i32
    %and3A_676 = vector.broadcast %and3A_675 : i32 to vector<16xi32>
    %and3A_677 = arith.andi %convert_element_type3A_669, %and3A_676 : vector<16xi32>
    %convert_element_type3A_678 = arith.sitofp %and3A_677 : vector<16xi32> to vector<16xf32>
    %add3A_679 = arith.addf %add3A_663, %convert_element_type3A_678 : vector<16xf32>
    %get3A_680 = arith.constant 1552 : index
    %get3A_681 = tpu.vector_load %arg7[%get3A_680] {strides = array<i32>} : memref<2048xf32, #tpu.memory_space<vmem>>, vector<16xf32>,
    %add3A_682 = arith.addf %add3A_666, %get3A_681 : vector<16xf32>
    %get3A_683 = arith.constant 592 : index
    %get3A_684 = tpu.vector_load %arg7[%get3A_683] {strides = array<i32>} : memref<2048xf32, #tpu.memory_space<vmem>>, vector<16xf32>,
    %convert_element_type3A_685 = arith.fptosi %get3A_684 : vector<16xf32> to vector<16xi32>
    %shift_right_arithmetic3A_686 = arith.constant 13 : i32
    %shift_right_arithmetic3A_687 = vector.broadcast %shift_right_arithmetic3A_686 : i32 to vector<16xi32>
    %shift_right_arithmetic3A_688 = arith.shrsi %convert_element_type3A_685, %shift_right_arithmetic3A_687 : vector<16xi32>
    %convert_element_type3A_689 = arith.sitofp %shift_right_arithmetic3A_688 : vector<16xi32> to vector<16xf32>
    %add3A_690 = arith.addf %add3A_674, %convert_element_type3A_689 : vector<16xf32>
    %and3A_691 = arith.constant 8191 : i32
    %and3A_692 = vector.broadcast %and3A_691 : i32 to vector<16xi32>
    %and3A_693 = arith.andi %convert_element_type3A_685, %and3A_692 : vector<16xi32>
    %convert_element_type3A_694 = arith.sitofp %and3A_693 : vector<16xi32> to vector<16xf32>
    %add3A_695 = arith.addf %add3A_679, %convert_element_type3A_694 : vector<16xf32>
    %get3A_696 = arith.constant 1616 : index
    %get3A_697 = tpu.vector_load %arg7[%get3A_696] {strides = array<i32>} : memref<2048xf32, #tpu.memory_space<vmem>>, vector<16xf32>,
    %add3A_698 = arith.addf %add3A_682, %get3A_697 : vector<16xf32>
    %get3A_699 = arith.constant 656 : index
    %get3A_700 = tpu.vector_load %arg7[%get3A_699] {strides = array<i32>} : memref<2048xf32, #tpu.memory_space<vmem>>, vector<16xf32>,
    %convert_element_type3A_701 = arith.fptosi %get3A_700 : vector<16xf32> to vector<16xi32>
    %shift_right_arithmetic3A_702 = arith.constant 13 : i32
    %shift_right_arithmetic3A_703 = vector.broadcast %shift_right_arithmetic3A_702 : i32 to vector<16xi32>
    %shift_right_arithmetic3A_704 = arith.shrsi %convert_element_type3A_701, %shift_right_arithmetic3A_703 : vector<16xi32>
    %convert_element_type3A_705 = arith.sitofp %shift_right_arithmetic3A_704 : vector<16xi32> to vector<16xf32>
    %add3A_706 = arith.addf %add3A_690, %convert_element_type3A_705 : vector<16xf32>
    %and3A_707 = arith.constant 8191 : i32
    %and3A_708 = vector.broadcast %and3A_707 : i32 to vector<16xi32>
    %and3A_709 = arith.andi %convert_element_type3A_701, %and3A_708 : vector<16xi32>
    %convert_element_type3A_710 = arith.sitofp %and3A_709 : vector<16xi32> to vector<16xf32>
    %add3A_711 = arith.addf %add3A_695, %convert_element_type3A_710 : vector<16xf32>
    %get3A_712 = arith.constant 1680 : index
    %get3A_713 = tpu.vector_load %arg7[%get3A_712] {strides = array<i32>} : memref<2048xf32, #tpu.memory_space<vmem>>, vector<16xf32>,
    %add3A_714 = arith.addf %add3A_698, %get3A_713 : vector<16xf32>
    %get3A_715 = arith.constant 720 : index
    %get3A_716 = tpu.vector_load %arg7[%get3A_715] {strides = array<i32>} : memref<2048xf32, #tpu.memory_space<vmem>>, vector<16xf32>,
    %convert_element_type3A_717 = arith.fptosi %get3A_716 : vector<16xf32> to vector<16xi32>
    %shift_right_arithmetic3A_718 = arith.constant 13 : i32
    %shift_right_arithmetic3A_719 = vector.broadcast %shift_right_arithmetic3A_718 : i32 to vector<16xi32>
    %shift_right_arithmetic3A_720 = arith.shrsi %convert_element_type3A_717, %shift_right_arithmetic3A_719 : vector<16xi32>
    %convert_element_type3A_721 = arith.sitofp %shift_right_arithmetic3A_720 : vector<16xi32> to vector<16xf32>
    %add3A_722 = arith.addf %add3A_706, %convert_element_type3A_721 : vector<16xf32>
    %and3A_723 = arith.constant 8191 : i32
    %and3A_724 = vector.broadcast %and3A_723 : i32 to vector<16xi32>
    %and3A_725 = arith.andi %convert_element_type3A_717, %and3A_724 : vector<16xi32>
    %convert_element_type3A_726 = arith.sitofp %and3A_725 : vector<16xi32> to vector<16xf32>
    %add3A_727 = arith.addf %add3A_711, %convert_element_type3A_726 : vector<16xf32>
    %get3A_728 = arith.constant 1744 : index
    %get3A_729 = tpu.vector_load %arg7[%get3A_728] {strides = array<i32>} : memref<2048xf32, #tpu.memory_space<vmem>>, vector<16xf32>,
    %add3A_730 = arith.addf %add3A_714, %get3A_729 : vector<16xf32>
    %get3A_731 = arith.constant 784 : index
    %get3A_732 = tpu.vector_load %arg7[%get3A_731] {strides = array<i32>} : memref<2048xf32, #tpu.memory_space<vmem>>, vector<16xf32>,
    %convert_element_type3A_733 = arith.fptosi %get3A_732 : vector<16xf32> to vector<16xi32>
    %shift_right_arithmetic3A_734 = arith.constant 13 : i32
    %shift_right_arithmetic3A_735 = vector.broadcast %shift_right_arithmetic3A_734 : i32 to vector<16xi32>
    %shift_right_arithmetic3A_736 = arith.shrsi %convert_element_type3A_733, %shift_right_arithmetic3A_735 : vector<16xi32>
    %convert_element_type3A_737 = arith.sitofp %shift_right_arithmetic3A_736 : vector<16xi32> to vector<16xf32>
    %add3A_738 = arith.addf %add3A_722, %convert_element_type3A_737 : vector<16xf32>
    %and3A_739 = arith.constant 8191 : i32
    %and3A_740 = vector.broadcast %and3A_739 : i32 to vector<16xi32>
    %and3A_741 = arith.andi %convert_element_type3A_733, %and3A_740 : vector<16xi32>
    %convert_element_type3A_742 = arith.sitofp %and3A_741 : vector<16xi32> to vector<16xf32>
    %add3A_743 = arith.addf %add3A_727, %convert_element_type3A_742 : vector<16xf32>
    %get3A_744 = arith.constant 1808 : index
    %get3A_745 = tpu.vector_load %arg7[%get3A_744] {strides = array<i32>} : memref<2048xf32, #tpu.memory_space<vmem>>, vector<16xf32>,
    %add3A_746 = arith.addf %add3A_730, %get3A_745 : vector<16xf32>
    %get3A_747 = arith.constant 848 : index
    %get3A_748 = tpu.vector_load %arg7[%get3A_747] {strides = array<i32>} : memref<2048xf32, #tpu.memory_space<vmem>>, vector<16xf32>,
    %convert_element_type3A_749 = arith.fptosi %get3A_748 : vector<16xf32> to vector<16xi32>
    %shift_right_arithmetic3A_750 = arith.constant 13 : i32
    %shift_right_arithmetic3A_751 = vector.broadcast %shift_right_arithmetic3A_750 : i32 to vector<16xi32>
    %shift_right_arithmetic3A_752 = arith.shrsi %convert_element_type3A_749, %shift_right_arithmetic3A_751 : vector<16xi32>
    %convert_element_type3A_753 = arith.sitofp %shift_right_arithmetic3A_752 : vector<16xi32> to vector<16xf32>
    %add3A_754 = arith.addf %add3A_738, %convert_element_type3A_753 : vector<16xf32>
    %and3A_755 = arith.constant 8191 : i32
    %and3A_756 = vector.broadcast %and3A_755 : i32 to vector<16xi32>
    %and3A_757 = arith.andi %convert_element_type3A_749, %and3A_756 : vector<16xi32>
    %convert_element_type3A_758 = arith.sitofp %and3A_757 : vector<16xi32> to vector<16xf32>
    %add3A_759 = arith.addf %add3A_743, %convert_element_type3A_758 : vector<16xf32>
    %get3A_760 = arith.constant 1872 : index
    %get3A_761 = tpu.vector_load %arg7[%get3A_760] {strides = array<i32>} : memref<2048xf32, #tpu.memory_space<vmem>>, vector<16xf32>,
    %add3A_762 = arith.addf %add3A_746, %get3A_761 : vector<16xf32>
    %get3A_763 = arith.constant 912 : index
    %get3A_764 = tpu.vector_load %arg7[%get3A_763] {strides = array<i32>} : memref<2048xf32, #tpu.memory_space<vmem>>, vector<16xf32>,
    %convert_element_type3A_765 = arith.fptosi %get3A_764 : vector<16xf32> to vector<16xi32>
    %shift_right_arithmetic3A_766 = arith.constant 13 : i32
    %shift_right_arithmetic3A_767 = vector.broadcast %shift_right_arithmetic3A_766 : i32 to vector<16xi32>
    %shift_right_arithmetic3A_768 = arith.shrsi %convert_element_type3A_765, %shift_right_arithmetic3A_767 : vector<16xi32>
    %convert_element_type3A_769 = arith.sitofp %shift_right_arithmetic3A_768 : vector<16xi32> to vector<16xf32>
    %add3A_770 = arith.addf %add3A_754, %convert_element_type3A_769 : vector<16xf32>
    %and3A_771 = arith.constant 8191 : i32
    %and3A_772 = vector.broadcast %and3A_771 : i32 to vector<16xi32>
    %and3A_773 = arith.andi %convert_element_type3A_765, %and3A_772 : vector<16xi32>
    %convert_element_type3A_774 = arith.sitofp %and3A_773 : vector<16xi32> to vector<16xf32>
    %add3A_775 = arith.addf %add3A_759, %convert_element_type3A_774 : vector<16xf32>
    %get3A_776 = arith.constant 1936 : index
    %get3A_777 = tpu.vector_load %arg7[%get3A_776] {strides = array<i32>} : memref<2048xf32, #tpu.memory_space<vmem>>, vector<16xf32>,
    %add3A_778 = arith.addf %add3A_762, %get3A_777 : vector<16xf32>
    %get3A_779 = arith.constant 976 : index
    %get3A_780 = tpu.vector_load %arg7[%get3A_779] {strides = array<i32>} : memref<2048xf32, #tpu.memory_space<vmem>>, vector<16xf32>,
    %convert_element_type3A_781 = arith.fptosi %get3A_780 : vector<16xf32> to vector<16xi32>
    %shift_right_arithmetic3A_782 = arith.constant 13 : i32
    %shift_right_arithmetic3A_783 = vector.broadcast %shift_right_arithmetic3A_782 : i32 to vector<16xi32>
    %shift_right_arithmetic3A_784 = arith.shrsi %convert_element_type3A_781, %shift_right_arithmetic3A_783 : vector<16xi32>
    %convert_element_type3A_785 = arith.sitofp %shift_right_arithmetic3A_784 : vector<16xi32> to vector<16xf32>
    %add3A_786 = arith.addf %add3A_770, %convert_element_type3A_785 : vector<16xf32>
    %and3A_787 = arith.constant 8191 : i32
    %and3A_788 = vector.broadcast %and3A_787 : i32 to vector<16xi32>
    %and3A_789 = arith.andi %convert_element_type3A_781, %and3A_788 : vector<16xi32>
    %convert_element_type3A_790 = arith.sitofp %and3A_789 : vector<16xi32> to vector<16xf32>
    %add3A_791 = arith.addf %add3A_775, %convert_element_type3A_790 : vector<16xf32>
    %get3A_792 = arith.constant 2000 : index
    %get3A_793 = tpu.vector_load %arg7[%get3A_792] {strides = array<i32>} : memref<2048xf32, #tpu.memory_space<vmem>>, vector<16xf32>,
    %add3A_794 = arith.addf %add3A_778, %get3A_793 : vector<16xf32>
    %swap3A_795 = arith.constant 16 : index
    %swap3A_796 = tpu.vector_load %arg8[%swap3A_795] {strides = array<i32>} : memref<192xf32, #tpu.memory_space<vmem>>, vector<16xf32>,
    tpu.vector_store %arg8[%swap3A_795], %add3A_786 {strides = array<i32>} : memref<192xf32, #tpu.memory_space<vmem>>, vector<16xf32>,
    %swap3A_797 = arith.constant 80 : index
    %swap3A_798 = tpu.vector_load %arg8[%swap3A_797] {strides = array<i32>} : memref<192xf32, #tpu.memory_space<vmem>>, vector<16xf32>,
    tpu.vector_store %arg8[%swap3A_797], %add3A_791 {strides = array<i32>} : memref<192xf32, #tpu.memory_space<vmem>>, vector<16xf32>,
    %swap3A_799 = arith.constant 144 : index
    %swap3A_800 = tpu.vector_load %arg8[%swap3A_799] {strides = array<i32>} : memref<192xf32, #tpu.memory_space<vmem>>, vector<16xf32>,
    tpu.vector_store %arg8[%swap3A_799], %add3A_794 {strides = array<i32>} : memref<192xf32, #tpu.memory_space<vmem>>, vector<16xf32>,
    %get3A_801 = arith.constant 32 : index
    %get3A_802 = tpu.vector_load %arg7[%get3A_801] {strides = array<i32>} : memref<2048xf32, #tpu.memory_space<vmem>>, vector<16xf32>,
    %convert_element_type3A_803 = arith.fptosi %get3A_802 : vector<16xf32> to vector<16xi32>
    %shift_right_arithmetic3A_804 = arith.constant 13 : i32
    %shift_right_arithmetic3A_805 = vector.broadcast %shift_right_arithmetic3A_804 : i32 to vector<16xi32>
    %shift_right_arithmetic3A_806 = arith.shrsi %convert_element_type3A_803, %shift_right_arithmetic3A_805 : vector<16xi32>
    %convert_element_type3A_807 = arith.sitofp %shift_right_arithmetic3A_806 : vector<16xi32> to vector<16xf32>
    %add3A_808 = arith.addf %broadcast_in_dim3A_5, %convert_element_type3A_807 : vector<16xf32>
    %and3A_809 = arith.constant 8191 : i32
    %and3A_810 = vector.broadcast %and3A_809 : i32 to vector<16xi32>
    %and3A_811 = arith.andi %convert_element_type3A_803, %and3A_810 : vector<16xi32>
    %convert_element_type3A_812 = arith.sitofp %and3A_811 : vector<16xi32> to vector<16xf32>
    %add3A_813 = arith.addf %broadcast_in_dim3A_5, %convert_element_type3A_812 : vector<16xf32>
    %get3A_814 = arith.constant 1056 : index
    %get3A_815 = tpu.vector_load %arg7[%get3A_814] {strides = array<i32>} : memref<2048xf32, #tpu.memory_space<vmem>>, vector<16xf32>,
    %add3A_816 = arith.addf %broadcast_in_dim3A_5, %get3A_815 : vector<16xf32>
    %get3A_817 = arith.constant 96 : index
    %get3A_818 = tpu.vector_load %arg7[%get3A_817] {strides = array<i32>} : memref<2048xf32, #tpu.memory_space<vmem>>, vector<16xf32>,
    %convert_element_type3A_819 = arith.fptosi %get3A_818 : vector<16xf32> to vector<16xi32>
    %shift_right_arithmetic3A_820 = arith.constant 13 : i32
    %shift_right_arithmetic3A_821 = vector.broadcast %shift_right_arithmetic3A_820 : i32 to vector<16xi32>
    %shift_right_arithmetic3A_822 = arith.shrsi %convert_element_type3A_819, %shift_right_arithmetic3A_821 : vector<16xi32>
    %convert_element_type3A_823 = arith.sitofp %shift_right_arithmetic3A_822 : vector<16xi32> to vector<16xf32>
    %add3A_824 = arith.addf %add3A_808, %convert_element_type3A_823 : vector<16xf32>
    %and3A_825 = arith.constant 8191 : i32
    %and3A_826 = vector.broadcast %and3A_825 : i32 to vector<16xi32>
    %and3A_827 = arith.andi %convert_element_type3A_819, %and3A_826 : vector<16xi32>
    %convert_element_type3A_828 = arith.sitofp %and3A_827 : vector<16xi32> to vector<16xf32>
    %add3A_829 = arith.addf %add3A_813, %convert_element_type3A_828 : vector<16xf32>
    %get3A_830 = arith.constant 1120 : index
    %get3A_831 = tpu.vector_load %arg7[%get3A_830] {strides = array<i32>} : memref<2048xf32, #tpu.memory_space<vmem>>, vector<16xf32>,
    %add3A_832 = arith.addf %add3A_816, %get3A_831 : vector<16xf32>
    %get3A_833 = arith.constant 160 : index
    %get3A_834 = tpu.vector_load %arg7[%get3A_833] {strides = array<i32>} : memref<2048xf32, #tpu.memory_space<vmem>>, vector<16xf32>,
    %convert_element_type3A_835 = arith.fptosi %get3A_834 : vector<16xf32> to vector<16xi32>
    %shift_right_arithmetic3A_836 = arith.constant 13 : i32
    %shift_right_arithmetic3A_837 = vector.broadcast %shift_right_arithmetic3A_836 : i32 to vector<16xi32>
    %shift_right_arithmetic3A_838 = arith.shrsi %convert_element_type3A_835, %shift_right_arithmetic3A_837 : vector<16xi32>
    %convert_element_type3A_839 = arith.sitofp %shift_right_arithmetic3A_838 : vector<16xi32> to vector<16xf32>
    %add3A_840 = arith.addf %add3A_824, %convert_element_type3A_839 : vector<16xf32>
    %and3A_841 = arith.constant 8191 : i32
    %and3A_842 = vector.broadcast %and3A_841 : i32 to vector<16xi32>
    %and3A_843 = arith.andi %convert_element_type3A_835, %and3A_842 : vector<16xi32>
    %convert_element_type3A_844 = arith.sitofp %and3A_843 : vector<16xi32> to vector<16xf32>
    %add3A_845 = arith.addf %add3A_829, %convert_element_type3A_844 : vector<16xf32>
    %get3A_846 = arith.constant 1184 : index
    %get3A_847 = tpu.vector_load %arg7[%get3A_846] {strides = array<i32>} : memref<2048xf32, #tpu.memory_space<vmem>>, vector<16xf32>,
    %add3A_848 = arith.addf %add3A_832, %get3A_847 : vector<16xf32>
    %get3A_849 = arith.constant 224 : index
    %get3A_850 = tpu.vector_load %arg7[%get3A_849] {strides = array<i32>} : memref<2048xf32, #tpu.memory_space<vmem>>, vector<16xf32>,
    %convert_element_type3A_851 = arith.fptosi %get3A_850 : vector<16xf32> to vector<16xi32>
    %shift_right_arithmetic3A_852 = arith.constant 13 : i32
    %shift_right_arithmetic3A_853 = vector.broadcast %shift_right_arithmetic3A_852 : i32 to vector<16xi32>
    %shift_right_arithmetic3A_854 = arith.shrsi %convert_element_type3A_851, %shift_right_arithmetic3A_853 : vector<16xi32>
    %convert_element_type3A_855 = arith.sitofp %shift_right_arithmetic3A_854 : vector<16xi32> to vector<16xf32>
    %add3A_856 = arith.addf %add3A_840, %convert_element_type3A_855 : vector<16xf32>
    %and3A_857 = arith.constant 8191 : i32
    %and3A_858 = vector.broadcast %and3A_857 : i32 to vector<16xi32>
    %and3A_859 = arith.andi %convert_element_type3A_851, %and3A_858 : vector<16xi32>
    %convert_element_type3A_860 = arith.sitofp %and3A_859 : vector<16xi32> to vector<16xf32>
    %add3A_861 = arith.addf %add3A_845, %convert_element_type3A_860 : vector<16xf32>
    %get3A_862 = arith.constant 1248 : index
    %get3A_863 = tpu.vector_load %arg7[%get3A_862] {strides = array<i32>} : memref<2048xf32, #tpu.memory_space<vmem>>, vector<16xf32>,
    %add3A_864 = arith.addf %add3A_848, %get3A_863 : vector<16xf32>
    %get3A_865 = arith.constant 288 : index
    %get3A_866 = tpu.vector_load %arg7[%get3A_865] {strides = array<i32>} : memref<2048xf32, #tpu.memory_space<vmem>>, vector<16xf32>,
    %convert_element_type3A_867 = arith.fptosi %get3A_866 : vector<16xf32> to vector<16xi32>
    %shift_right_arithmetic3A_868 = arith.constant 13 : i32
    %shift_right_arithmetic3A_869 = vector.broadcast %shift_right_arithmetic3A_868 : i32 to vector<16xi32>
    %shift_right_arithmetic3A_870 = arith.shrsi %convert_element_type3A_867, %shift_right_arithmetic3A_869 : vector<16xi32>
    %convert_element_type3A_871 = arith.sitofp %shift_right_arithmetic3A_870 : vector<16xi32> to vector<16xf32>
    %add3A_872 = arith.addf %add3A_856, %convert_element_type3A_871 : vector<16xf32>
    %and3A_873 = arith.constant 8191 : i32
    %and3A_874 = vector.broadcast %and3A_873 : i32 to vector<16xi32>
    %and3A_875 = arith.andi %convert_element_type3A_867, %and3A_874 : vector<16xi32>
    %convert_element_type3A_876 = arith.sitofp %and3A_875 : vector<16xi32> to vector<16xf32>
    %add3A_877 = arith.addf %add3A_861, %convert_element_type3A_876 : vector<16xf32>
    %get3A_878 = arith.constant 1312 : index
    %get3A_879 = tpu.vector_load %arg7[%get3A_878] {strides = array<i32>} : memref<2048xf32, #tpu.memory_space<vmem>>, vector<16xf32>,
    %add3A_880 = arith.addf %add3A_864, %get3A_879 : vector<16xf32>
    %get3A_881 = arith.constant 352 : index
    %get3A_882 = tpu.vector_load %arg7[%get3A_881] {strides = array<i32>} : memref<2048xf32, #tpu.memory_space<vmem>>, vector<16xf32>,
    %convert_element_type3A_883 = arith.fptosi %get3A_882 : vector<16xf32> to vector<16xi32>
    %shift_right_arithmetic3A_884 = arith.constant 13 : i32
    %shift_right_arithmetic3A_885 = vector.broadcast %shift_right_arithmetic3A_884 : i32 to vector<16xi32>
    %shift_right_arithmetic3A_886 = arith.shrsi %convert_element_type3A_883, %shift_right_arithmetic3A_885 : vector<16xi32>
    %convert_element_type3A_887 = arith.sitofp %shift_right_arithmetic3A_886 : vector<16xi32> to vector<16xf32>
    %add3A_888 = arith.addf %add3A_872, %convert_element_type3A_887 : vector<16xf32>
    %and3A_889 = arith.constant 8191 : i32
    %and3A_890 = vector.broadcast %and3A_889 : i32 to vector<16xi32>
    %and3A_891 = arith.andi %convert_element_type3A_883, %and3A_890 : vector<16xi32>
    %convert_element_type3A_892 = arith.sitofp %and3A_891 : vector<16xi32> to vector<16xf32>
    %add3A_893 = arith.addf %add3A_877, %convert_element_type3A_892 : vector<16xf32>
    %get3A_894 = arith.constant 1376 : index
    %get3A_895 = tpu.vector_load %arg7[%get3A_894] {strides = array<i32>} : memref<2048xf32, #tpu.memory_space<vmem>>, vector<16xf32>,
    %add3A_896 = arith.addf %add3A_880, %get3A_895 : vector<16xf32>
    %get3A_897 = arith.constant 416 : index
    %get3A_898 = tpu.vector_load %arg7[%get3A_897] {strides = array<i32>} : memref<2048xf32, #tpu.memory_space<vmem>>, vector<16xf32>,
    %convert_element_type3A_899 = arith.fptosi %get3A_898 : vector<16xf32> to vector<16xi32>
    %shift_right_arithmetic3A_900 = arith.constant 13 : i32
    %shift_right_arithmetic3A_901 = vector.broadcast %shift_right_arithmetic3A_900 : i32 to vector<16xi32>
    %shift_right_arithmetic3A_902 = arith.shrsi %convert_element_type3A_899, %shift_right_arithmetic3A_901 : vector<16xi32>
    %convert_element_type3A_903 = arith.sitofp %shift_right_arithmetic3A_902 : vector<16xi32> to vector<16xf32>
    %add3A_904 = arith.addf %add3A_888, %convert_element_type3A_903 : vector<16xf32>
    %and3A_905 = arith.constant 8191 : i32
    %and3A_906 = vector.broadcast %and3A_905 : i32 to vector<16xi32>
    %and3A_907 = arith.andi %convert_element_type3A_899, %and3A_906 : vector<16xi32>
    %convert_element_type3A_908 = arith.sitofp %and3A_907 : vector<16xi32> to vector<16xf32>
    %add3A_909 = arith.addf %add3A_893, %convert_element_type3A_908 : vector<16xf32>
    %get3A_910 = arith.constant 1440 : index
    %get3A_911 = tpu.vector_load %arg7[%get3A_910] {strides = array<i32>} : memref<2048xf32, #tpu.memory_space<vmem>>, vector<16xf32>,
    %add3A_912 = arith.addf %add3A_896, %get3A_911 : vector<16xf32>
    %get3A_913 = arith.constant 480 : index
    %get3A_914 = tpu.vector_load %arg7[%get3A_913] {strides = array<i32>} : memref<2048xf32, #tpu.memory_space<vmem>>, vector<16xf32>,
    %convert_element_type3A_915 = arith.fptosi %get3A_914 : vector<16xf32> to vector<16xi32>
    %shift_right_arithmetic3A_916 = arith.constant 13 : i32
    %shift_right_arithmetic3A_917 = vector.broadcast %shift_right_arithmetic3A_916 : i32 to vector<16xi32>
    %shift_right_arithmetic3A_918 = arith.shrsi %convert_element_type3A_915, %shift_right_arithmetic3A_917 : vector<16xi32>
    %convert_element_type3A_919 = arith.sitofp %shift_right_arithmetic3A_918 : vector<16xi32> to vector<16xf32>
    %add3A_920 = arith.addf %add3A_904, %convert_element_type3A_919 : vector<16xf32>
    %and3A_921 = arith.constant 8191 : i32
    %and3A_922 = vector.broadcast %and3A_921 : i32 to vector<16xi32>
    %and3A_923 = arith.andi %convert_element_type3A_915, %and3A_922 : vector<16xi32>
    %convert_element_type3A_924 = arith.sitofp %and3A_923 : vector<16xi32> to vector<16xf32>
    %add3A_925 = arith.addf %add3A_909, %convert_element_type3A_924 : vector<16xf32>
    %get3A_926 = arith.constant 1504 : index
    %get3A_927 = tpu.vector_load %arg7[%get3A_926] {strides = array<i32>} : memref<2048xf32, #tpu.memory_space<vmem>>, vector<16xf32>,
    %add3A_928 = arith.addf %add3A_912, %get3A_927 : vector<16xf32>
    %get3A_929 = arith.constant 544 : index
    %get3A_930 = tpu.vector_load %arg7[%get3A_929] {strides = array<i32>} : memref<2048xf32, #tpu.memory_space<vmem>>, vector<16xf32>,
    %convert_element_type3A_931 = arith.fptosi %get3A_930 : vector<16xf32> to vector<16xi32>
    %shift_right_arithmetic3A_932 = arith.constant 13 : i32
    %shift_right_arithmetic3A_933 = vector.broadcast %shift_right_arithmetic3A_932 : i32 to vector<16xi32>
    %shift_right_arithmetic3A_934 = arith.shrsi %convert_element_type3A_931, %shift_right_arithmetic3A_933 : vector<16xi32>
    %convert_element_type3A_935 = arith.sitofp %shift_right_arithmetic3A_934 : vector<16xi32> to vector<16xf32>
    %add3A_936 = arith.addf %add3A_920, %convert_element_type3A_935 : vector<16xf32>
    %and3A_937 = arith.constant 8191 : i32
    %and3A_938 = vector.broadcast %and3A_937 : i32 to vector<16xi32>
    %and3A_939 = arith.andi %convert_element_type3A_931, %and3A_938 : vector<16xi32>
    %convert_element_type3A_940 = arith.sitofp %and3A_939 : vector<16xi32> to vector<16xf32>
    %add3A_941 = arith.addf %add3A_925, %convert_element_type3A_940 : vector<16xf32>
    %get3A_942 = arith.constant 1568 : index
    %get3A_943 = tpu.vector_load %arg7[%get3A_942] {strides = array<i32>} : memref<2048xf32, #tpu.memory_space<vmem>>, vector<16xf32>,
    %add3A_944 = arith.addf %add3A_928, %get3A_943 : vector<16xf32>
    %get3A_945 = arith.constant 608 : index
    %get3A_946 = tpu.vector_load %arg7[%get3A_945] {strides = array<i32>} : memref<2048xf32, #tpu.memory_space<vmem>>, vector<16xf32>,
    %convert_element_type3A_947 = arith.fptosi %get3A_946 : vector<16xf32> to vector<16xi32>
    %shift_right_arithmetic3A_948 = arith.constant 13 : i32
    %shift_right_arithmetic3A_949 = vector.broadcast %shift_right_arithmetic3A_948 : i32 to vector<16xi32>
    %shift_right_arithmetic3A_950 = arith.shrsi %convert_element_type3A_947, %shift_right_arithmetic3A_949 : vector<16xi32>
    %convert_element_type3A_951 = arith.sitofp %shift_right_arithmetic3A_950 : vector<16xi32> to vector<16xf32>
    %add3A_952 = arith.addf %add3A_936, %convert_element_type3A_951 : vector<16xf32>
    %and3A_953 = arith.constant 8191 : i32
    %and3A_954 = vector.broadcast %and3A_953 : i32 to vector<16xi32>
    %and3A_955 = arith.andi %convert_element_type3A_947, %and3A_954 : vector<16xi32>
    %convert_element_type3A_956 = arith.sitofp %and3A_955 : vector<16xi32> to vector<16xf32>
    %add3A_957 = arith.addf %add3A_941, %convert_element_type3A_956 : vector<16xf32>
    %get3A_958 = arith.constant 1632 : index
    %get3A_959 = tpu.vector_load %arg7[%get3A_958] {strides = array<i32>} : memref<2048xf32, #tpu.memory_space<vmem>>, vector<16xf32>,
    %add3A_960 = arith.addf %add3A_944, %get3A_959 : vector<16xf32>
    %get3A_961 = arith.constant 672 : index
    %get3A_962 = tpu.vector_load %arg7[%get3A_961] {strides = array<i32>} : memref<2048xf32, #tpu.memory_space<vmem>>, vector<16xf32>,
    %convert_element_type3A_963 = arith.fptosi %get3A_962 : vector<16xf32> to vector<16xi32>
    %shift_right_arithmetic3A_964 = arith.constant 13 : i32
    %shift_right_arithmetic3A_965 = vector.broadcast %shift_right_arithmetic3A_964 : i32 to vector<16xi32>
    %shift_right_arithmetic3A_966 = arith.shrsi %convert_element_type3A_963, %shift_right_arithmetic3A_965 : vector<16xi32>
    %convert_element_type3A_967 = arith.sitofp %shift_right_arithmetic3A_966 : vector<16xi32> to vector<16xf32>
    %add3A_968 = arith.addf %add3A_952, %convert_element_type3A_967 : vector<16xf32>
    %and3A_969 = arith.constant 8191 : i32
    %and3A_970 = vector.broadcast %and3A_969 : i32 to vector<16xi32>
    %and3A_971 = arith.andi %convert_element_type3A_963, %and3A_970 : vector<16xi32>
    %convert_element_type3A_972 = arith.sitofp %and3A_971 : vector<16xi32> to vector<16xf32>
    %add3A_973 = arith.addf %add3A_957, %convert_element_type3A_972 : vector<16xf32>
    %get3A_974 = arith.constant 1696 : index
    %get3A_975 = tpu.vector_load %arg7[%get3A_974] {strides = array<i32>} : memref<2048xf32, #tpu.memory_space<vmem>>, vector<16xf32>,
    %add3A_976 = arith.addf %add3A_960, %get3A_975 : vector<16xf32>
    %get3A_977 = arith.constant 736 : index
    %get3A_978 = tpu.vector_load %arg7[%get3A_977] {strides = array<i32>} : memref<2048xf32, #tpu.memory_space<vmem>>, vector<16xf32>,
    %convert_element_type3A_979 = arith.fptosi %get3A_978 : vector<16xf32> to vector<16xi32>
    %shift_right_arithmetic3A_980 = arith.constant 13 : i32
    %shift_right_arithmetic3A_981 = vector.broadcast %shift_right_arithmetic3A_980 : i32 to vector<16xi32>
    %shift_right_arithmetic3A_982 = arith.shrsi %convert_element_type3A_979, %shift_right_arithmetic3A_981 : vector<16xi32>
    %convert_element_type3A_983 = arith.sitofp %shift_right_arithmetic3A_982 : vector<16xi32> to vector<16xf32>
    %add3A_984 = arith.addf %add3A_968, %convert_element_type3A_983 : vector<16xf32>
    %and3A_985 = arith.constant 8191 : i32
    %and3A_986 = vector.broadcast %and3A_985 : i32 to vector<16xi32>
    %and3A_987 = arith.andi %convert_element_type3A_979, %and3A_986 : vector<16xi32>
    %convert_element_type3A_988 = arith.sitofp %and3A_987 : vector<16xi32> to vector<16xf32>
    %add3A_989 = arith.addf %add3A_973, %convert_element_type3A_988 : vector<16xf32>
    %get3A_990 = arith.constant 1760 : index
    %get3A_991 = tpu.vector_load %arg7[%get3A_990] {strides = array<i32>} : memref<2048xf32, #tpu.memory_space<vmem>>, vector<16xf32>,
    %add3A_992 = arith.addf %add3A_976, %get3A_991 : vector<16xf32>
    %get3A_993 = arith.constant 800 : index
    %get3A_994 = tpu.vector_load %arg7[%get3A_993] {strides = array<i32>} : memref<2048xf32, #tpu.memory_space<vmem>>, vector<16xf32>,
    %convert_element_type3A_995 = arith.fptosi %get3A_994 : vector<16xf32> to vector<16xi32>
    %shift_right_arithmetic3A_996 = arith.constant 13 : i32
    %shift_right_arithmetic3A_997 = vector.broadcast %shift_right_arithmetic3A_996 : i32 to vector<16xi32>
    %shift_right_arithmetic3A_998 = arith.shrsi %convert_element_type3A_995, %shift_right_arithmetic3A_997 : vector<16xi32>
    %convert_element_type3A_999 = arith.sitofp %shift_right_arithmetic3A_998 : vector<16xi32> to vector<16xf32>
    %add3A_1000 = arith.addf %add3A_984, %convert_element_type3A_999 : vector<16xf32>
    %and3A_1001 = arith.constant 8191 : i32
    %and3A_1002 = vector.broadcast %and3A_1001 : i32 to vector<16xi32>
    %and3A_1003 = arith.andi %convert_element_type3A_995, %and3A_1002 : vector<16xi32>
    %convert_element_type3A_1004 = arith.sitofp %and3A_1003 : vector<16xi32> to vector<16xf32>
    %add3A_1005 = arith.addf %add3A_989, %convert_element_type3A_1004 : vector<16xf32>
    %get3A_1006 = arith.constant 1824 : index
    %get3A_1007 = tpu.vector_load %arg7[%get3A_1006] {strides = array<i32>} : memref<2048xf32, #tpu.memory_space<vmem>>, vector<16xf32>,
    %add3A_1008 = arith.addf %add3A_992, %get3A_1007 : vector<16xf32>
    %get3A_1009 = arith.constant 864 : index
    %get3A_1010 = tpu.vector_load %arg7[%get3A_1009] {strides = array<i32>} : memref<2048xf32, #tpu.memory_space<vmem>>, vector<16xf32>,
    %convert_element_type3A_1011 = arith.fptosi %get3A_1010 : vector<16xf32> to vector<16xi32>
    %shift_right_arithmetic3A_1012 = arith.constant 13 : i32
    %shift_right_arithmetic3A_1013 = vector.broadcast %shift_right_arithmetic3A_1012 : i32 to vector<16xi32>
    %shift_right_arithmetic3A_1014 = arith.shrsi %convert_element_type3A_1011, %shift_right_arithmetic3A_1013 : vector<16xi32>
    %convert_element_type3A_1015 = arith.sitofp %shift_right_arithmetic3A_1014 : vector<16xi32> to vector<16xf32>
    %add3A_1016 = arith.addf %add3A_1000, %convert_element_type3A_1015 : vector<16xf32>
    %and3A_1017 = arith.constant 8191 : i32
    %and3A_1018 = vector.broadcast %and3A_1017 : i32 to vector<16xi32>
    %and3A_1019 = arith.andi %convert_element_type3A_1011, %and3A_1018 : vector<16xi32>
    %convert_element_type3A_1020 = arith.sitofp %and3A_1019 : vector<16xi32> to vector<16xf32>
    %add3A_1021 = arith.addf %add3A_1005, %convert_element_type3A_1020 : vector<16xf32>
    %get3A_1022 = arith.constant 1888 : index
    %get3A_1023 = tpu.vector_load %arg7[%get3A_1022] {strides = array<i32>} : memref<2048xf32, #tpu.memory_space<vmem>>, vector<16xf32>,
    %add3A_1024 = arith.addf %add3A_1008, %get3A_1023 : vector<16xf32>
    %get3A_1025 = arith.constant 928 : index
    %get3A_1026 = tpu.vector_load %arg7[%get3A_1025] {strides = array<i32>} : memref<2048xf32, #tpu.memory_space<vmem>>, vector<16xf32>,
    %convert_element_type3A_1027 = arith.fptosi %get3A_1026 : vector<16xf32> to vector<16xi32>
    %shift_right_arithmetic3A_1028 = arith.constant 13 : i32
    %shift_right_arithmetic3A_1029 = vector.broadcast %shift_right_arithmetic3A_1028 : i32 to vector<16xi32>
    %shift_right_arithmetic3A_1030 = arith.shrsi %convert_element_type3A_1027, %shift_right_arithmetic3A_1029 : vector<16xi32>
    %convert_element_type3A_1031 = arith.sitofp %shift_right_arithmetic3A_1030 : vector<16xi32> to vector<16xf32>
    %add3A_1032 = arith.addf %add3A_1016, %convert_element_type3A_1031 : vector<16xf32>
    %and3A_1033 = arith.constant 8191 : i32
    %and3A_1034 = vector.broadcast %and3A_1033 : i32 to vector<16xi32>
    %and3A_1035 = arith.andi %convert_element_type3A_1027, %and3A_1034 : vector<16xi32>
    %convert_element_type3A_1036 = arith.sitofp %and3A_1035 : vector<16xi32> to vector<16xf32>
    %add3A_1037 = arith.addf %add3A_1021, %convert_element_type3A_1036 : vector<16xf32>
    %get3A_1038 = arith.constant 1952 : index
    %get3A_1039 = tpu.vector_load %arg7[%get3A_1038] {strides = array<i32>} : memref<2048xf32, #tpu.memory_space<vmem>>, vector<16xf32>,
    %add3A_1040 = arith.addf %add3A_1024, %get3A_1039 : vector<16xf32>
    %get3A_1041 = arith.constant 992 : index
    %get3A_1042 = tpu.vector_load %arg7[%get3A_1041] {strides = array<i32>} : memref<2048xf32, #tpu.memory_space<vmem>>, vector<16xf32>,
    %convert_element_type3A_1043 = arith.fptosi %get3A_1042 : vector<16xf32> to vector<16xi32>
    %shift_right_arithmetic3A_1044 = arith.constant 13 : i32
    %shift_right_arithmetic3A_1045 = vector.broadcast %shift_right_arithmetic3A_1044 : i32 to vector<16xi32>
    %shift_right_arithmetic3A_1046 = arith.shrsi %convert_element_type3A_1043, %shift_right_arithmetic3A_1045 : vector<16xi32>
    %convert_element_type3A_1047 = arith.sitofp %shift_right_arithmetic3A_1046 : vector<16xi32> to vector<16xf32>
    %add3A_1048 = arith.addf %add3A_1032, %convert_element_type3A_1047 : vector<16xf32>
    %and3A_1049 = arith.constant 8191 : i32
    %and3A_1050 = vector.broadcast %and3A_1049 : i32 to vector<16xi32>
    %and3A_1051 = arith.andi %convert_element_type3A_1043, %and3A_1050 : vector<16xi32>
    %convert_element_type3A_1052 = arith.sitofp %and3A_1051 : vector<16xi32> to vector<16xf32>
    %add3A_1053 = arith.addf %add3A_1037, %convert_element_type3A_1052 : vector<16xf32>
    %get3A_1054 = arith.constant 2016 : index
    %get3A_1055 = tpu.vector_load %arg7[%get3A_1054] {strides = array<i32>} : memref<2048xf32, #tpu.memory_space<vmem>>, vector<16xf32>,
    %add3A_1056 = arith.addf %add3A_1040, %get3A_1055 : vector<16xf32>
    %swap3A_1057 = arith.constant 32 : index
    %swap3A_1058 = tpu.vector_load %arg8[%swap3A_1057] {strides = array<i32>} : memref<192xf32, #tpu.memory_space<vmem>>, vector<16xf32>,
    tpu.vector_store %arg8[%swap3A_1057], %add3A_1048 {strides = array<i32>} : memref<192xf32, #tpu.memory_space<vmem>>, vector<16xf32>,
    %swap3A_1059 = arith.constant 96 : index
    %swap3A_1060 = tpu.vector_load %arg8[%swap3A_1059] {strides = array<i32>} : memref<192xf32, #tpu.memory_space<vmem>>, vector<16xf32>,
    tpu.vector_store %arg8[%swap3A_1059], %add3A_1053 {strides = array<i32>} : memref<192xf32, #tpu.memory_space<vmem>>, vector<16xf32>,
    %swap3A_1061 = arith.constant 160 : index
    %swap3A_1062 = tpu.vector_load %arg8[%swap3A_1061] {strides = array<i32>} : memref<192xf32, #tpu.memory_space<vmem>>, vector<16xf32>,
    tpu.vector_store %arg8[%swap3A_1061], %add3A_1056 {strides = array<i32>} : memref<192xf32, #tpu.memory_space<vmem>>, vector<16xf32>,
    %get3A_1063 = arith.constant 48 : index
    %get3A_1064 = tpu.vector_load %arg7[%get3A_1063] {strides = array<i32>} : memref<2048xf32, #tpu.memory_space<vmem>>, vector<16xf32>,
    %convert_element_type3A_1065 = arith.fptosi %get3A_1064 : vector<16xf32> to vector<16xi32>
    %shift_right_arithmetic3A_1066 = arith.constant 13 : i32
    %shift_right_arithmetic3A_1067 = vector.broadcast %shift_right_arithmetic3A_1066 : i32 to vector<16xi32>
    %shift_right_arithmetic3A_1068 = arith.shrsi %convert_element_type3A_1065, %shift_right_arithmetic3A_1067 : vector<16xi32>
    %convert_element_type3A_1069 = arith.sitofp %shift_right_arithmetic3A_1068 : vector<16xi32> to vector<16xf32>
    %add3A_1070 = arith.addf %broadcast_in_dim3A_5, %convert_element_type3A_1069 : vector<16xf32>
    %and3A_1071 = arith.constant 8191 : i32
    %and3A_1072 = vector.broadcast %and3A_1071 : i32 to vector<16xi32>
    %and3A_1073 = arith.andi %convert_element_type3A_1065, %and3A_1072 : vector<16xi32>
    %convert_element_type3A_1074 = arith.sitofp %and3A_1073 : vector<16xi32> to vector<16xf32>
    %add3A_1075 = arith.addf %broadcast_in_dim3A_5, %convert_element_type3A_1074 : vector<16xf32>
    %get3A_1076 = arith.constant 1072 : index
    %get3A_1077 = tpu.vector_load %arg7[%get3A_1076] {strides = array<i32>} : memref<2048xf32, #tpu.memory_space<vmem>>, vector<16xf32>,
    %add3A_1078 = arith.addf %broadcast_in_dim3A_5, %get3A_1077 : vector<16xf32>
    %get3A_1079 = arith.constant 112 : index
    %get3A_1080 = tpu.vector_load %arg7[%get3A_1079] {strides = array<i32>} : memref<2048xf32, #tpu.memory_space<vmem>>, vector<16xf32>,
    %convert_element_type3A_1081 = arith.fptosi %get3A_1080 : vector<16xf32> to vector<16xi32>
    %shift_right_arithmetic3A_1082 = arith.constant 13 : i32
    %shift_right_arithmetic3A_1083 = vector.broadcast %shift_right_arithmetic3A_1082 : i32 to vector<16xi32>
    %shift_right_arithmetic3A_1084 = arith.shrsi %convert_element_type3A_1081, %shift_right_arithmetic3A_1083 : vector<16xi32>
    %convert_element_type3A_1085 = arith.sitofp %shift_right_arithmetic3A_1084 : vector<16xi32> to vector<16xf32>
    %add3A_1086 = arith.addf %add3A_1070, %convert_element_type3A_1085 : vector<16xf32>
    %and3A_1087 = arith.constant 8191 : i32
    %and3A_1088 = vector.broadcast %and3A_1087 : i32 to vector<16xi32>
    %and3A_1089 = arith.andi %convert_element_type3A_1081, %and3A_1088 : vector<16xi32>
    %convert_element_type3A_1090 = arith.sitofp %and3A_1089 : vector<16xi32> to vector<16xf32>
    %add3A_1091 = arith.addf %add3A_1075, %convert_element_type3A_1090 : vector<16xf32>
    %get3A_1092 = arith.constant 1136 : index
    %get3A_1093 = tpu.vector_load %arg7[%get3A_1092] {strides = array<i32>} : memref<2048xf32, #tpu.memory_space<vmem>>, vector<16xf32>,
    %add3A_1094 = arith.addf %add3A_1078, %get3A_1093 : vector<16xf32>
    %get3A_1095 = arith.constant 176 : index
    %get3A_1096 = tpu.vector_load %arg7[%get3A_1095] {strides = array<i32>} : memref<2048xf32, #tpu.memory_space<vmem>>, vector<16xf32>,
    %convert_element_type3A_1097 = arith.fptosi %get3A_1096 : vector<16xf32> to vector<16xi32>
    %shift_right_arithmetic3A_1098 = arith.constant 13 : i32
    %shift_right_arithmetic3A_1099 = vector.broadcast %shift_right_arithmetic3A_1098 : i32 to vector<16xi32>
    %shift_right_arithmetic3A_1100 = arith.shrsi %convert_element_type3A_1097, %shift_right_arithmetic3A_1099 : vector<16xi32>
    %convert_element_type3A_1101 = arith.sitofp %shift_right_arithmetic3A_1100 : vector<16xi32> to vector<16xf32>
    %add3A_1102 = arith.addf %add3A_1086, %convert_element_type3A_1101 : vector<16xf32>
    %and3A_1103 = arith.constant 8191 : i32
    %and3A_1104 = vector.broadcast %and3A_1103 : i32 to vector<16xi32>
    %and3A_1105 = arith.andi %convert_element_type3A_1097, %and3A_1104 : vector<16xi32>
    %convert_element_type3A_1106 = arith.sitofp %and3A_1105 : vector<16xi32> to vector<16xf32>
    %add3A_1107 = arith.addf %add3A_1091, %convert_element_type3A_1106 : vector<16xf32>
    %get3A_1108 = arith.constant 1200 : index
    %get3A_1109 = tpu.vector_load %arg7[%get3A_1108] {strides = array<i32>} : memref<2048xf32, #tpu.memory_space<vmem>>, vector<16xf32>,
    %add3A_1110 = arith.addf %add3A_1094, %get3A_1109 : vector<16xf32>
    %get3A_1111 = arith.constant 240 : index
    %get3A_1112 = tpu.vector_load %arg7[%get3A_1111] {strides = array<i32>} : memref<2048xf32, #tpu.memory_space<vmem>>, vector<16xf32>,
    %convert_element_type3A_1113 = arith.fptosi %get3A_1112 : vector<16xf32> to vector<16xi32>
    %shift_right_arithmetic3A_1114 = arith.constant 13 : i32
    %shift_right_arithmetic3A_1115 = vector.broadcast %shift_right_arithmetic3A_1114 : i32 to vector<16xi32>
    %shift_right_arithmetic3A_1116 = arith.shrsi %convert_element_type3A_1113, %shift_right_arithmetic3A_1115 : vector<16xi32>
    %convert_element_type3A_1117 = arith.sitofp %shift_right_arithmetic3A_1116 : vector<16xi32> to vector<16xf32>
    %add3A_1118 = arith.addf %add3A_1102, %convert_element_type3A_1117 : vector<16xf32>
    %and3A_1119 = arith.constant 8191 : i32
    %and3A_1120 = vector.broadcast %and3A_1119 : i32 to vector<16xi32>
    %and3A_1121 = arith.andi %convert_element_type3A_1113, %and3A_1120 : vector<16xi32>
    %convert_element_type3A_1122 = arith.sitofp %and3A_1121 : vector<16xi32> to vector<16xf32>
    %add3A_1123 = arith.addf %add3A_1107, %convert_element_type3A_1122 : vector<16xf32>
    %get3A_1124 = arith.constant 1264 : index
    %get3A_1125 = tpu.vector_load %arg7[%get3A_1124] {strides = array<i32>} : memref<2048xf32, #tpu.memory_space<vmem>>, vector<16xf32>,
    %add3A_1126 = arith.addf %add3A_1110, %get3A_1125 : vector<16xf32>
    %get3A_1127 = arith.constant 304 : index
    %get3A_1128 = tpu.vector_load %arg7[%get3A_1127] {strides = array<i32>} : memref<2048xf32, #tpu.memory_space<vmem>>, vector<16xf32>,
    %convert_element_type3A_1129 = arith.fptosi %get3A_1128 : vector<16xf32> to vector<16xi32>
    %shift_right_arithmetic3A_1130 = arith.constant 13 : i32
    %shift_right_arithmetic3A_1131 = vector.broadcast %shift_right_arithmetic3A_1130 : i32 to vector<16xi32>
    %shift_right_arithmetic3A_1132 = arith.shrsi %convert_element_type3A_1129, %shift_right_arithmetic3A_1131 : vector<16xi32>
    %convert_element_type3A_1133 = arith.sitofp %shift_right_arithmetic3A_1132 : vector<16xi32> to vector<16xf32>
    %add3A_1134 = arith.addf %add3A_1118, %convert_element_type3A_1133 : vector<16xf32>
    %and3A_1135 = arith.constant 8191 : i32
    %and3A_1136 = vector.broadcast %and3A_1135 : i32 to vector<16xi32>
    %and3A_1137 = arith.andi %convert_element_type3A_1129, %and3A_1136 : vector<16xi32>
    %convert_element_type3A_1138 = arith.sitofp %and3A_1137 : vector<16xi32> to vector<16xf32>
    %add3A_1139 = arith.addf %add3A_1123, %convert_element_type3A_1138 : vector<16xf32>
    %get3A_1140 = arith.constant 1328 : index
    %get3A_1141 = tpu.vector_load %arg7[%get3A_1140] {strides = array<i32>} : memref<2048xf32, #tpu.memory_space<vmem>>, vector<16xf32>,
    %add3A_1142 = arith.addf %add3A_1126, %get3A_1141 : vector<16xf32>
    %get3A_1143 = arith.constant 368 : index
    %get3A_1144 = tpu.vector_load %arg7[%get3A_1143] {strides = array<i32>} : memref<2048xf32, #tpu.memory_space<vmem>>, vector<16xf32>,
    %convert_element_type3A_1145 = arith.fptosi %get3A_1144 : vector<16xf32> to vector<16xi32>
    %shift_right_arithmetic3A_1146 = arith.constant 13 : i32
    %shift_right_arithmetic3A_1147 = vector.broadcast %shift_right_arithmetic3A_1146 : i32 to vector<16xi32>
    %shift_right_arithmetic3A_1148 = arith.shrsi %convert_element_type3A_1145, %shift_right_arithmetic3A_1147 : vector<16xi32>
    %convert_element_type3A_1149 = arith.sitofp %shift_right_arithmetic3A_1148 : vector<16xi32> to vector<16xf32>
    %add3A_1150 = arith.addf %add3A_1134, %convert_element_type3A_1149 : vector<16xf32>
    %and3A_1151 = arith.constant 8191 : i32
    %and3A_1152 = vector.broadcast %and3A_1151 : i32 to vector<16xi32>
    %and3A_1153 = arith.andi %convert_element_type3A_1145, %and3A_1152 : vector<16xi32>
    %convert_element_type3A_1154 = arith.sitofp %and3A_1153 : vector<16xi32> to vector<16xf32>
    %add3A_1155 = arith.addf %add3A_1139, %convert_element_type3A_1154 : vector<16xf32>
    %get3A_1156 = arith.constant 1392 : index
    %get3A_1157 = tpu.vector_load %arg7[%get3A_1156] {strides = array<i32>} : memref<2048xf32, #tpu.memory_space<vmem>>, vector<16xf32>,
    %add3A_1158 = arith.addf %add3A_1142, %get3A_1157 : vector<16xf32>
    %get3A_1159 = arith.constant 432 : index
    %get3A_1160 = tpu.vector_load %arg7[%get3A_1159] {strides = array<i32>} : memref<2048xf32, #tpu.memory_space<vmem>>, vector<16xf32>,
    %convert_element_type3A_1161 = arith.fptosi %get3A_1160 : vector<16xf32> to vector<16xi32>
    %shift_right_arithmetic3A_1162 = arith.constant 13 : i32
    %shift_right_arithmetic3A_1163 = vector.broadcast %shift_right_arithmetic3A_1162 : i32 to vector<16xi32>
    %shift_right_arithmetic3A_1164 = arith.shrsi %convert_element_type3A_1161, %shift_right_arithmetic3A_1163 : vector<16xi32>
    %convert_element_type3A_1165 = arith.sitofp %shift_right_arithmetic3A_1164 : vector<16xi32> to vector<16xf32>
    %add3A_1166 = arith.addf %add3A_1150, %convert_element_type3A_1165 : vector<16xf32>
    %and3A_1167 = arith.constant 8191 : i32
    %and3A_1168 = vector.broadcast %and3A_1167 : i32 to vector<16xi32>
    %and3A_1169 = arith.andi %convert_element_type3A_1161, %and3A_1168 : vector<16xi32>
    %convert_element_type3A_1170 = arith.sitofp %and3A_1169 : vector<16xi32> to vector<16xf32>
    %add3A_1171 = arith.addf %add3A_1155, %convert_element_type3A_1170 : vector<16xf32>
    %get3A_1172 = arith.constant 1456 : index
    %get3A_1173 = tpu.vector_load %arg7[%get3A_1172] {strides = array<i32>} : memref<2048xf32, #tpu.memory_space<vmem>>, vector<16xf32>,
    %add3A_1174 = arith.addf %add3A_1158, %get3A_1173 : vector<16xf32>
    %get3A_1175 = arith.constant 496 : index
    %get3A_1176 = tpu.vector_load %arg7[%get3A_1175] {strides = array<i32>} : memref<2048xf32, #tpu.memory_space<vmem>>, vector<16xf32>,
    %convert_element_type3A_1177 = arith.fptosi %get3A_1176 : vector<16xf32> to vector<16xi32>
    %shift_right_arithmetic3A_1178 = arith.constant 13 : i32
    %shift_right_arithmetic3A_1179 = vector.broadcast %shift_right_arithmetic3A_1178 : i32 to vector<16xi32>
    %shift_right_arithmetic3A_1180 = arith.shrsi %convert_element_type3A_1177, %shift_right_arithmetic3A_1179 : vector<16xi32>
    %convert_element_type3A_1181 = arith.sitofp %shift_right_arithmetic3A_1180 : vector<16xi32> to vector<16xf32>
    %add3A_1182 = arith.addf %add3A_1166, %convert_element_type3A_1181 : vector<16xf32>
    %and3A_1183 = arith.constant 8191 : i32
    %and3A_1184 = vector.broadcast %and3A_1183 : i32 to vector<16xi32>
    %and3A_1185 = arith.andi %convert_element_type3A_1177, %and3A_1184 : vector<16xi32>
    %convert_element_type3A_1186 = arith.sitofp %and3A_1185 : vector<16xi32> to vector<16xf32>
    %add3A_1187 = arith.addf %add3A_1171, %convert_element_type3A_1186 : vector<16xf32>
    %get3A_1188 = arith.constant 1520 : index
    %get3A_1189 = tpu.vector_load %arg7[%get3A_1188] {strides = array<i32>} : memref<2048xf32, #tpu.memory_space<vmem>>, vector<16xf32>,
    %add3A_1190 = arith.addf %add3A_1174, %get3A_1189 : vector<16xf32>
    %get3A_1191 = arith.constant 560 : index
    %get3A_1192 = tpu.vector_load %arg7[%get3A_1191] {strides = array<i32>} : memref<2048xf32, #tpu.memory_space<vmem>>, vector<16xf32>,
    %convert_element_type3A_1193 = arith.fptosi %get3A_1192 : vector<16xf32> to vector<16xi32>
    %shift_right_arithmetic3A_1194 = arith.constant 13 : i32
    %shift_right_arithmetic3A_1195 = vector.broadcast %shift_right_arithmetic3A_1194 : i32 to vector<16xi32>
    %shift_right_arithmetic3A_1196 = arith.shrsi %convert_element_type3A_1193, %shift_right_arithmetic3A_1195 : vector<16xi32>
    %convert_element_type3A_1197 = arith.sitofp %shift_right_arithmetic3A_1196 : vector<16xi32> to vector<16xf32>
    %add3A_1198 = arith.addf %add3A_1182, %convert_element_type3A_1197 : vector<16xf32>
    %and3A_1199 = arith.constant 8191 : i32
    %and3A_1200 = vector.broadcast %and3A_1199 : i32 to vector<16xi32>
    %and3A_1201 = arith.andi %convert_element_type3A_1193, %and3A_1200 : vector<16xi32>
    %convert_element_type3A_1202 = arith.sitofp %and3A_1201 : vector<16xi32> to vector<16xf32>
    %add3A_1203 = arith.addf %add3A_1187, %convert_element_type3A_1202 : vector<16xf32>
    %get3A_1204 = arith.constant 1584 : index
    %get3A_1205 = tpu.vector_load %arg7[%get3A_1204] {strides = array<i32>} : memref<2048xf32, #tpu.memory_space<vmem>>, vector<16xf32>,
    %add3A_1206 = arith.addf %add3A_1190, %get3A_1205 : vector<16xf32>
    %get3A_1207 = arith.constant 624 : index
    %get3A_1208 = tpu.vector_load %arg7[%get3A_1207] {strides = array<i32>} : memref<2048xf32, #tpu.memory_space<vmem>>, vector<16xf32>,
    %convert_element_type3A_1209 = arith.fptosi %get3A_1208 : vector<16xf32> to vector<16xi32>
    %shift_right_arithmetic3A_1210 = arith.constant 13 : i32
    %shift_right_arithmetic3A_1211 = vector.broadcast %shift_right_arithmetic3A_1210 : i32 to vector<16xi32>
    %shift_right_arithmetic3A_1212 = arith.shrsi %convert_element_type3A_1209, %shift_right_arithmetic3A_1211 : vector<16xi32>
    %convert_element_type3A_1213 = arith.sitofp %shift_right_arithmetic3A_1212 : vector<16xi32> to vector<16xf32>
    %add3A_1214 = arith.addf %add3A_1198, %convert_element_type3A_1213 : vector<16xf32>
    %and3A_1215 = arith.constant 8191 : i32
    %and3A_1216 = vector.broadcast %and3A_1215 : i32 to vector<16xi32>
    %and3A_1217 = arith.andi %convert_element_type3A_1209, %and3A_1216 : vector<16xi32>
    %convert_element_type3A_1218 = arith.sitofp %and3A_1217 : vector<16xi32> to vector<16xf32>
    %add3A_1219 = arith.addf %add3A_1203, %convert_element_type3A_1218 : vector<16xf32>
    %get3A_1220 = arith.constant 1648 : index
    %get3A_1221 = tpu.vector_load %arg7[%get3A_1220] {strides = array<i32>} : memref<2048xf32, #tpu.memory_space<vmem>>, vector<16xf32>,
    %add3A_1222 = arith.addf %add3A_1206, %get3A_1221 : vector<16xf32>
    %get3A_1223 = arith.constant 688 : index
    %get3A_1224 = tpu.vector_load %arg7[%get3A_1223] {strides = array<i32>} : memref<2048xf32, #tpu.memory_space<vmem>>, vector<16xf32>,
    %convert_element_type3A_1225 = arith.fptosi %get3A_1224 : vector<16xf32> to vector<16xi32>
    %shift_right_arithmetic3A_1226 = arith.constant 13 : i32
    %shift_right_arithmetic3A_1227 = vector.broadcast %shift_right_arithmetic3A_1226 : i32 to vector<16xi32>
    %shift_right_arithmetic3A_1228 = arith.shrsi %convert_element_type3A_1225, %shift_right_arithmetic3A_1227 : vector<16xi32>
    %convert_element_type3A_1229 = arith.sitofp %shift_right_arithmetic3A_1228 : vector<16xi32> to vector<16xf32>
    %add3A_1230 = arith.addf %add3A_1214, %convert_element_type3A_1229 : vector<16xf32>
    %and3A_1231 = arith.constant 8191 : i32
    %and3A_1232 = vector.broadcast %and3A_1231 : i32 to vector<16xi32>
    %and3A_1233 = arith.andi %convert_element_type3A_1225, %and3A_1232 : vector<16xi32>
    %convert_element_type3A_1234 = arith.sitofp %and3A_1233 : vector<16xi32> to vector<16xf32>
    %add3A_1235 = arith.addf %add3A_1219, %convert_element_type3A_1234 : vector<16xf32>
    %get3A_1236 = arith.constant 1712 : index
    %get3A_1237 = tpu.vector_load %arg7[%get3A_1236] {strides = array<i32>} : memref<2048xf32, #tpu.memory_space<vmem>>, vector<16xf32>,
    %add3A_1238 = arith.addf %add3A_1222, %get3A_1237 : vector<16xf32>
    %get3A_1239 = arith.constant 752 : index
    %get3A_1240 = tpu.vector_load %arg7[%get3A_1239] {strides = array<i32>} : memref<2048xf32, #tpu.memory_space<vmem>>, vector<16xf32>,
    %convert_element_type3A_1241 = arith.fptosi %get3A_1240 : vector<16xf32> to vector<16xi32>
    %shift_right_arithmetic3A_1242 = arith.constant 13 : i32
    %shift_right_arithmetic3A_1243 = vector.broadcast %shift_right_arithmetic3A_1242 : i32 to vector<16xi32>
    %shift_right_arithmetic3A_1244 = arith.shrsi %convert_element_type3A_1241, %shift_right_arithmetic3A_1243 : vector<16xi32>
    %convert_element_type3A_1245 = arith.sitofp %shift_right_arithmetic3A_1244 : vector<16xi32> to vector<16xf32>
    %add3A_1246 = arith.addf %add3A_1230, %convert_element_type3A_1245 : vector<16xf32>
    %and3A_1247 = arith.constant 8191 : i32
    %and3A_1248 = vector.broadcast %and3A_1247 : i32 to vector<16xi32>
    %and3A_1249 = arith.andi %convert_element_type3A_1241, %and3A_1248 : vector<16xi32>
    %convert_element_type3A_1250 = arith.sitofp %and3A_1249 : vector<16xi32> to vector<16xf32>
    %add3A_1251 = arith.addf %add3A_1235, %convert_element_type3A_1250 : vector<16xf32>
    %get3A_1252 = arith.constant 1776 : index
    %get3A_1253 = tpu.vector_load %arg7[%get3A_1252] {strides = array<i32>} : memref<2048xf32, #tpu.memory_space<vmem>>, vector<16xf32>,
    %add3A_1254 = arith.addf %add3A_1238, %get3A_1253 : vector<16xf32>
    %get3A_1255 = arith.constant 816 : index
    %get3A_1256 = tpu.vector_load %arg7[%get3A_1255] {strides = array<i32>} : memref<2048xf32, #tpu.memory_space<vmem>>, vector<16xf32>,
    %convert_element_type3A_1257 = arith.fptosi %get3A_1256 : vector<16xf32> to vector<16xi32>
    %shift_right_arithmetic3A_1258 = arith.constant 13 : i32
    %shift_right_arithmetic3A_1259 = vector.broadcast %shift_right_arithmetic3A_1258 : i32 to vector<16xi32>
    %shift_right_arithmetic3A_1260 = arith.shrsi %convert_element_type3A_1257, %shift_right_arithmetic3A_1259 : vector<16xi32>
    %convert_element_type3A_1261 = arith.sitofp %shift_right_arithmetic3A_1260 : vector<16xi32> to vector<16xf32>
    %add3A_1262 = arith.addf %add3A_1246, %convert_element_type3A_1261 : vector<16xf32>
    %and3A_1263 = arith.constant 8191 : i32
    %and3A_1264 = vector.broadcast %and3A_1263 : i32 to vector<16xi32>
    %and3A_1265 = arith.andi %convert_element_type3A_1257, %and3A_1264 : vector<16xi32>
    %convert_element_type3A_1266 = arith.sitofp %and3A_1265 : vector<16xi32> to vector<16xf32>
    %add3A_1267 = arith.addf %add3A_1251, %convert_element_type3A_1266 : vector<16xf32>
    %get3A_1268 = arith.constant 1840 : index
    %get3A_1269 = tpu.vector_load %arg7[%get3A_1268] {strides = array<i32>} : memref<2048xf32, #tpu.memory_space<vmem>>, vector<16xf32>,
    %add3A_1270 = arith.addf %add3A_1254, %get3A_1269 : vector<16xf32>
    %get3A_1271 = arith.constant 880 : index
    %get3A_1272 = tpu.vector_load %arg7[%get3A_1271] {strides = array<i32>} : memref<2048xf32, #tpu.memory_space<vmem>>, vector<16xf32>,
    %convert_element_type3A_1273 = arith.fptosi %get3A_1272 : vector<16xf32> to vector<16xi32>
    %shift_right_arithmetic3A_1274 = arith.constant 13 : i32
    %shift_right_arithmetic3A_1275 = vector.broadcast %shift_right_arithmetic3A_1274 : i32 to vector<16xi32>
    %shift_right_arithmetic3A_1276 = arith.shrsi %convert_element_type3A_1273, %shift_right_arithmetic3A_1275 : vector<16xi32>
    %convert_element_type3A_1277 = arith.sitofp %shift_right_arithmetic3A_1276 : vector<16xi32> to vector<16xf32>
    %add3A_1278 = arith.addf %add3A_1262, %convert_element_type3A_1277 : vector<16xf32>
    %and3A_1279 = arith.constant 8191 : i32
    %and3A_1280 = vector.broadcast %and3A_1279 : i32 to vector<16xi32>
    %and3A_1281 = arith.andi %convert_element_type3A_1273, %and3A_1280 : vector<16xi32>
    %convert_element_type3A_1282 = arith.sitofp %and3A_1281 : vector<16xi32> to vector<16xf32>
    %add3A_1283 = arith.addf %add3A_1267, %convert_element_type3A_1282 : vector<16xf32>
    %get3A_1284 = arith.constant 1904 : index
    %get3A_1285 = tpu.vector_load %arg7[%get3A_1284] {strides = array<i32>} : memref<2048xf32, #tpu.memory_space<vmem>>, vector<16xf32>,
    %add3A_1286 = arith.addf %add3A_1270, %get3A_1285 : vector<16xf32>
    %get3A_1287 = arith.constant 944 : index
    %get3A_1288 = tpu.vector_load %arg7[%get3A_1287] {strides = array<i32>} : memref<2048xf32, #tpu.memory_space<vmem>>, vector<16xf32>,
    %convert_element_type3A_1289 = arith.fptosi %get3A_1288 : vector<16xf32> to vector<16xi32>
    %shift_right_arithmetic3A_1290 = arith.constant 13 : i32
    %shift_right_arithmetic3A_1291 = vector.broadcast %shift_right_arithmetic3A_1290 : i32 to vector<16xi32>
    %shift_right_arithmetic3A_1292 = arith.shrsi %convert_element_type3A_1289, %shift_right_arithmetic3A_1291 : vector<16xi32>
    %convert_element_type3A_1293 = arith.sitofp %shift_right_arithmetic3A_1292 : vector<16xi32> to vector<16xf32>
    %add3A_1294 = arith.addf %add3A_1278, %convert_element_type3A_1293 : vector<16xf32>
    %and3A_1295 = arith.constant 8191 : i32
    %and3A_1296 = vector.broadcast %and3A_1295 : i32 to vector<16xi32>
    %and3A_1297 = arith.andi %convert_element_type3A_1289, %and3A_1296 : vector<16xi32>
    %convert_element_type3A_1298 = arith.sitofp %and3A_1297 : vector<16xi32> to vector<16xf32>
    %add3A_1299 = arith.addf %add3A_1283, %convert_element_type3A_1298 : vector<16xf32>
    %get3A_1300 = arith.constant 1968 : index
    %get3A_1301 = tpu.vector_load %arg7[%get3A_1300] {strides = array<i32>} : memref<2048xf32, #tpu.memory_space<vmem>>, vector<16xf32>,
    %add3A_1302 = arith.addf %add3A_1286, %get3A_1301 : vector<16xf32>
    %get3A_1303 = arith.constant 1008 : index
    %get3A_1304 = tpu.vector_load %arg7[%get3A_1303] {strides = array<i32>} : memref<2048xf32, #tpu.memory_space<vmem>>, vector<16xf32>,
    %convert_element_type3A_1305 = arith.fptosi %get3A_1304 : vector<16xf32> to vector<16xi32>
    %shift_right_arithmetic3A_1306 = arith.constant 13 : i32
    %shift_right_arithmetic3A_1307 = vector.broadcast %shift_right_arithmetic3A_1306 : i32 to vector<16xi32>
    %shift_right_arithmetic3A_1308 = arith.shrsi %convert_element_type3A_1305, %shift_right_arithmetic3A_1307 : vector<16xi32>
    %convert_element_type3A_1309 = arith.sitofp %shift_right_arithmetic3A_1308 : vector<16xi32> to vector<16xf32>
    %add3A_1310 = arith.addf %add3A_1294, %convert_element_type3A_1309 : vector<16xf32>
    %and3A_1311 = arith.constant 8191 : i32
    %and3A_1312 = vector.broadcast %and3A_1311 : i32 to vector<16xi32>
    %and3A_1313 = arith.andi %convert_element_type3A_1305, %and3A_1312 : vector<16xi32>
    %convert_element_type3A_1314 = arith.sitofp %and3A_1313 : vector<16xi32> to vector<16xf32>
    %add3A_1315 = arith.addf %add3A_1299, %convert_element_type3A_1314 : vector<16xf32>
    %get3A_1316 = arith.constant 2032 : index
    %get3A_1317 = tpu.vector_load %arg7[%get3A_1316] {strides = array<i32>} : memref<2048xf32, #tpu.memory_space<vmem>>, vector<16xf32>,
    %add3A_1318 = arith.addf %add3A_1302, %get3A_1317 : vector<16xf32>
    %swap3A_1319 = arith.constant 48 : index
    %swap3A_1320 = tpu.vector_load %arg8[%swap3A_1319] {strides = array<i32>} : memref<192xf32, #tpu.memory_space<vmem>>, vector<16xf32>,
    tpu.vector_store %arg8[%swap3A_1319], %add3A_1310 {strides = array<i32>} : memref<192xf32, #tpu.memory_space<vmem>>, vector<16xf32>,
    %swap3A_1321 = arith.constant 112 : index
    %swap3A_1322 = tpu.vector_load %arg8[%swap3A_1321] {strides = array<i32>} : memref<192xf32, #tpu.memory_space<vmem>>, vector<16xf32>,
    tpu.vector_store %arg8[%swap3A_1321], %add3A_1315 {strides = array<i32>} : memref<192xf32, #tpu.memory_space<vmem>>, vector<16xf32>,
    %swap3A_1323 = arith.constant 176 : index
    %swap3A_1324 = tpu.vector_load %arg8[%swap3A_1323] {strides = array<i32>} : memref<192xf32, #tpu.memory_space<vmem>>, vector<16xf32>,
    tpu.vector_store %arg8[%swap3A_1323], %add3A_1318 {strides = array<i32>} : memref<192xf32, #tpu.memory_space<vmem>>, vector<16xf32>,
    "tpu.region"() ({
      %run_scoped3A = tpu.sem_alloc : memref<!tpu.dma_semaphore, #tpu.memory_space<semaphore_mem>>
      %dma_start3A = arith.constant 0 : i32
      %dma_start3A_1325 = tpu.memref_slice %arg4[%add3A, %dma_start3A] : memref<32x192xf32, #tpu.memory_space<hbm>> -> memref<1x192xf32, #tpu.memory_space<hbm>>
      %dma_start3A_1326 = tpu.memref_squeeze %dma_start3A_1325 : memref<1x192xf32, #tpu.memory_space<hbm>> -> memref<192xf32, #tpu.memory_space<hbm>>
      %dma_start3A_1327 = arith.constant 0 : i32
      %dma_start3A_1328 = tpu.memref_slice %arg4[%add3A, %dma_start3A_1327] : memref<32x192xf32, #tpu.memory_space<hbm>> -> memref<1x192xf32, #tpu.memory_space<hbm>>
      %dma_start3A_1329 = tpu.memref_squeeze %dma_start3A_1328 : memref<1x192xf32, #tpu.memory_space<hbm>> -> memref<192xf32, #tpu.memory_space<hbm>>
      tpu.enqueue_dma source(%arg8 : memref<192xf32, #tpu.memory_space<vmem>>) target(%dma_start3A_1329 : memref<192xf32, #tpu.memory_space<hbm>>) target_semaphore(%run_scoped3A : memref<!tpu.dma_semaphore, #tpu.memory_space<semaphore_mem>>)
      %dma_wait3A = arith.constant 0 : i32
      %dma_wait3A_1330 = tpu.memref_slice %arg4[%add3A, %dma_wait3A] : memref<32x192xf32, #tpu.memory_space<hbm>> -> memref<1x192xf32, #tpu.memory_space<hbm>>
      %dma_wait3A_1331 = tpu.memref_squeeze %dma_wait3A_1330 : memref<1x192xf32, #tpu.memory_space<hbm>> -> memref<192xf32, #tpu.memory_space<hbm>>
      %dma_wait3A_1332 = arith.constant 0 : i32
      %dma_wait3A_1333 = tpu.memref_slice %arg4[%add3A, %dma_wait3A_1332] : memref<32x192xf32, #tpu.memory_space<hbm>> -> memref<1x192xf32, #tpu.memory_space<hbm>>
      %dma_wait3A_1334 = tpu.memref_squeeze %dma_wait3A_1333 : memref<1x192xf32, #tpu.memory_space<hbm>> -> memref<192xf32, #tpu.memory_space<hbm>>
      tpu.wait_dma2 semaphore(%run_scoped3A : memref<!tpu.dma_semaphore, #tpu.memory_space<semaphore_mem>>) src(%arg8 : memref<192xf32, #tpu.memory_space<vmem>>) dst(%dma_wait3A_1334 : memref<192xf32, #tpu.memory_space<hbm>>)
      tpu.yield
    }) : () -> ()
    return
  }
}

module attributes {stable_mosaic.version = 14 : i64} {
  func.func @_argmax_body(%arg0: i32, %arg1: memref<50x8x4096xf32, #tpu.memory_space<vmem>>, %arg2: memref<8x4096xi32, #tpu.memory_space<vmem>>) attributes {dimension_semantics = [#tpu.dimension_semantics<arbitrary>], iteration_bounds = array<i64: 8>, scalar_prefetch = 0 : i64, scratch_operands = 0 : i64, tpu.core_type = #tpu.core_type<tc>, window_params = [{transform_indices = @transform_0, window_bounds = array<i64: 50, 8, 4096>}, {transform_indices = @transform_1, window_bounds = array<i64: 8, 4096>}]} {
    %get3A = arith.constant 0 : index
    %get3A_0 = arith.constant 0 : index
    %get3A_1 = arith.constant 0 : index
    %get3A_2 = vector.load %arg1[%get3A, %get3A_0, %get3A_1] : memref<50x8x4096xf32, #tpu.memory_space<vmem>>, vector<1x8x4096xf32>
    %get3A_3 = vector.shape_cast %get3A_2 : vector<1x8x4096xf32> to vector<8x4096xf32>
    %broadcast_in_dim3A = arith.constant 0 : i32
    %broadcast_in_dim3A_4 = vector.broadcast %broadcast_in_dim3A : i32 to vector<8x4096xi32>
    %get3A_5 = arith.constant 1 : index
    %get3A_6 = arith.constant 0 : index
    %get3A_7 = arith.constant 0 : index
    %get3A_8 = vector.load %arg1[%get3A_5, %get3A_6, %get3A_7] : memref<50x8x4096xf32, #tpu.memory_space<vmem>>, vector<1x8x4096xf32>
    %get3A_9 = vector.shape_cast %get3A_8 : vector<1x8x4096xf32> to vector<8x4096xf32>
    %gt3A = arith.cmpf ogt, %get3A_9, %get3A_3 : vector<8x4096xf32>
    %select_n3A = arith.select %gt3A, %get3A_9, %get3A_3 : vector<8x4096xi1>, vector<8x4096xf32>
    %jit3A = arith.constant 1 : i32
    %broadcast_in_dim3A_10 = vector.broadcast %jit3A : i32 to vector<8x4096xi32>
    %select_n3A_11 = arith.select %gt3A, %broadcast_in_dim3A_10, %broadcast_in_dim3A_4 : vector<8x4096xi1>, vector<8x4096xi32>
    %get3A_12 = arith.constant 2 : index
    %get3A_13 = arith.constant 0 : index
    %get3A_14 = arith.constant 0 : index
    %get3A_15 = vector.load %arg1[%get3A_12, %get3A_13, %get3A_14] : memref<50x8x4096xf32, #tpu.memory_space<vmem>>, vector<1x8x4096xf32>
    %get3A_16 = vector.shape_cast %get3A_15 : vector<1x8x4096xf32> to vector<8x4096xf32>
    %gt3A_17 = arith.cmpf ogt, %get3A_16, %select_n3A : vector<8x4096xf32>
    %select_n3A_18 = arith.select %gt3A_17, %get3A_16, %select_n3A : vector<8x4096xi1>, vector<8x4096xf32>
    %jit3A_19 = arith.constant 2 : i32
    %broadcast_in_dim3A_20 = vector.broadcast %jit3A_19 : i32 to vector<8x4096xi32>
    %select_n3A_21 = arith.select %gt3A_17, %broadcast_in_dim3A_20, %select_n3A_11 : vector<8x4096xi1>, vector<8x4096xi32>
    %get3A_22 = arith.constant 3 : index
    %get3A_23 = arith.constant 0 : index
    %get3A_24 = arith.constant 0 : index
    %get3A_25 = vector.load %arg1[%get3A_22, %get3A_23, %get3A_24] : memref<50x8x4096xf32, #tpu.memory_space<vmem>>, vector<1x8x4096xf32>
    %get3A_26 = vector.shape_cast %get3A_25 : vector<1x8x4096xf32> to vector<8x4096xf32>
    %gt3A_27 = arith.cmpf ogt, %get3A_26, %select_n3A_18 : vector<8x4096xf32>
    %select_n3A_28 = arith.select %gt3A_27, %get3A_26, %select_n3A_18 : vector<8x4096xi1>, vector<8x4096xf32>
    %jit3A_29 = arith.constant 3 : i32
    %broadcast_in_dim3A_30 = vector.broadcast %jit3A_29 : i32 to vector<8x4096xi32>
    %select_n3A_31 = arith.select %gt3A_27, %broadcast_in_dim3A_30, %select_n3A_21 : vector<8x4096xi1>, vector<8x4096xi32>
    %get3A_32 = arith.constant 4 : index
    %get3A_33 = arith.constant 0 : index
    %get3A_34 = arith.constant 0 : index
    %get3A_35 = vector.load %arg1[%get3A_32, %get3A_33, %get3A_34] : memref<50x8x4096xf32, #tpu.memory_space<vmem>>, vector<1x8x4096xf32>
    %get3A_36 = vector.shape_cast %get3A_35 : vector<1x8x4096xf32> to vector<8x4096xf32>
    %gt3A_37 = arith.cmpf ogt, %get3A_36, %select_n3A_28 : vector<8x4096xf32>
    %select_n3A_38 = arith.select %gt3A_37, %get3A_36, %select_n3A_28 : vector<8x4096xi1>, vector<8x4096xf32>
    %jit3A_39 = arith.constant 4 : i32
    %broadcast_in_dim3A_40 = vector.broadcast %jit3A_39 : i32 to vector<8x4096xi32>
    %select_n3A_41 = arith.select %gt3A_37, %broadcast_in_dim3A_40, %select_n3A_31 : vector<8x4096xi1>, vector<8x4096xi32>
    %get3A_42 = arith.constant 5 : index
    %get3A_43 = arith.constant 0 : index
    %get3A_44 = arith.constant 0 : index
    %get3A_45 = vector.load %arg1[%get3A_42, %get3A_43, %get3A_44] : memref<50x8x4096xf32, #tpu.memory_space<vmem>>, vector<1x8x4096xf32>
    %get3A_46 = vector.shape_cast %get3A_45 : vector<1x8x4096xf32> to vector<8x4096xf32>
    %gt3A_47 = arith.cmpf ogt, %get3A_46, %select_n3A_38 : vector<8x4096xf32>
    %select_n3A_48 = arith.select %gt3A_47, %get3A_46, %select_n3A_38 : vector<8x4096xi1>, vector<8x4096xf32>
    %jit3A_49 = arith.constant 5 : i32
    %broadcast_in_dim3A_50 = vector.broadcast %jit3A_49 : i32 to vector<8x4096xi32>
    %select_n3A_51 = arith.select %gt3A_47, %broadcast_in_dim3A_50, %select_n3A_41 : vector<8x4096xi1>, vector<8x4096xi32>
    %get3A_52 = arith.constant 6 : index
    %get3A_53 = arith.constant 0 : index
    %get3A_54 = arith.constant 0 : index
    %get3A_55 = vector.load %arg1[%get3A_52, %get3A_53, %get3A_54] : memref<50x8x4096xf32, #tpu.memory_space<vmem>>, vector<1x8x4096xf32>
    %get3A_56 = vector.shape_cast %get3A_55 : vector<1x8x4096xf32> to vector<8x4096xf32>
    %gt3A_57 = arith.cmpf ogt, %get3A_56, %select_n3A_48 : vector<8x4096xf32>
    %select_n3A_58 = arith.select %gt3A_57, %get3A_56, %select_n3A_48 : vector<8x4096xi1>, vector<8x4096xf32>
    %jit3A_59 = arith.constant 6 : i32
    %broadcast_in_dim3A_60 = vector.broadcast %jit3A_59 : i32 to vector<8x4096xi32>
    %select_n3A_61 = arith.select %gt3A_57, %broadcast_in_dim3A_60, %select_n3A_51 : vector<8x4096xi1>, vector<8x4096xi32>
    %get3A_62 = arith.constant 7 : index
    %get3A_63 = arith.constant 0 : index
    %get3A_64 = arith.constant 0 : index
    %get3A_65 = vector.load %arg1[%get3A_62, %get3A_63, %get3A_64] : memref<50x8x4096xf32, #tpu.memory_space<vmem>>, vector<1x8x4096xf32>
    %get3A_66 = vector.shape_cast %get3A_65 : vector<1x8x4096xf32> to vector<8x4096xf32>
    %gt3A_67 = arith.cmpf ogt, %get3A_66, %select_n3A_58 : vector<8x4096xf32>
    %select_n3A_68 = arith.select %gt3A_67, %get3A_66, %select_n3A_58 : vector<8x4096xi1>, vector<8x4096xf32>
    %jit3A_69 = arith.constant 7 : i32
    %broadcast_in_dim3A_70 = vector.broadcast %jit3A_69 : i32 to vector<8x4096xi32>
    %select_n3A_71 = arith.select %gt3A_67, %broadcast_in_dim3A_70, %select_n3A_61 : vector<8x4096xi1>, vector<8x4096xi32>
    %get3A_72 = arith.constant 8 : index
    %get3A_73 = arith.constant 0 : index
    %get3A_74 = arith.constant 0 : index
    %get3A_75 = vector.load %arg1[%get3A_72, %get3A_73, %get3A_74] : memref<50x8x4096xf32, #tpu.memory_space<vmem>>, vector<1x8x4096xf32>
    %get3A_76 = vector.shape_cast %get3A_75 : vector<1x8x4096xf32> to vector<8x4096xf32>
    %gt3A_77 = arith.cmpf ogt, %get3A_76, %select_n3A_68 : vector<8x4096xf32>
    %select_n3A_78 = arith.select %gt3A_77, %get3A_76, %select_n3A_68 : vector<8x4096xi1>, vector<8x4096xf32>
    %jit3A_79 = arith.constant 8 : i32
    %broadcast_in_dim3A_80 = vector.broadcast %jit3A_79 : i32 to vector<8x4096xi32>
    %select_n3A_81 = arith.select %gt3A_77, %broadcast_in_dim3A_80, %select_n3A_71 : vector<8x4096xi1>, vector<8x4096xi32>
    %get3A_82 = arith.constant 9 : index
    %get3A_83 = arith.constant 0 : index
    %get3A_84 = arith.constant 0 : index
    %get3A_85 = vector.load %arg1[%get3A_82, %get3A_83, %get3A_84] : memref<50x8x4096xf32, #tpu.memory_space<vmem>>, vector<1x8x4096xf32>
    %get3A_86 = vector.shape_cast %get3A_85 : vector<1x8x4096xf32> to vector<8x4096xf32>
    %gt3A_87 = arith.cmpf ogt, %get3A_86, %select_n3A_78 : vector<8x4096xf32>
    %select_n3A_88 = arith.select %gt3A_87, %get3A_86, %select_n3A_78 : vector<8x4096xi1>, vector<8x4096xf32>
    %jit3A_89 = arith.constant 9 : i32
    %broadcast_in_dim3A_90 = vector.broadcast %jit3A_89 : i32 to vector<8x4096xi32>
    %select_n3A_91 = arith.select %gt3A_87, %broadcast_in_dim3A_90, %select_n3A_81 : vector<8x4096xi1>, vector<8x4096xi32>
    %get3A_92 = arith.constant 10 : index
    %get3A_93 = arith.constant 0 : index
    %get3A_94 = arith.constant 0 : index
    %get3A_95 = vector.load %arg1[%get3A_92, %get3A_93, %get3A_94] : memref<50x8x4096xf32, #tpu.memory_space<vmem>>, vector<1x8x4096xf32>
    %get3A_96 = vector.shape_cast %get3A_95 : vector<1x8x4096xf32> to vector<8x4096xf32>
    %gt3A_97 = arith.cmpf ogt, %get3A_96, %select_n3A_88 : vector<8x4096xf32>
    %select_n3A_98 = arith.select %gt3A_97, %get3A_96, %select_n3A_88 : vector<8x4096xi1>, vector<8x4096xf32>
    %jit3A_99 = arith.constant 10 : i32
    %broadcast_in_dim3A_100 = vector.broadcast %jit3A_99 : i32 to vector<8x4096xi32>
    %select_n3A_101 = arith.select %gt3A_97, %broadcast_in_dim3A_100, %select_n3A_91 : vector<8x4096xi1>, vector<8x4096xi32>
    %get3A_102 = arith.constant 11 : index
    %get3A_103 = arith.constant 0 : index
    %get3A_104 = arith.constant 0 : index
    %get3A_105 = vector.load %arg1[%get3A_102, %get3A_103, %get3A_104] : memref<50x8x4096xf32, #tpu.memory_space<vmem>>, vector<1x8x4096xf32>
    %get3A_106 = vector.shape_cast %get3A_105 : vector<1x8x4096xf32> to vector<8x4096xf32>
    %gt3A_107 = arith.cmpf ogt, %get3A_106, %select_n3A_98 : vector<8x4096xf32>
    %select_n3A_108 = arith.select %gt3A_107, %get3A_106, %select_n3A_98 : vector<8x4096xi1>, vector<8x4096xf32>
    %jit3A_109 = arith.constant 11 : i32
    %broadcast_in_dim3A_110 = vector.broadcast %jit3A_109 : i32 to vector<8x4096xi32>
    %select_n3A_111 = arith.select %gt3A_107, %broadcast_in_dim3A_110, %select_n3A_101 : vector<8x4096xi1>, vector<8x4096xi32>
    %get3A_112 = arith.constant 12 : index
    %get3A_113 = arith.constant 0 : index
    %get3A_114 = arith.constant 0 : index
    %get3A_115 = vector.load %arg1[%get3A_112, %get3A_113, %get3A_114] : memref<50x8x4096xf32, #tpu.memory_space<vmem>>, vector<1x8x4096xf32>
    %get3A_116 = vector.shape_cast %get3A_115 : vector<1x8x4096xf32> to vector<8x4096xf32>
    %gt3A_117 = arith.cmpf ogt, %get3A_116, %select_n3A_108 : vector<8x4096xf32>
    %select_n3A_118 = arith.select %gt3A_117, %get3A_116, %select_n3A_108 : vector<8x4096xi1>, vector<8x4096xf32>
    %jit3A_119 = arith.constant 12 : i32
    %broadcast_in_dim3A_120 = vector.broadcast %jit3A_119 : i32 to vector<8x4096xi32>
    %select_n3A_121 = arith.select %gt3A_117, %broadcast_in_dim3A_120, %select_n3A_111 : vector<8x4096xi1>, vector<8x4096xi32>
    %get3A_122 = arith.constant 13 : index
    %get3A_123 = arith.constant 0 : index
    %get3A_124 = arith.constant 0 : index
    %get3A_125 = vector.load %arg1[%get3A_122, %get3A_123, %get3A_124] : memref<50x8x4096xf32, #tpu.memory_space<vmem>>, vector<1x8x4096xf32>
    %get3A_126 = vector.shape_cast %get3A_125 : vector<1x8x4096xf32> to vector<8x4096xf32>
    %gt3A_127 = arith.cmpf ogt, %get3A_126, %select_n3A_118 : vector<8x4096xf32>
    %select_n3A_128 = arith.select %gt3A_127, %get3A_126, %select_n3A_118 : vector<8x4096xi1>, vector<8x4096xf32>
    %jit3A_129 = arith.constant 13 : i32
    %broadcast_in_dim3A_130 = vector.broadcast %jit3A_129 : i32 to vector<8x4096xi32>
    %select_n3A_131 = arith.select %gt3A_127, %broadcast_in_dim3A_130, %select_n3A_121 : vector<8x4096xi1>, vector<8x4096xi32>
    %get3A_132 = arith.constant 14 : index
    %get3A_133 = arith.constant 0 : index
    %get3A_134 = arith.constant 0 : index
    %get3A_135 = vector.load %arg1[%get3A_132, %get3A_133, %get3A_134] : memref<50x8x4096xf32, #tpu.memory_space<vmem>>, vector<1x8x4096xf32>
    %get3A_136 = vector.shape_cast %get3A_135 : vector<1x8x4096xf32> to vector<8x4096xf32>
    %gt3A_137 = arith.cmpf ogt, %get3A_136, %select_n3A_128 : vector<8x4096xf32>
    %select_n3A_138 = arith.select %gt3A_137, %get3A_136, %select_n3A_128 : vector<8x4096xi1>, vector<8x4096xf32>
    %jit3A_139 = arith.constant 14 : i32
    %broadcast_in_dim3A_140 = vector.broadcast %jit3A_139 : i32 to vector<8x4096xi32>
    %select_n3A_141 = arith.select %gt3A_137, %broadcast_in_dim3A_140, %select_n3A_131 : vector<8x4096xi1>, vector<8x4096xi32>
    %get3A_142 = arith.constant 15 : index
    %get3A_143 = arith.constant 0 : index
    %get3A_144 = arith.constant 0 : index
    %get3A_145 = vector.load %arg1[%get3A_142, %get3A_143, %get3A_144] : memref<50x8x4096xf32, #tpu.memory_space<vmem>>, vector<1x8x4096xf32>
    %get3A_146 = vector.shape_cast %get3A_145 : vector<1x8x4096xf32> to vector<8x4096xf32>
    %gt3A_147 = arith.cmpf ogt, %get3A_146, %select_n3A_138 : vector<8x4096xf32>
    %select_n3A_148 = arith.select %gt3A_147, %get3A_146, %select_n3A_138 : vector<8x4096xi1>, vector<8x4096xf32>
    %jit3A_149 = arith.constant 15 : i32
    %broadcast_in_dim3A_150 = vector.broadcast %jit3A_149 : i32 to vector<8x4096xi32>
    %select_n3A_151 = arith.select %gt3A_147, %broadcast_in_dim3A_150, %select_n3A_141 : vector<8x4096xi1>, vector<8x4096xi32>
    %get3A_152 = arith.constant 16 : index
    %get3A_153 = arith.constant 0 : index
    %get3A_154 = arith.constant 0 : index
    %get3A_155 = vector.load %arg1[%get3A_152, %get3A_153, %get3A_154] : memref<50x8x4096xf32, #tpu.memory_space<vmem>>, vector<1x8x4096xf32>
    %get3A_156 = vector.shape_cast %get3A_155 : vector<1x8x4096xf32> to vector<8x4096xf32>
    %gt3A_157 = arith.cmpf ogt, %get3A_156, %select_n3A_148 : vector<8x4096xf32>
    %select_n3A_158 = arith.select %gt3A_157, %get3A_156, %select_n3A_148 : vector<8x4096xi1>, vector<8x4096xf32>
    %jit3A_159 = arith.constant 16 : i32
    %broadcast_in_dim3A_160 = vector.broadcast %jit3A_159 : i32 to vector<8x4096xi32>
    %select_n3A_161 = arith.select %gt3A_157, %broadcast_in_dim3A_160, %select_n3A_151 : vector<8x4096xi1>, vector<8x4096xi32>
    %get3A_162 = arith.constant 17 : index
    %get3A_163 = arith.constant 0 : index
    %get3A_164 = arith.constant 0 : index
    %get3A_165 = vector.load %arg1[%get3A_162, %get3A_163, %get3A_164] : memref<50x8x4096xf32, #tpu.memory_space<vmem>>, vector<1x8x4096xf32>
    %get3A_166 = vector.shape_cast %get3A_165 : vector<1x8x4096xf32> to vector<8x4096xf32>
    %gt3A_167 = arith.cmpf ogt, %get3A_166, %select_n3A_158 : vector<8x4096xf32>
    %select_n3A_168 = arith.select %gt3A_167, %get3A_166, %select_n3A_158 : vector<8x4096xi1>, vector<8x4096xf32>
    %jit3A_169 = arith.constant 17 : i32
    %broadcast_in_dim3A_170 = vector.broadcast %jit3A_169 : i32 to vector<8x4096xi32>
    %select_n3A_171 = arith.select %gt3A_167, %broadcast_in_dim3A_170, %select_n3A_161 : vector<8x4096xi1>, vector<8x4096xi32>
    %get3A_172 = arith.constant 18 : index
    %get3A_173 = arith.constant 0 : index
    %get3A_174 = arith.constant 0 : index
    %get3A_175 = vector.load %arg1[%get3A_172, %get3A_173, %get3A_174] : memref<50x8x4096xf32, #tpu.memory_space<vmem>>, vector<1x8x4096xf32>
    %get3A_176 = vector.shape_cast %get3A_175 : vector<1x8x4096xf32> to vector<8x4096xf32>
    %gt3A_177 = arith.cmpf ogt, %get3A_176, %select_n3A_168 : vector<8x4096xf32>
    %select_n3A_178 = arith.select %gt3A_177, %get3A_176, %select_n3A_168 : vector<8x4096xi1>, vector<8x4096xf32>
    %jit3A_179 = arith.constant 18 : i32
    %broadcast_in_dim3A_180 = vector.broadcast %jit3A_179 : i32 to vector<8x4096xi32>
    %select_n3A_181 = arith.select %gt3A_177, %broadcast_in_dim3A_180, %select_n3A_171 : vector<8x4096xi1>, vector<8x4096xi32>
    %get3A_182 = arith.constant 19 : index
    %get3A_183 = arith.constant 0 : index
    %get3A_184 = arith.constant 0 : index
    %get3A_185 = vector.load %arg1[%get3A_182, %get3A_183, %get3A_184] : memref<50x8x4096xf32, #tpu.memory_space<vmem>>, vector<1x8x4096xf32>
    %get3A_186 = vector.shape_cast %get3A_185 : vector<1x8x4096xf32> to vector<8x4096xf32>
    %gt3A_187 = arith.cmpf ogt, %get3A_186, %select_n3A_178 : vector<8x4096xf32>
    %select_n3A_188 = arith.select %gt3A_187, %get3A_186, %select_n3A_178 : vector<8x4096xi1>, vector<8x4096xf32>
    %jit3A_189 = arith.constant 19 : i32
    %broadcast_in_dim3A_190 = vector.broadcast %jit3A_189 : i32 to vector<8x4096xi32>
    %select_n3A_191 = arith.select %gt3A_187, %broadcast_in_dim3A_190, %select_n3A_181 : vector<8x4096xi1>, vector<8x4096xi32>
    %get3A_192 = arith.constant 20 : index
    %get3A_193 = arith.constant 0 : index
    %get3A_194 = arith.constant 0 : index
    %get3A_195 = vector.load %arg1[%get3A_192, %get3A_193, %get3A_194] : memref<50x8x4096xf32, #tpu.memory_space<vmem>>, vector<1x8x4096xf32>
    %get3A_196 = vector.shape_cast %get3A_195 : vector<1x8x4096xf32> to vector<8x4096xf32>
    %gt3A_197 = arith.cmpf ogt, %get3A_196, %select_n3A_188 : vector<8x4096xf32>
    %select_n3A_198 = arith.select %gt3A_197, %get3A_196, %select_n3A_188 : vector<8x4096xi1>, vector<8x4096xf32>
    %jit3A_199 = arith.constant 20 : i32
    %broadcast_in_dim3A_200 = vector.broadcast %jit3A_199 : i32 to vector<8x4096xi32>
    %select_n3A_201 = arith.select %gt3A_197, %broadcast_in_dim3A_200, %select_n3A_191 : vector<8x4096xi1>, vector<8x4096xi32>
    %get3A_202 = arith.constant 21 : index
    %get3A_203 = arith.constant 0 : index
    %get3A_204 = arith.constant 0 : index
    %get3A_205 = vector.load %arg1[%get3A_202, %get3A_203, %get3A_204] : memref<50x8x4096xf32, #tpu.memory_space<vmem>>, vector<1x8x4096xf32>
    %get3A_206 = vector.shape_cast %get3A_205 : vector<1x8x4096xf32> to vector<8x4096xf32>
    %gt3A_207 = arith.cmpf ogt, %get3A_206, %select_n3A_198 : vector<8x4096xf32>
    %select_n3A_208 = arith.select %gt3A_207, %get3A_206, %select_n3A_198 : vector<8x4096xi1>, vector<8x4096xf32>
    %jit3A_209 = arith.constant 21 : i32
    %broadcast_in_dim3A_210 = vector.broadcast %jit3A_209 : i32 to vector<8x4096xi32>
    %select_n3A_211 = arith.select %gt3A_207, %broadcast_in_dim3A_210, %select_n3A_201 : vector<8x4096xi1>, vector<8x4096xi32>
    %get3A_212 = arith.constant 22 : index
    %get3A_213 = arith.constant 0 : index
    %get3A_214 = arith.constant 0 : index
    %get3A_215 = vector.load %arg1[%get3A_212, %get3A_213, %get3A_214] : memref<50x8x4096xf32, #tpu.memory_space<vmem>>, vector<1x8x4096xf32>
    %get3A_216 = vector.shape_cast %get3A_215 : vector<1x8x4096xf32> to vector<8x4096xf32>
    %gt3A_217 = arith.cmpf ogt, %get3A_216, %select_n3A_208 : vector<8x4096xf32>
    %select_n3A_218 = arith.select %gt3A_217, %get3A_216, %select_n3A_208 : vector<8x4096xi1>, vector<8x4096xf32>
    %jit3A_219 = arith.constant 22 : i32
    %broadcast_in_dim3A_220 = vector.broadcast %jit3A_219 : i32 to vector<8x4096xi32>
    %select_n3A_221 = arith.select %gt3A_217, %broadcast_in_dim3A_220, %select_n3A_211 : vector<8x4096xi1>, vector<8x4096xi32>
    %get3A_222 = arith.constant 23 : index
    %get3A_223 = arith.constant 0 : index
    %get3A_224 = arith.constant 0 : index
    %get3A_225 = vector.load %arg1[%get3A_222, %get3A_223, %get3A_224] : memref<50x8x4096xf32, #tpu.memory_space<vmem>>, vector<1x8x4096xf32>
    %get3A_226 = vector.shape_cast %get3A_225 : vector<1x8x4096xf32> to vector<8x4096xf32>
    %gt3A_227 = arith.cmpf ogt, %get3A_226, %select_n3A_218 : vector<8x4096xf32>
    %select_n3A_228 = arith.select %gt3A_227, %get3A_226, %select_n3A_218 : vector<8x4096xi1>, vector<8x4096xf32>
    %jit3A_229 = arith.constant 23 : i32
    %broadcast_in_dim3A_230 = vector.broadcast %jit3A_229 : i32 to vector<8x4096xi32>
    %select_n3A_231 = arith.select %gt3A_227, %broadcast_in_dim3A_230, %select_n3A_221 : vector<8x4096xi1>, vector<8x4096xi32>
    %get3A_232 = arith.constant 24 : index
    %get3A_233 = arith.constant 0 : index
    %get3A_234 = arith.constant 0 : index
    %get3A_235 = vector.load %arg1[%get3A_232, %get3A_233, %get3A_234] : memref<50x8x4096xf32, #tpu.memory_space<vmem>>, vector<1x8x4096xf32>
    %get3A_236 = vector.shape_cast %get3A_235 : vector<1x8x4096xf32> to vector<8x4096xf32>
    %gt3A_237 = arith.cmpf ogt, %get3A_236, %select_n3A_228 : vector<8x4096xf32>
    %select_n3A_238 = arith.select %gt3A_237, %get3A_236, %select_n3A_228 : vector<8x4096xi1>, vector<8x4096xf32>
    %jit3A_239 = arith.constant 24 : i32
    %broadcast_in_dim3A_240 = vector.broadcast %jit3A_239 : i32 to vector<8x4096xi32>
    %select_n3A_241 = arith.select %gt3A_237, %broadcast_in_dim3A_240, %select_n3A_231 : vector<8x4096xi1>, vector<8x4096xi32>
    %get3A_242 = arith.constant 25 : index
    %get3A_243 = arith.constant 0 : index
    %get3A_244 = arith.constant 0 : index
    %get3A_245 = vector.load %arg1[%get3A_242, %get3A_243, %get3A_244] : memref<50x8x4096xf32, #tpu.memory_space<vmem>>, vector<1x8x4096xf32>
    %get3A_246 = vector.shape_cast %get3A_245 : vector<1x8x4096xf32> to vector<8x4096xf32>
    %gt3A_247 = arith.cmpf ogt, %get3A_246, %select_n3A_238 : vector<8x4096xf32>
    %select_n3A_248 = arith.select %gt3A_247, %get3A_246, %select_n3A_238 : vector<8x4096xi1>, vector<8x4096xf32>
    %jit3A_249 = arith.constant 25 : i32
    %broadcast_in_dim3A_250 = vector.broadcast %jit3A_249 : i32 to vector<8x4096xi32>
    %select_n3A_251 = arith.select %gt3A_247, %broadcast_in_dim3A_250, %select_n3A_241 : vector<8x4096xi1>, vector<8x4096xi32>
    %get3A_252 = arith.constant 26 : index
    %get3A_253 = arith.constant 0 : index
    %get3A_254 = arith.constant 0 : index
    %get3A_255 = vector.load %arg1[%get3A_252, %get3A_253, %get3A_254] : memref<50x8x4096xf32, #tpu.memory_space<vmem>>, vector<1x8x4096xf32>
    %get3A_256 = vector.shape_cast %get3A_255 : vector<1x8x4096xf32> to vector<8x4096xf32>
    %gt3A_257 = arith.cmpf ogt, %get3A_256, %select_n3A_248 : vector<8x4096xf32>
    %select_n3A_258 = arith.select %gt3A_257, %get3A_256, %select_n3A_248 : vector<8x4096xi1>, vector<8x4096xf32>
    %jit3A_259 = arith.constant 26 : i32
    %broadcast_in_dim3A_260 = vector.broadcast %jit3A_259 : i32 to vector<8x4096xi32>
    %select_n3A_261 = arith.select %gt3A_257, %broadcast_in_dim3A_260, %select_n3A_251 : vector<8x4096xi1>, vector<8x4096xi32>
    %get3A_262 = arith.constant 27 : index
    %get3A_263 = arith.constant 0 : index
    %get3A_264 = arith.constant 0 : index
    %get3A_265 = vector.load %arg1[%get3A_262, %get3A_263, %get3A_264] : memref<50x8x4096xf32, #tpu.memory_space<vmem>>, vector<1x8x4096xf32>
    %get3A_266 = vector.shape_cast %get3A_265 : vector<1x8x4096xf32> to vector<8x4096xf32>
    %gt3A_267 = arith.cmpf ogt, %get3A_266, %select_n3A_258 : vector<8x4096xf32>
    %select_n3A_268 = arith.select %gt3A_267, %get3A_266, %select_n3A_258 : vector<8x4096xi1>, vector<8x4096xf32>
    %jit3A_269 = arith.constant 27 : i32
    %broadcast_in_dim3A_270 = vector.broadcast %jit3A_269 : i32 to vector<8x4096xi32>
    %select_n3A_271 = arith.select %gt3A_267, %broadcast_in_dim3A_270, %select_n3A_261 : vector<8x4096xi1>, vector<8x4096xi32>
    %get3A_272 = arith.constant 28 : index
    %get3A_273 = arith.constant 0 : index
    %get3A_274 = arith.constant 0 : index
    %get3A_275 = vector.load %arg1[%get3A_272, %get3A_273, %get3A_274] : memref<50x8x4096xf32, #tpu.memory_space<vmem>>, vector<1x8x4096xf32>
    %get3A_276 = vector.shape_cast %get3A_275 : vector<1x8x4096xf32> to vector<8x4096xf32>
    %gt3A_277 = arith.cmpf ogt, %get3A_276, %select_n3A_268 : vector<8x4096xf32>
    %select_n3A_278 = arith.select %gt3A_277, %get3A_276, %select_n3A_268 : vector<8x4096xi1>, vector<8x4096xf32>
    %jit3A_279 = arith.constant 28 : i32
    %broadcast_in_dim3A_280 = vector.broadcast %jit3A_279 : i32 to vector<8x4096xi32>
    %select_n3A_281 = arith.select %gt3A_277, %broadcast_in_dim3A_280, %select_n3A_271 : vector<8x4096xi1>, vector<8x4096xi32>
    %get3A_282 = arith.constant 29 : index
    %get3A_283 = arith.constant 0 : index
    %get3A_284 = arith.constant 0 : index
    %get3A_285 = vector.load %arg1[%get3A_282, %get3A_283, %get3A_284] : memref<50x8x4096xf32, #tpu.memory_space<vmem>>, vector<1x8x4096xf32>
    %get3A_286 = vector.shape_cast %get3A_285 : vector<1x8x4096xf32> to vector<8x4096xf32>
    %gt3A_287 = arith.cmpf ogt, %get3A_286, %select_n3A_278 : vector<8x4096xf32>
    %select_n3A_288 = arith.select %gt3A_287, %get3A_286, %select_n3A_278 : vector<8x4096xi1>, vector<8x4096xf32>
    %jit3A_289 = arith.constant 29 : i32
    %broadcast_in_dim3A_290 = vector.broadcast %jit3A_289 : i32 to vector<8x4096xi32>
    %select_n3A_291 = arith.select %gt3A_287, %broadcast_in_dim3A_290, %select_n3A_281 : vector<8x4096xi1>, vector<8x4096xi32>
    %get3A_292 = arith.constant 30 : index
    %get3A_293 = arith.constant 0 : index
    %get3A_294 = arith.constant 0 : index
    %get3A_295 = vector.load %arg1[%get3A_292, %get3A_293, %get3A_294] : memref<50x8x4096xf32, #tpu.memory_space<vmem>>, vector<1x8x4096xf32>
    %get3A_296 = vector.shape_cast %get3A_295 : vector<1x8x4096xf32> to vector<8x4096xf32>
    %gt3A_297 = arith.cmpf ogt, %get3A_296, %select_n3A_288 : vector<8x4096xf32>
    %select_n3A_298 = arith.select %gt3A_297, %get3A_296, %select_n3A_288 : vector<8x4096xi1>, vector<8x4096xf32>
    %jit3A_299 = arith.constant 30 : i32
    %broadcast_in_dim3A_300 = vector.broadcast %jit3A_299 : i32 to vector<8x4096xi32>
    %select_n3A_301 = arith.select %gt3A_297, %broadcast_in_dim3A_300, %select_n3A_291 : vector<8x4096xi1>, vector<8x4096xi32>
    %get3A_302 = arith.constant 31 : index
    %get3A_303 = arith.constant 0 : index
    %get3A_304 = arith.constant 0 : index
    %get3A_305 = vector.load %arg1[%get3A_302, %get3A_303, %get3A_304] : memref<50x8x4096xf32, #tpu.memory_space<vmem>>, vector<1x8x4096xf32>
    %get3A_306 = vector.shape_cast %get3A_305 : vector<1x8x4096xf32> to vector<8x4096xf32>
    %gt3A_307 = arith.cmpf ogt, %get3A_306, %select_n3A_298 : vector<8x4096xf32>
    %select_n3A_308 = arith.select %gt3A_307, %get3A_306, %select_n3A_298 : vector<8x4096xi1>, vector<8x4096xf32>
    %jit3A_309 = arith.constant 31 : i32
    %broadcast_in_dim3A_310 = vector.broadcast %jit3A_309 : i32 to vector<8x4096xi32>
    %select_n3A_311 = arith.select %gt3A_307, %broadcast_in_dim3A_310, %select_n3A_301 : vector<8x4096xi1>, vector<8x4096xi32>
    %get3A_312 = arith.constant 32 : index
    %get3A_313 = arith.constant 0 : index
    %get3A_314 = arith.constant 0 : index
    %get3A_315 = vector.load %arg1[%get3A_312, %get3A_313, %get3A_314] : memref<50x8x4096xf32, #tpu.memory_space<vmem>>, vector<1x8x4096xf32>
    %get3A_316 = vector.shape_cast %get3A_315 : vector<1x8x4096xf32> to vector<8x4096xf32>
    %gt3A_317 = arith.cmpf ogt, %get3A_316, %select_n3A_308 : vector<8x4096xf32>
    %select_n3A_318 = arith.select %gt3A_317, %get3A_316, %select_n3A_308 : vector<8x4096xi1>, vector<8x4096xf32>
    %jit3A_319 = arith.constant 32 : i32
    %broadcast_in_dim3A_320 = vector.broadcast %jit3A_319 : i32 to vector<8x4096xi32>
    %select_n3A_321 = arith.select %gt3A_317, %broadcast_in_dim3A_320, %select_n3A_311 : vector<8x4096xi1>, vector<8x4096xi32>
    %get3A_322 = arith.constant 33 : index
    %get3A_323 = arith.constant 0 : index
    %get3A_324 = arith.constant 0 : index
    %get3A_325 = vector.load %arg1[%get3A_322, %get3A_323, %get3A_324] : memref<50x8x4096xf32, #tpu.memory_space<vmem>>, vector<1x8x4096xf32>
    %get3A_326 = vector.shape_cast %get3A_325 : vector<1x8x4096xf32> to vector<8x4096xf32>
    %gt3A_327 = arith.cmpf ogt, %get3A_326, %select_n3A_318 : vector<8x4096xf32>
    %select_n3A_328 = arith.select %gt3A_327, %get3A_326, %select_n3A_318 : vector<8x4096xi1>, vector<8x4096xf32>
    %jit3A_329 = arith.constant 33 : i32
    %broadcast_in_dim3A_330 = vector.broadcast %jit3A_329 : i32 to vector<8x4096xi32>
    %select_n3A_331 = arith.select %gt3A_327, %broadcast_in_dim3A_330, %select_n3A_321 : vector<8x4096xi1>, vector<8x4096xi32>
    %get3A_332 = arith.constant 34 : index
    %get3A_333 = arith.constant 0 : index
    %get3A_334 = arith.constant 0 : index
    %get3A_335 = vector.load %arg1[%get3A_332, %get3A_333, %get3A_334] : memref<50x8x4096xf32, #tpu.memory_space<vmem>>, vector<1x8x4096xf32>
    %get3A_336 = vector.shape_cast %get3A_335 : vector<1x8x4096xf32> to vector<8x4096xf32>
    %gt3A_337 = arith.cmpf ogt, %get3A_336, %select_n3A_328 : vector<8x4096xf32>
    %select_n3A_338 = arith.select %gt3A_337, %get3A_336, %select_n3A_328 : vector<8x4096xi1>, vector<8x4096xf32>
    %jit3A_339 = arith.constant 34 : i32
    %broadcast_in_dim3A_340 = vector.broadcast %jit3A_339 : i32 to vector<8x4096xi32>
    %select_n3A_341 = arith.select %gt3A_337, %broadcast_in_dim3A_340, %select_n3A_331 : vector<8x4096xi1>, vector<8x4096xi32>
    %get3A_342 = arith.constant 35 : index
    %get3A_343 = arith.constant 0 : index
    %get3A_344 = arith.constant 0 : index
    %get3A_345 = vector.load %arg1[%get3A_342, %get3A_343, %get3A_344] : memref<50x8x4096xf32, #tpu.memory_space<vmem>>, vector<1x8x4096xf32>
    %get3A_346 = vector.shape_cast %get3A_345 : vector<1x8x4096xf32> to vector<8x4096xf32>
    %gt3A_347 = arith.cmpf ogt, %get3A_346, %select_n3A_338 : vector<8x4096xf32>
    %select_n3A_348 = arith.select %gt3A_347, %get3A_346, %select_n3A_338 : vector<8x4096xi1>, vector<8x4096xf32>
    %jit3A_349 = arith.constant 35 : i32
    %broadcast_in_dim3A_350 = vector.broadcast %jit3A_349 : i32 to vector<8x4096xi32>
    %select_n3A_351 = arith.select %gt3A_347, %broadcast_in_dim3A_350, %select_n3A_341 : vector<8x4096xi1>, vector<8x4096xi32>
    %get3A_352 = arith.constant 36 : index
    %get3A_353 = arith.constant 0 : index
    %get3A_354 = arith.constant 0 : index
    %get3A_355 = vector.load %arg1[%get3A_352, %get3A_353, %get3A_354] : memref<50x8x4096xf32, #tpu.memory_space<vmem>>, vector<1x8x4096xf32>
    %get3A_356 = vector.shape_cast %get3A_355 : vector<1x8x4096xf32> to vector<8x4096xf32>
    %gt3A_357 = arith.cmpf ogt, %get3A_356, %select_n3A_348 : vector<8x4096xf32>
    %select_n3A_358 = arith.select %gt3A_357, %get3A_356, %select_n3A_348 : vector<8x4096xi1>, vector<8x4096xf32>
    %jit3A_359 = arith.constant 36 : i32
    %broadcast_in_dim3A_360 = vector.broadcast %jit3A_359 : i32 to vector<8x4096xi32>
    %select_n3A_361 = arith.select %gt3A_357, %broadcast_in_dim3A_360, %select_n3A_351 : vector<8x4096xi1>, vector<8x4096xi32>
    %get3A_362 = arith.constant 37 : index
    %get3A_363 = arith.constant 0 : index
    %get3A_364 = arith.constant 0 : index
    %get3A_365 = vector.load %arg1[%get3A_362, %get3A_363, %get3A_364] : memref<50x8x4096xf32, #tpu.memory_space<vmem>>, vector<1x8x4096xf32>
    %get3A_366 = vector.shape_cast %get3A_365 : vector<1x8x4096xf32> to vector<8x4096xf32>
    %gt3A_367 = arith.cmpf ogt, %get3A_366, %select_n3A_358 : vector<8x4096xf32>
    %select_n3A_368 = arith.select %gt3A_367, %get3A_366, %select_n3A_358 : vector<8x4096xi1>, vector<8x4096xf32>
    %jit3A_369 = arith.constant 37 : i32
    %broadcast_in_dim3A_370 = vector.broadcast %jit3A_369 : i32 to vector<8x4096xi32>
    %select_n3A_371 = arith.select %gt3A_367, %broadcast_in_dim3A_370, %select_n3A_361 : vector<8x4096xi1>, vector<8x4096xi32>
    %get3A_372 = arith.constant 38 : index
    %get3A_373 = arith.constant 0 : index
    %get3A_374 = arith.constant 0 : index
    %get3A_375 = vector.load %arg1[%get3A_372, %get3A_373, %get3A_374] : memref<50x8x4096xf32, #tpu.memory_space<vmem>>, vector<1x8x4096xf32>
    %get3A_376 = vector.shape_cast %get3A_375 : vector<1x8x4096xf32> to vector<8x4096xf32>
    %gt3A_377 = arith.cmpf ogt, %get3A_376, %select_n3A_368 : vector<8x4096xf32>
    %select_n3A_378 = arith.select %gt3A_377, %get3A_376, %select_n3A_368 : vector<8x4096xi1>, vector<8x4096xf32>
    %jit3A_379 = arith.constant 38 : i32
    %broadcast_in_dim3A_380 = vector.broadcast %jit3A_379 : i32 to vector<8x4096xi32>
    %select_n3A_381 = arith.select %gt3A_377, %broadcast_in_dim3A_380, %select_n3A_371 : vector<8x4096xi1>, vector<8x4096xi32>
    %get3A_382 = arith.constant 39 : index
    %get3A_383 = arith.constant 0 : index
    %get3A_384 = arith.constant 0 : index
    %get3A_385 = vector.load %arg1[%get3A_382, %get3A_383, %get3A_384] : memref<50x8x4096xf32, #tpu.memory_space<vmem>>, vector<1x8x4096xf32>
    %get3A_386 = vector.shape_cast %get3A_385 : vector<1x8x4096xf32> to vector<8x4096xf32>
    %gt3A_387 = arith.cmpf ogt, %get3A_386, %select_n3A_378 : vector<8x4096xf32>
    %select_n3A_388 = arith.select %gt3A_387, %get3A_386, %select_n3A_378 : vector<8x4096xi1>, vector<8x4096xf32>
    %jit3A_389 = arith.constant 39 : i32
    %broadcast_in_dim3A_390 = vector.broadcast %jit3A_389 : i32 to vector<8x4096xi32>
    %select_n3A_391 = arith.select %gt3A_387, %broadcast_in_dim3A_390, %select_n3A_381 : vector<8x4096xi1>, vector<8x4096xi32>
    %get3A_392 = arith.constant 40 : index
    %get3A_393 = arith.constant 0 : index
    %get3A_394 = arith.constant 0 : index
    %get3A_395 = vector.load %arg1[%get3A_392, %get3A_393, %get3A_394] : memref<50x8x4096xf32, #tpu.memory_space<vmem>>, vector<1x8x4096xf32>
    %get3A_396 = vector.shape_cast %get3A_395 : vector<1x8x4096xf32> to vector<8x4096xf32>
    %gt3A_397 = arith.cmpf ogt, %get3A_396, %select_n3A_388 : vector<8x4096xf32>
    %select_n3A_398 = arith.select %gt3A_397, %get3A_396, %select_n3A_388 : vector<8x4096xi1>, vector<8x4096xf32>
    %jit3A_399 = arith.constant 40 : i32
    %broadcast_in_dim3A_400 = vector.broadcast %jit3A_399 : i32 to vector<8x4096xi32>
    %select_n3A_401 = arith.select %gt3A_397, %broadcast_in_dim3A_400, %select_n3A_391 : vector<8x4096xi1>, vector<8x4096xi32>
    %get3A_402 = arith.constant 41 : index
    %get3A_403 = arith.constant 0 : index
    %get3A_404 = arith.constant 0 : index
    %get3A_405 = vector.load %arg1[%get3A_402, %get3A_403, %get3A_404] : memref<50x8x4096xf32, #tpu.memory_space<vmem>>, vector<1x8x4096xf32>
    %get3A_406 = vector.shape_cast %get3A_405 : vector<1x8x4096xf32> to vector<8x4096xf32>
    %gt3A_407 = arith.cmpf ogt, %get3A_406, %select_n3A_398 : vector<8x4096xf32>
    %select_n3A_408 = arith.select %gt3A_407, %get3A_406, %select_n3A_398 : vector<8x4096xi1>, vector<8x4096xf32>
    %jit3A_409 = arith.constant 41 : i32
    %broadcast_in_dim3A_410 = vector.broadcast %jit3A_409 : i32 to vector<8x4096xi32>
    %select_n3A_411 = arith.select %gt3A_407, %broadcast_in_dim3A_410, %select_n3A_401 : vector<8x4096xi1>, vector<8x4096xi32>
    %get3A_412 = arith.constant 42 : index
    %get3A_413 = arith.constant 0 : index
    %get3A_414 = arith.constant 0 : index
    %get3A_415 = vector.load %arg1[%get3A_412, %get3A_413, %get3A_414] : memref<50x8x4096xf32, #tpu.memory_space<vmem>>, vector<1x8x4096xf32>
    %get3A_416 = vector.shape_cast %get3A_415 : vector<1x8x4096xf32> to vector<8x4096xf32>
    %gt3A_417 = arith.cmpf ogt, %get3A_416, %select_n3A_408 : vector<8x4096xf32>
    %select_n3A_418 = arith.select %gt3A_417, %get3A_416, %select_n3A_408 : vector<8x4096xi1>, vector<8x4096xf32>
    %jit3A_419 = arith.constant 42 : i32
    %broadcast_in_dim3A_420 = vector.broadcast %jit3A_419 : i32 to vector<8x4096xi32>
    %select_n3A_421 = arith.select %gt3A_417, %broadcast_in_dim3A_420, %select_n3A_411 : vector<8x4096xi1>, vector<8x4096xi32>
    %get3A_422 = arith.constant 43 : index
    %get3A_423 = arith.constant 0 : index
    %get3A_424 = arith.constant 0 : index
    %get3A_425 = vector.load %arg1[%get3A_422, %get3A_423, %get3A_424] : memref<50x8x4096xf32, #tpu.memory_space<vmem>>, vector<1x8x4096xf32>
    %get3A_426 = vector.shape_cast %get3A_425 : vector<1x8x4096xf32> to vector<8x4096xf32>
    %gt3A_427 = arith.cmpf ogt, %get3A_426, %select_n3A_418 : vector<8x4096xf32>
    %select_n3A_428 = arith.select %gt3A_427, %get3A_426, %select_n3A_418 : vector<8x4096xi1>, vector<8x4096xf32>
    %jit3A_429 = arith.constant 43 : i32
    %broadcast_in_dim3A_430 = vector.broadcast %jit3A_429 : i32 to vector<8x4096xi32>
    %select_n3A_431 = arith.select %gt3A_427, %broadcast_in_dim3A_430, %select_n3A_421 : vector<8x4096xi1>, vector<8x4096xi32>
    %get3A_432 = arith.constant 44 : index
    %get3A_433 = arith.constant 0 : index
    %get3A_434 = arith.constant 0 : index
    %get3A_435 = vector.load %arg1[%get3A_432, %get3A_433, %get3A_434] : memref<50x8x4096xf32, #tpu.memory_space<vmem>>, vector<1x8x4096xf32>
    %get3A_436 = vector.shape_cast %get3A_435 : vector<1x8x4096xf32> to vector<8x4096xf32>
    %gt3A_437 = arith.cmpf ogt, %get3A_436, %select_n3A_428 : vector<8x4096xf32>
    %select_n3A_438 = arith.select %gt3A_437, %get3A_436, %select_n3A_428 : vector<8x4096xi1>, vector<8x4096xf32>
    %jit3A_439 = arith.constant 44 : i32
    %broadcast_in_dim3A_440 = vector.broadcast %jit3A_439 : i32 to vector<8x4096xi32>
    %select_n3A_441 = arith.select %gt3A_437, %broadcast_in_dim3A_440, %select_n3A_431 : vector<8x4096xi1>, vector<8x4096xi32>
    %get3A_442 = arith.constant 45 : index
    %get3A_443 = arith.constant 0 : index
    %get3A_444 = arith.constant 0 : index
    %get3A_445 = vector.load %arg1[%get3A_442, %get3A_443, %get3A_444] : memref<50x8x4096xf32, #tpu.memory_space<vmem>>, vector<1x8x4096xf32>
    %get3A_446 = vector.shape_cast %get3A_445 : vector<1x8x4096xf32> to vector<8x4096xf32>
    %gt3A_447 = arith.cmpf ogt, %get3A_446, %select_n3A_438 : vector<8x4096xf32>
    %select_n3A_448 = arith.select %gt3A_447, %get3A_446, %select_n3A_438 : vector<8x4096xi1>, vector<8x4096xf32>
    %jit3A_449 = arith.constant 45 : i32
    %broadcast_in_dim3A_450 = vector.broadcast %jit3A_449 : i32 to vector<8x4096xi32>
    %select_n3A_451 = arith.select %gt3A_447, %broadcast_in_dim3A_450, %select_n3A_441 : vector<8x4096xi1>, vector<8x4096xi32>
    %get3A_452 = arith.constant 46 : index
    %get3A_453 = arith.constant 0 : index
    %get3A_454 = arith.constant 0 : index
    %get3A_455 = vector.load %arg1[%get3A_452, %get3A_453, %get3A_454] : memref<50x8x4096xf32, #tpu.memory_space<vmem>>, vector<1x8x4096xf32>
    %get3A_456 = vector.shape_cast %get3A_455 : vector<1x8x4096xf32> to vector<8x4096xf32>
    %gt3A_457 = arith.cmpf ogt, %get3A_456, %select_n3A_448 : vector<8x4096xf32>
    %select_n3A_458 = arith.select %gt3A_457, %get3A_456, %select_n3A_448 : vector<8x4096xi1>, vector<8x4096xf32>
    %jit3A_459 = arith.constant 46 : i32
    %broadcast_in_dim3A_460 = vector.broadcast %jit3A_459 : i32 to vector<8x4096xi32>
    %select_n3A_461 = arith.select %gt3A_457, %broadcast_in_dim3A_460, %select_n3A_451 : vector<8x4096xi1>, vector<8x4096xi32>
    %get3A_462 = arith.constant 47 : index
    %get3A_463 = arith.constant 0 : index
    %get3A_464 = arith.constant 0 : index
    %get3A_465 = vector.load %arg1[%get3A_462, %get3A_463, %get3A_464] : memref<50x8x4096xf32, #tpu.memory_space<vmem>>, vector<1x8x4096xf32>
    %get3A_466 = vector.shape_cast %get3A_465 : vector<1x8x4096xf32> to vector<8x4096xf32>
    %gt3A_467 = arith.cmpf ogt, %get3A_466, %select_n3A_458 : vector<8x4096xf32>
    %select_n3A_468 = arith.select %gt3A_467, %get3A_466, %select_n3A_458 : vector<8x4096xi1>, vector<8x4096xf32>
    %jit3A_469 = arith.constant 47 : i32
    %broadcast_in_dim3A_470 = vector.broadcast %jit3A_469 : i32 to vector<8x4096xi32>
    %select_n3A_471 = arith.select %gt3A_467, %broadcast_in_dim3A_470, %select_n3A_461 : vector<8x4096xi1>, vector<8x4096xi32>
    %get3A_472 = arith.constant 48 : index
    %get3A_473 = arith.constant 0 : index
    %get3A_474 = arith.constant 0 : index
    %get3A_475 = vector.load %arg1[%get3A_472, %get3A_473, %get3A_474] : memref<50x8x4096xf32, #tpu.memory_space<vmem>>, vector<1x8x4096xf32>
    %get3A_476 = vector.shape_cast %get3A_475 : vector<1x8x4096xf32> to vector<8x4096xf32>
    %gt3A_477 = arith.cmpf ogt, %get3A_476, %select_n3A_468 : vector<8x4096xf32>
    %select_n3A_478 = arith.select %gt3A_477, %get3A_476, %select_n3A_468 : vector<8x4096xi1>, vector<8x4096xf32>
    %jit3A_479 = arith.constant 48 : i32
    %broadcast_in_dim3A_480 = vector.broadcast %jit3A_479 : i32 to vector<8x4096xi32>
    %select_n3A_481 = arith.select %gt3A_477, %broadcast_in_dim3A_480, %select_n3A_471 : vector<8x4096xi1>, vector<8x4096xi32>
    %get3A_482 = arith.constant 49 : index
    %get3A_483 = arith.constant 0 : index
    %get3A_484 = arith.constant 0 : index
    %get3A_485 = vector.load %arg1[%get3A_482, %get3A_483, %get3A_484] : memref<50x8x4096xf32, #tpu.memory_space<vmem>>, vector<1x8x4096xf32>
    %get3A_486 = vector.shape_cast %get3A_485 : vector<1x8x4096xf32> to vector<8x4096xf32>
    %gt3A_487 = arith.cmpf ogt, %get3A_486, %select_n3A_478 : vector<8x4096xf32>
    %jit3A_488 = arith.constant 49 : i32
    %broadcast_in_dim3A_489 = vector.broadcast %jit3A_488 : i32 to vector<8x4096xi32>
    %select_n3A_490 = arith.select %gt3A_487, %broadcast_in_dim3A_489, %select_n3A_481 : vector<8x4096xi1>, vector<8x4096xi32>
    %swap3A = arith.constant 0 : index
    %swap3A_491 = arith.constant 0 : index
    %swap3A_492 = vector.load %arg2[%swap3A, %swap3A_491] : memref<8x4096xi32, #tpu.memory_space<vmem>>, vector<8x4096xi32>
    tpu.vector_store %arg2[%swap3A, %swap3A_491], %select_n3A_490 {strides = array<i32>} : memref<8x4096xi32, #tpu.memory_space<vmem>>, vector<8x4096xi32>,
    return
  }
  func.func @transform_0(%arg0: i32) -> (i32, i32, i32) {
    %c0_i32 = arith.constant 0 : i32
    %c0_i32_0 = arith.constant 0 : i32
    %c0_i32_1 = arith.constant 0 : i32
    return %c0_i32, %arg0, %c0_i32_0 : i32, i32, i32
  }
  func.func @transform_1(%arg0: i32) -> (i32, i32) {
    %c0_i32 = arith.constant 0 : i32
    %c0_i32_0 = arith.constant 0 : i32
    return %arg0, %c0_i32 : i32, i32
  }
}

</mosaic_0001>

<sc_bundles>
// kernel: kernel.4.cloned.1.call-start
scs
__scs_entry_jumppad:
0x0: {  	(pc) =	sbr.rel $0x88, $3  }
0x1: {  	(tag) =	ssettag $0x0;
	lr =	simm.s32 $0x1  }
0x2: {  	[smem:$0x3F9F] =	sst lr;
	_ =	strace $0xD0000000  }
0x3: {  	_ = 	snop  }
0x4: {  	_ = 	snop  }
0x5: {  	_ = 	snop  }
0x6: {  	_ = 	snop  }
0x7: {  	_ = 	snop  }
__scs_overlays_trampoline_lowered:
0x8: {  	[smem:$0x3FAE] =	sst s0  }
0x9: {  	[smem:$0x3FAF] =	sst s1  }
0xa: {  	[smem:$0x3FB0] =	sst s2  }
0xb: {  	[smem:$0x3FB1] =	sst s3  }
0xc: {  	[smem:$0x3FB2] =	sst s4  }
0xd: {  	[smem:$0x3FB3] =	sst s5  }
0xe: {  	[smem:$0x3FB4] =	sst s6  }
0xf: {  	[smem:$0x3FB5] =	sst s7  }
0x10: {  	[smem:$0x3FB6] =	sst s8  }
0x11: {  	[smem:$0x3FB7] =	sst s9;
	s0 =	simm.s32 @!p0 $0x0  }
0x12: {  	s1 =	sld [smem:$0x3F9D];
	s0 =	simm.s32 @p0 $0x1  }
0x13: {  	[smem:$0x3FB8] =	sst s0;
	s0 =	simm.s32 @!p1 $0x0  }
0x14: {  	s2 =	sld [smem:$0x3F9C];
	s0 =	simm.s32 @p1 $0x1  }
0x15: {  	[smem:$0x3FB9] =	sst s0;
	s0 =	simm.s32 @!p2 $0x0  }
0x16: {  	s3 =	sld [smem:$0x3FDB];
	s0 =	simm.s32 @p2 $0x1  }
0x17: {  	s4 =	simm.s32 $0x1BF5;
	[smem:$0x3FBB] =	sst s0  }
0x18: {  	s0 =	sld [smem:$0x3F9E];
	_ =	swait.ge [sflag:s4], $0x0  }
0x19: {  	s7 =	sld [smem:$0x3F9F]  }
0x1a: {  	s8 =	sadd.s32 $0xFFFFE003, lr  }
0x1b: {  	s9 =	sadd.s32 $0xFFFFFEF7, lr;
	s5 =	simm.s32 $0xFFFFFFFF;
	p2 =	slt.u32 s8, $0xFFFFF086  }
0x1c: {  	p1 =	slt.u32 s9, $0xF7A;
	s5 =	simm.s32 @!p2 $0x0  }
0x1d: {  	s5 =	simm.s32 @p1 $0x1;
	p0 =	seq.s32 s7, s2  }
0x1e: {  	s7 =	smul.u32 @!p0 $0xF7A, s2;
	p2 =	seq.s32 @!p0 s5, $0x0  }
0x1f: {  	s9 =	smul.u32 $0xF7A, s1;
	s8 =	simm.s32 @!p0 $0x1BF5;
	p2 =	por !p2, p0  }
0x20: {  	[sflag:s8] =	ssyncset.s32 @!p0 $0xFFFFF086;
	s6 =	sadd.s32 @!p0 s3, s7;
	s7 =	simm.s32 @!p0 $0x108  }
0x21: {  	s3 =	sadd.s32 s3, s9;
	s6 =	sadd.s32 @!p0 $0x88, s6;
	s7 =	simm.s32 @p2 $0x1082  }
0x22: {  	[simem:s7], [sflag:s8] =	dma.local @!p0 [hbm:s6], $0xF7A  }
0x23: {  	s9 =	sor.u32 $0xD0000000, s2;
	s6 =	simm.s32 $0x108;
	_ =	swait.ge @!p0 [sflag:s8], $0x0  }
0x24: {  	s3 =	sadd.s32 $0x88, s3;
	s6 =	simm.s32 @!p1 $0x1082;
	[sflag:s4] =	ssyncset.s32 $0xFFFFF086  }
0x25: {  	[simem:s6], [sflag:s4] =	dma.local [hbm:s3], $0xF7A  }
0x26: {  	[smem:$0x3F9F] =	sst s1;
	(tag) =	ssettag s2;
	_ =	strace s9  }
0x27: {  	s1 =	sld [smem:$0x3FAF]  }
0x28: {  	s2 =	sld [smem:$0x3FB0]  }
0x29: {  	s4 =	sld [smem:$0x3FB2]  }
0x2a: {  	p0 =	seq.s32 s5, $0x0;
	s5 =	sld [smem:$0x3FB3]  }
0x2b: {  	s6 =	sld [smem:$0x3FB4]  }
0x2c: {  	s7 =	sld [smem:$0x3FB5]  }
0x2d: {  	s3 =	simm.s32 $0x108;
	s8 =	sld [smem:$0x3FB6]  }
0x2e: {  	s3 =	simm.s32 @!p0 $0x1082;
	s9 =	sld [smem:$0x3FB7]  }
0x2f: {  	lr =	sadd.s32 s0, s3;
	s0 =	sld [smem:$0x3FAE]  }
0x30: {  	s3 =	sld [smem:$0x3FB1]  }
0x31: {  	[smem:$0x3FBA] =	sst s10  }
0x32: {  	s10 =	sld [smem:$0x3FB8];
	_ =	sdelay $0x3  }
0x33: {  	p0 =	seq.s32 s10, $0x1;
	s10 =	sld [smem:$0x3FBA];
	_ =	sdelay $0x3  }
0x34: {  	[smem:$0x3FBA] =	sst s10  }
0x35: {  	s10 =	sld [smem:$0x3FB9];
	_ =	sdelay $0x3  }
0x36: {  	p1 =	seq.s32 s10, $0x1;
	s10 =	sld [smem:$0x3FBA];
	_ =	sdelay $0x3  }
0x37: {  	[smem:$0x3FBA] =	sst s10  }
0x38: {  	s10 =	sld [smem:$0x3FBB]  }
0x39: {  	_ = 	snop;
	(pc) =	sbr.ind lr, $3  }
0x3a: {  	_ = 	snop  }
0x3b: {  	_ = 	snop  }
0x3c: {  	p2 =	seq.s32 s10, $0x1;
	s10 =	sld [smem:$0x3FBA]  }
0x3d: {  	_ =	shalt  }
0x3e: {  	_ =	shalt  }
0x3f: {  	_ =	shalt  }
0x40: {  	_ =	shalt  }
0x41: {  	_ =	shalt  }
0x42: {  	_ =	shalt  }
0x43: {  	_ =	shalt  }
0x44: {  	_ =	shalt  }
0x45: {  	_ =	shalt  }
0x46: {  	_ =	shalt  }
0x47: {  	_ =	shalt  }
0x48: {  	_ =	shalt  }
0x49: {  	_ =	shalt  }
0x4a: {  	_ =	shalt  }
0x4b: {  	_ =	shalt  }
0x4c: {  	_ =	shalt  }
0x4d: {  	_ =	shalt  }
0x4e: {  	_ =	shalt  }
0x4f: {  	_ =	shalt  }
0x50: {  	_ =	shalt  }
0x51: {  	_ =	shalt  }
0x52: {  	_ =	shalt  }
0x53: {  	_ =	shalt  }
0x54: {  	_ =	shalt  }
0x55: {  	_ =	shalt  }
0x56: {  	_ =	shalt  }
0x57: {  	_ =	shalt  }
0x58: {  	_ =	shalt  }
0x59: {  	_ =	shalt  }
0x5a: {  	_ =	shalt  }
0x5b: {  	_ =	shalt  }
0x5c: {  	_ =	shalt  }
0x5d: {  	_ =	shalt  }
0x5e: {  	_ =	shalt  }
0x5f: {  	_ =	shalt  }
0x60: {  	_ =	shalt  }
0x61: {  	_ =	shalt  }
0x62: {  	_ =	shalt  }
0x63: {  	_ =	shalt  }
0x64: {  	_ =	shalt  }
0x65: {  	_ =	shalt  }
0x66: {  	_ =	shalt  }
0x67: {  	_ =	shalt  }
0x68: {  	_ =	shalt  }
0x69: {  	_ =	shalt  }
0x6a: {  	_ =	shalt  }
0x6b: {  	_ =	shalt  }
0x6c: {  	_ =	shalt  }
0x6d: {  	_ =	shalt  }
0x6e: {  	_ =	shalt  }
0x6f: {  	_ =	shalt  }
0x70: {  	_ =	shalt  }
0x71: {  	_ =	shalt  }
0x72: {  	_ =	shalt  }
0x73: {  	_ =	shalt  }
0x74: {  	_ =	shalt  }
0x75: {  	_ =	shalt  }
0x76: {  	_ =	shalt  }
0x77: {  	_ =	shalt  }
0x78: {  	_ =	shalt  }
0x79: {  	_ =	shalt  }
0x7a: {  	_ =	shalt  }
0x7b: {  	_ =	shalt  }
0x7c: {  	_ =	shalt  }
0x7d: {  	_ =	shalt  }
0x7e: {  	_ =	shalt  }
0x7f: {  	_ =	shalt  }
0x80: {  	_ =	shalt  }
0x81: {  	_ =	shalt  }
0x82: {  	_ =	shalt  }
0x83: {  	_ =	shalt  }
0x84: {  	_ =	shalt  }
0x85: {  	_ =	shalt  }
0x86: {  	_ =	shalt  }
0x87: {  	_ =	shalt  }
.Lfunc_end0:
.L_simem_size_0:
called_computation_lowered:
.L_overlay_start_0:
0x88: {  	s2 =	sld [smem:$0x3FD9]  }
0x89: {  	s3 =	sld [smem:$0x3FFE];
	_ =	sdelay $0x1  }
0x8a: {  	s1 =	srdreg.scid  }
0x8b: {  	s0 =	sand.u32 $0x1, s1  }
0x8c: {  	s17 =	sshll.u32 s0, $0xA;
	s2 =	sadd.s32 s3, s2  }
0x8d: {  	s2 =	sadd.s32 s2, s17  }
0x8e: {  	[smem:$0x3FC6] =	sst s2  }
0x8f: {  	_ = 	snop  }
0x90: {  	s2 =	sld [smem:$0x3FC8];
	(tm) =	ssettm $0x1  }
0x91: {  	s18 =	sld [smem:$0x3FFB];
	_ =	sdelay $0x3  }
0x92: {  	_ =	strace s18  }
0x93: {  	s3 =	sld [smem:$0x3FFC];
	_ =	sdelay $0x3  }
0x94: {  	_ =	strace s3  }
0x95: {  	s3 =	sld [smem:$0x3FFD];
	_ =	sdelay $0x3  }
0x96: {  	_ =	strace s3  }
0x97: {  	_ =	strace $0x8FFFFFFF  }
0x98: {  	s19 =	sld [smem:$0x3FDB];
	_ =	sdelay $0x1  }
0x99: {  	s4 =	simm.s32 $_scs_section_size  }
0x9a: {  	s5 =	simm.s32 $_size__tile_overlayer_lowered;
	s6 =	simm.s32 $_tile_overlayer_lowered  }
0x9b: {  	s22 =	simm.s32 $0x1BFF;
	s21 =	sshll.u32 s6, $0x1;
	s3 =	sadd.s32 s4, s19  }
0x9c: {  	s7 =	simm.s32 $0x0;
	s20 =	sshll.u32 s5, $0x1;
	s5 =	sadd.s32 s21, s3  }
0x9d: {  	[timem:s7], [sflag:s22] =	dma.local [hbm:s5], s20  }
0x9e: {  	_ =	swait.ge [sflag:s22], s20  }
0x9f: {  	s4 =	ssub.s32 $0x0, s20;
	[sflag:s22] =	ssyncset.done $0x0  }
0xa0: {  	[sflag:s22] =	ssyncadd.s32 s4;
	_ =	sdelay $0x1  }
0xa1: {  	s23 =	simm.s32 $0x1B8B  }
0xa2: {  	_ =	swait.ge [sflag:s23], $0x1  }
0xa3: {  	[sflag:s23] =	ssyncset.done $0x0  }
0xa4: {  	s25 =	simm.s32 $0x1B8E;
	s24 =	sld [smem:$0x3FFE];
	[sflag:s23] =	ssyncadd.s32 $0xFFFFFFFF  }
0xa5: {  	s26 =	simm.s32 $execute0_lowered;
	[smem:$0x3FD2] =	sst s25  }
0xa6: {  	s5 =	sshll.u32 s26, $0x1;
	_ =	strace $0x80000046;
	[dreg:$0x1] =	wrdreg $0xFFFFFFFF  }
0xa7: {  	s28 =	simm.s32 $_size_execute0_lowered;
	s3 =	sadd.s32 s3, s5;
	[dreg:$0x0] =	wrdreg $0x0  }
0xa8: {  	s5 =	sshll.u32 s28, $0x1;
	[dreg:$0x2] =	wrdreg s3  }
0xa9: {  	[dreg:$0x3] =	wrdreg s5  }
0xaa: {  	[dreg:$0x4] =	wrdreg $0xC0  }
0xab: {  	_ =	task [dreg:s7], $0x5FFFF  }
0xac: {  	[dreg:$0x1] =	wrdreg $0xFFFFFFFF  }
0xad: {  	[dreg:$0x0] =	wrdreg $0x60  }
0xae: {  	[dreg:$0x2] =	wrdreg s24  }
0xaf: {  	[dreg:$0x3] =	wrdreg s2  }
0xb0: {  	[dreg:$0x4] =	wrdreg $0x9  }
0xb1: {  	_ =	task.clear_ibuf [dreg:s7], $0x5FFFF;
	_ =	strace $0x90000046  }
0xb2: {  	s29 =	simm.s32 $0x9;
	_ =	strace $0x80000048  }
0xb3: {  	_ =	swait.ge [sflag:s29], $0x1  }
0xb4: {  	[sflag:s29] =	ssyncadd.s32 $0xFFFFFFFF  }
0xb5: {  	_ =	strace $0x90000048  }
0xb6: {  	_ =	sfence  }
0xb7: {  	s30 =	sld [smem:$0x0];
	_ =	sdelay $0x2  }
0xb8: {  	s31 =	sshll.u32 s1, $0xD;
	s1 =	sshrl.u32 s1, $0x2  }
0xb9: {  	s3 =	sand.u32 $0x4000, s31;
	s1 =	sadd.s32 s1, s30  }
0xba: {  	s0 =	sor.u32 s3, s0;
	s1 =	sshll.u32 s1, $0x11  }
0xbb: {  	s0 =	sor.u32 s1, s0  }
0xbc: {  	s0 =	sadd.s32 $0x8F2B, s0  }
0xbd: {  	[sflag:s0] =	ssyncadd.remote.s32 $0x1  }
0xbe: {  	_ =	sfence.sel $0xFFFF  }
0xbf: {  	[dreg:$0x0] =	wrdreg $0xFFFFFFFF;
	(pc) =	sbr.abs _section_cstart, $3  }
0xc0: {  	[dreg:$0x1] =	wrdreg $0xFFFFFFFF  }
0xc1: {  	_ =	task.clear_ibuf [dreg:s7], $0x2FFFF;
	_ =	strace $0x9FFFFFFF  }
0xc2: {  	(tm) =	ssettm $0x7FFFFFFF  }
0xc3: {  	_ =	shalt  }
tec
execute0_lowered:
.L_overlay_start_1:
0x0: {  	(tag) =	ssettag $0x1  }
0x1: {  	s3 =	rddreg [dreg:$0x0]  }
0x2: {  	s4 =	rddreg [dreg:$0x1]  }
0x3: {  	s0 =	rddreg [dreg:$0x2];
	s2 =	simm.s32 $0x0;
	s5 =	srdreg.scid  }
0x4: {  	s1 =	stileid.u32;
	s10 =	simm.s32 $0x2000;
	s11 =	simm.s32 $0x4000  }
0x5: {  	s12 =	simm.s32 $0x80;
	s13 =	simm.s32 $0x4800;
	s14 =	simm.s32 $0x0  }
0x6: {  	[smem:$0x7FF] =	sst s2;
	s5 =	sand.u32 $0x1, s5;
	s6 =	sshll.u32 s1, $0x1  }
0x7: {  	s7 =	sshll.u32 s1, $0xE;
	_ =	strace $0x80000047;
	s6 =	sor.u32 s5, s6  }
0x8: {  	s5 =	ssub.s32 $0x2, s5;
	s8 =	sshll.u32 s6, $0x8;
	s6 =	sshll.u32 s6, $0x7  }
0x9: {  	s7 =	sor.u32 s7, s8;
	s8 =	sand.u32 $0x1800, s8;
	s6 =	sand.u32 $0x380, s6  }
0xa: {  	s31 =	sshrl.u32 s5, $0x1;
	s7 =	sand.u32 $0x38300, s7;
	s6 =	sor.u32 s6, s8  }
0xb: {  	v0 =	vlaneseq.u32;
	s8 =	ssub.s32 s5, s31;
	s7 =	sshrl.u32 s7, $0x3;
	s6 =	sshrl.u32 s6, $0x3  }
0xc: {  	v0 =	vmul.u32 $0x40, v0;
	s9 =	sadd.s32 s7, s3;
	s6 =	sadd.s32 s6, s3;
	s4 =	sadd.s32 s4, s7  }
0xd: {  	s7 =	simm.s32 $0x100;
	s3 =	sadd.s32 $0x400, s9;
	s5 =	sadd.s32 $0x8400, s6  }
0xe: {  	v1 =	vimm.f32 $0.0e+00;
	v2 =	vimm.f32 $1.000000000e+00;
	v3 =	vor.u32 $0x400, v0;
	s6 =	smax.u32 s8, $0x1;
	s8 =	simm.s32 $0x400;
	s9 =	simm.s32 $0x1  }
.LBB2_1:
0xf: {  	[tilespmem:s2], [sflag:$0x1] =	stream.strided.gather [hbm4b:s3+s7], $0x2000, s8, s7, $0x38;
	[tilespmem:$0x4900] =	vst v63  }
0x10: {  	_ =	swait.ge [sflag:s9], $0x2000  }
0x11: {  	[sflag:s9] =	ssyncset.done $0x0  }
0x12: {  	[sflag:s9] =	ssyncadd.s32 $0xFFFFE000  }
0x13: {  	[tilespmem:s10], [sflag:$0x1] =	stream.strided.gather [hbm4b:s4+s7], $0x2000, s8, s7, $0x38;
	[tilespmem:$0x4900] =	vst v63  }
0x14: {  	_ =	swait.ge [sflag:s9], $0x2000  }
0x15: {  	[sflag:s9] =	ssyncset.done $0x0  }
0x16: {  	[sflag:s9] =	ssyncadd.s32 $0xFFFFE000  }
0x17: {  	[tilespmem:$0x4000] =	vst v1  }
0x18: {  	[tilespmem:$0x4010] =	vst v1  }
0x19: {  	[tilespmem:$0x4020] =	vst v1  }
0x1a: {  	[tilespmem:$0x4030] =	vst v1  }
0x1b: {  	[tilespmem:$0x4040] =	vst v1  }
0x1c: {  	[tilespmem:$0x4050] =	vst v1  }
0x1d: {  	[tilespmem:$0x4060] =	vst v1  }
0x1e: {  	[tilespmem:$0x4070] =	vst v1  }
0x1f: {  	[tilespmem:$0x4080] =	vst v1  }
0x20: {  	[tilespmem:$0x4090] =	vst v1  }
0x21: {  	[tilespmem:$0x40A0] =	vst v1  }
0x22: {  	[tilespmem:$0x40B0] =	vst v1  }
0x23: {  	[tilespmem:$0x40C0] =	vst v1  }
0x24: {  	[tilespmem:$0x40D0] =	vst v1  }
0x25: {  	[tilespmem:$0x40E0] =	vst v1  }
0x26: {  	[tilespmem:$0x40F0] =	vst v1  }
0x27: {  	[tilespmem:$0x4100] =	vst v1  }
0x28: {  	[tilespmem:$0x4110] =	vst v1  }
0x29: {  	[tilespmem:$0x4120] =	vst v1  }
0x2a: {  	[tilespmem:$0x4130] =	vst v1  }
0x2b: {  	[tilespmem:$0x4140] =	vst v1  }
0x2c: {  	[tilespmem:$0x4150] =	vst v1  }
0x2d: {  	[tilespmem:$0x4160] =	vst v1  }
0x2e: {  	[tilespmem:$0x4170] =	vst v1  }
0x2f: {  	[tilespmem:$0x4180] =	vst v1  }
0x30: {  	[tilespmem:$0x4190] =	vst v1  }
0x31: {  	[tilespmem:$0x41A0] =	vst v1  }
0x32: {  	[tilespmem:$0x41B0] =	vst v1  }
0x33: {  	[tilespmem:$0x41C0] =	vst v1  }
0x34: {  	[tilespmem:$0x41D0] =	vst v1  }
0x35: {  	[tilespmem:$0x41E0] =	vst v1  }
0x36: {  	[tilespmem:$0x41F0] =	vst v1  }
0x37: {  	[tilespmem:$0x4200] =	vst v1  }
0x38: {  	[tilespmem:$0x4210] =	vst v1  }
0x39: {  	[tilespmem:$0x4220] =	vst v1  }
0x3a: {  	[tilespmem:$0x4230] =	vst v1  }
0x3b: {  	[tilespmem:$0x4240] =	vst v1  }
0x3c: {  	[tilespmem:$0x4250] =	vst v1  }
0x3d: {  	[tilespmem:$0x4260] =	vst v1  }
0x3e: {  	[tilespmem:$0x4270] =	vst v1  }
0x3f: {  	[tilespmem:$0x4280] =	vst v1  }
0x40: {  	[tilespmem:$0x4290] =	vst v1  }
0x41: {  	[tilespmem:$0x42A0] =	vst v1  }
0x42: {  	[tilespmem:$0x42B0] =	vst v1  }
0x43: {  	[tilespmem:$0x42C0] =	vst v1  }
0x44: {  	[tilespmem:$0x42D0] =	vst v1  }
0x45: {  	[tilespmem:$0x42E0] =	vst v1  }
0x46: {  	[tilespmem:$0x42F0] =	vst v1  }
0x47: {  	[tilespmem:$0x4300] =	vst v1  }
0x48: {  	[tilespmem:$0x4310] =	vst v1  }
0x49: {  	[tilespmem:$0x4320] =	vst v1  }
0x4a: {  	[tilespmem:$0x4330] =	vst v1  }
0x4b: {  	[tilespmem:$0x4340] =	vst v1  }
0x4c: {  	[tilespmem:$0x4350] =	vst v1  }
0x4d: {  	[tilespmem:$0x4360] =	vst v1  }
0x4e: {  	[tilespmem:$0x4370] =	vst v1  }
0x4f: {  	[tilespmem:$0x4380] =	vst v1  }
0x50: {  	[tilespmem:$0x4390] =	vst v1  }
0x51: {  	[tilespmem:$0x43A0] =	vst v1  }
0x52: {  	[tilespmem:$0x43B0] =	vst v1  }
0x53: {  	[tilespmem:$0x43C0] =	vst v1  }
0x54: {  	[tilespmem:$0x43D0] =	vst v1  }
0x55: {  	[tilespmem:$0x43E0] =	vst v1  }
0x56: {  	[tilespmem:$0x43F0] =	vst v1  }
0x57: {  	[tilespmem:$0x4400] =	vst v1  }
0x58: {  	[tilespmem:$0x4410] =	vst v1  }
0x59: {  	[tilespmem:$0x4420] =	vst v1  }
0x5a: {  	[tilespmem:$0x4430] =	vst v1  }
0x5b: {  	[tilespmem:$0x4440] =	vst v1  }
0x5c: {  	[tilespmem:$0x4450] =	vst v1  }
0x5d: {  	[tilespmem:$0x4460] =	vst v1  }
0x5e: {  	[tilespmem:$0x4470] =	vst v1  }
0x5f: {  	[tilespmem:$0x4480] =	vst v1  }
0x60: {  	[tilespmem:$0x4490] =	vst v1  }
0x61: {  	[tilespmem:$0x44A0] =	vst v1  }
0x62: {  	[tilespmem:$0x44B0] =	vst v1  }
0x63: {  	[tilespmem:$0x44C0] =	vst v1  }
0x64: {  	[tilespmem:$0x44D0] =	vst v1  }
0x65: {  	[tilespmem:$0x44E0] =	vst v1  }
0x66: {  	[tilespmem:$0x44F0] =	vst v1  }
0x67: {  	[tilespmem:$0x4500] =	vst v1  }
0x68: {  	[tilespmem:$0x4510] =	vst v1  }
0x69: {  	[tilespmem:$0x4520] =	vst v1  }
0x6a: {  	[tilespmem:$0x4530] =	vst v1  }
0x6b: {  	[tilespmem:$0x4540] =	vst v1  }
0x6c: {  	[tilespmem:$0x4550] =	vst v1  }
0x6d: {  	[tilespmem:$0x4560] =	vst v1  }
0x6e: {  	[tilespmem:$0x4570] =	vst v1  }
0x6f: {  	[tilespmem:$0x4580] =	vst v1  }
0x70: {  	[tilespmem:$0x4590] =	vst v1  }
0x71: {  	[tilespmem:$0x45A0] =	vst v1  }
0x72: {  	[tilespmem:$0x45B0] =	vst v1  }
0x73: {  	[tilespmem:$0x45C0] =	vst v1  }
0x74: {  	[tilespmem:$0x45D0] =	vst v1  }
0x75: {  	[tilespmem:$0x45E0] =	vst v1  }
0x76: {  	[tilespmem:$0x45F0] =	vst v1  }
0x77: {  	[tilespmem:$0x4600] =	vst v1  }
0x78: {  	[tilespmem:$0x4610] =	vst v1  }
0x79: {  	[tilespmem:$0x4620] =	vst v1  }
0x7a: {  	[tilespmem:$0x4630] =	vst v1  }
0x7b: {  	[tilespmem:$0x4640] =	vst v1  }
0x7c: {  	[tilespmem:$0x4650] =	vst v1  }
0x7d: {  	[tilespmem:$0x4660] =	vst v1  }
0x7e: {  	[tilespmem:$0x4670] =	vst v1  }
0x7f: {  	[tilespmem:$0x4680] =	vst v1  }
0x80: {  	[tilespmem:$0x4690] =	vst v1  }
0x81: {  	[tilespmem:$0x46A0] =	vst v1  }
0x82: {  	[tilespmem:$0x46B0] =	vst v1  }
0x83: {  	[tilespmem:$0x46C0] =	vst v1  }
0x84: {  	[tilespmem:$0x46D0] =	vst v1  }
0x85: {  	[tilespmem:$0x46E0] =	vst v1  }
0x86: {  	[tilespmem:$0x46F0] =	vst v1  }
0x87: {  	[tilespmem:$0x4700] =	vst v1  }
0x88: {  	[tilespmem:$0x4710] =	vst v1  }
0x89: {  	[tilespmem:$0x4720] =	vst v1  }
0x8a: {  	[tilespmem:$0x4730] =	vst v1  }
0x8b: {  	[tilespmem:$0x4740] =	vst v1  }
0x8c: {  	[tilespmem:$0x4750] =	vst v1  }
0x8d: {  	[tilespmem:$0x4760] =	vst v1  }
0x8e: {  	[tilespmem:$0x4770] =	vst v1  }
0x8f: {  	[tilespmem:$0x4780] =	vst v1  }
0x90: {  	[tilespmem:$0x4790] =	vst v1  }
0x91: {  	[tilespmem:$0x47A0] =	vst v1  }
0x92: {  	[tilespmem:$0x47B0] =	vst v1  }
0x93: {  	[tilespmem:$0x47C0] =	vst v1  }
0x94: {  	[tilespmem:$0x47D0] =	vst v1  }
0x95: {  	[tilespmem:$0x47E0] =	vst v1  }
0x96: {  	s15 =	simm.s32 $0x0;
	s16 =	simm.s32 $0x0;
	[tilespmem:$0x47F0] =	vst v1  }
.LBB2_2:
0x97: {  	s17 =	sand.u32 $0x40, s16;
	s18 =	sand.u32 $0x1F00, s15  }
0x98: {  	s17 =	sor.u32 s17, s18  }
0x99: {  	v4 =	vld [tilespmem:s17+$0x0]  }
0x9a: {  	v5 =	vld [tilespmem:s17+$0x2000];
	_ =	sdelay $0x3  }
0x9b: {  	v6 =	vadd.s32 v0, v4  }
0x9c: {  	v7 =	vadd.s32 v3, v5;
	_ =	sdelay $0x1  }
0x9d: {  	vm0 =	veq.s32 v4, v5  }
0x9e: {  	v4 =	vsel vm0, $0x46000400, v2  }
0x9f: {  	[tilespmem:v6+s11+$0x0] =	vst.idx.add.f32.msk $0xffff, v4  }
0xa0: {  	[tilespmem:v7+s11+$0x0] =	vst.idx.add.f32.msk $0xffff, v2  }
0xa1: {  	v4 =	vld [tilespmem:s17+$0x10]  }
0xa2: {  	v5 =	vld [tilespmem:s17+$0x2010];
	_ =	sdelay $0x3  }
0xa3: {  	v58 =	vadd.s32 v0, v4  }
0xa4: {  	v59 =	vadd.s32 v3, v5;
	_ =	sdelay $0x1  }
0xa5: {  	vm13 =	veq.s32 v4, v5  }
0xa6: {  	v4 =	vsel vm13, $0x46000400, v2  }
0xa7: {  	[tilespmem:v58+s11+$0x0] =	vst.idx.add.f32.msk $0xffff, v4  }
0xa8: {  	[tilespmem:v59+s11+$0x0] =	vst.idx.add.f32.msk $0xffff, v2  }
0xa9: {  	v4 =	vld [tilespmem:s17+$0x20]  }
0xaa: {  	v5 =	vld [tilespmem:s17+$0x2020];
	_ =	sdelay $0x3  }
0xab: {  	v60 =	vadd.s32 v0, v4  }
0xac: {  	v61 =	vadd.s32 v3, v5;
	_ =	sdelay $0x1  }
0xad: {  	vm14 =	veq.s32 v4, v5  }
0xae: {  	v4 =	vsel vm14, $0x46000400, v2  }
0xaf: {  	[tilespmem:v60+s11+$0x0] =	vst.idx.add.f32.msk $0xffff, v4  }
0xb0: {  	[tilespmem:v61+s11+$0x0] =	vst.idx.add.f32.msk $0xffff, v2  }
0xb1: {  	v4 =	vld [tilespmem:s17+$0x30]  }
0xb2: {  	v5 =	vld [tilespmem:s17+$0x2030];
	_ =	sdelay $0x3  }
0xb3: {  	v62 =	vadd.s32 v0, v4  }
0xb4: {  	p0 =	sne.s32 s16, $0xFC0;
	v63 =	vadd.s32 v3, v5  }
.Ltmp0:
0xb5: {  	_ = 	snop;
	(pc) =	sbr.rel @p0 .LBB2_2-.Ltmp0, $4  }
0xb6: {  	vm15 =	veq.s32 v4, v5  }
0xb7: {  	v4 =	vsel vm15, $0x46000400, v2  }
0xb8: {  	[tilespmem:v62+s11+$0x0] =	vst.idx.add.f32.msk $0xffff, v4  }
0xb9: {  	s15 =	sadd.s32 $0x80, s15;
	s16 =	sadd.s32 $0x40, s16;
	[tilespmem:v63+s11+$0x0] =	vst.idx.add.f32.msk $0xffff, v2  }
0xba: {  	p0 =	por $0x0, $0x0;
	s15 =	simm.s32 $0x1  }
0xbb: {  	s15 =	simm.s32 @!p0 $0x0  }
0xbc: {  	s15 =	sshll.u32 s15, $0x6  }
0xbd: {  	s15 =	sadd.s32 $0x0, s15  }
0xbe: {  	s16 =	sor.u32 $0x80, s15  }
0xbf: {  	v4 =	vld [tilespmem:s16+$0x0]  }
0xc0: {  	v5 =	vld [tilespmem:s16+$0x2000];
	_ =	sdelay $0x3  }
0xc1: {  	v6 =	vadd.s32 v0, v4  }
0xc2: {  	v7 =	vadd.s32 v3, v5;
	_ =	sdelay $0x1  }
0xc3: {  	vm0 =	veq.s32 v4, v5  }
0xc4: {  	v4 =	vsel vm0, $0x46000400, v2  }
0xc5: {  	[tilespmem:v6+s11+$0x0] =	vst.idx.add.f32.msk $0xffff, v4  }
0xc6: {  	s30 =	sor.u32 $0x90, s15;
	[tilespmem:v7+s11+$0x0] =	vst.idx.add.f32.msk $0xffff, v2  }
0xc7: {  	v4 =	vld [tilespmem:s30+$0x0]  }
0xc8: {  	v5 =	vld [tilespmem:s30+$0x2000];
	_ =	sdelay $0x3  }
0xc9: {  	v6 =	vadd.s32 v0, v4  }
0xca: {  	v7 =	vadd.s32 v3, v5;
	_ =	sdelay $0x1  }
0xcb: {  	vm13 =	veq.s32 v4, v5  }
0xcc: {  	v4 =	vsel vm13, $0x46000400, v2  }
0xcd: {  	[tilespmem:v6+s11+$0x0] =	vst.idx.add.f32.msk $0xffff, v4  }
0xce: {  	s31 =	sor.u32 $0xA0, s15;
	[tilespmem:v7+s11+$0x0] =	vst.idx.add.f32.msk $0xffff, v2  }
0xcf: {  	v4 =	vld [tilespmem:s31+$0x0]  }
0xd0: {  	v5 =	vld [tilespmem:s31+$0x2000];
	_ =	sdelay $0x3  }
0xd1: {  	v6 =	vadd.s32 v0, v4  }
0xd2: {  	v7 =	vadd.s32 v3, v5;
	_ =	sdelay $0x1  }
0xd3: {  	vm14 =	veq.s32 v4, v5  }
0xd4: {  	v4 =	vsel vm14, $0x46000400, v2  }
0xd5: {  	[tilespmem:v6+s11+$0x0] =	vst.idx.add.f32.msk $0xffff, v4  }
0xd6: {  	s15 =	sor.u32 $0xB0, s15;
	[tilespmem:v7+s11+$0x0] =	vst.idx.add.f32.msk $0xffff, v2  }
0xd7: {  	v4 =	vld [tilespmem:s15+$0x0]  }
0xd8: {  	v5 =	vld [tilespmem:s15+$0x2000];
	_ =	sdelay $0x3  }
0xd9: {  	v6 =	vadd.s32 v0, v4  }
0xda: {  	vm15 =	veq.s32 v4, v5;
	v4 =	vadd.s32 v3, v5  }
0xdb: {  	p0 =	por !p0, !p0;
	s15 =	simm.s32 $0x1  }
0xdc: {  	s15 =	simm.s32 @!p0 $0x0  }
0xdd: {  	s15 =	sshll.u32 s15, $0x6;
	v7 =	vsel vm15, $0x46000400, v2  }
0xde: {  	s17 =	simm.s32 $0x80;
	s16 =	simm.s32 $0x80;
	s15 =	sadd.s32 $0x80, s15;
	[tilespmem:v6+s11+$0x0] =	vst.idx.add.f32.msk $0xffff, v7  }
.LBB2_4:
0xdf: {  	p1 =	sne.s32 s16, $0xFC0;
	s16 =	sadd.s32 $0x40, s16;
	s18 =	sor.u32 $0x80, s15;
	[tilespmem:v4+s11+$0x0] =	vst.idx.add.f32.msk $0xffff, v2  }
0xe0: {  	v4 =	vld [tilespmem:s18+$0x0]  }
0xe1: {  	v5 =	vld [tilespmem:s18+$0x2000];
	_ =	sdelay $0x3  }
0xe2: {  	v6 =	vadd.s32 v0, v4  }
0xe3: {  	vm0 =	veq.s32 v4, v5;
	v4 =	vadd.s32 v3, v5;
	_ =	sdelay $0x2  }
0xe4: {  	v5 =	vsel vm0, $0x46000400, v2  }
0xe5: {  	[tilespmem:v6+s11+$0x0] =	vst.idx.add.f32.msk $0xffff, v5  }
0xe6: {  	s18 =	sor.u32 $0x90, s15;
	[tilespmem:v4+s11+$0x0] =	vst.idx.add.f32.msk $0xffff, v2  }
0xe7: {  	v4 =	vld [tilespmem:s18+$0x0]  }
0xe8: {  	v5 =	vld [tilespmem:s18+$0x2000];
	_ =	sdelay $0x3  }
0xe9: {  	v6 =	vadd.s32 v0, v4  }
0xea: {  	vm0 =	veq.s32 v4, v5;
	v4 =	vadd.s32 v3, v5;
	_ =	sdelay $0x2  }
0xeb: {  	v5 =	vsel vm0, $0x46000400, v2  }
0xec: {  	[tilespmem:v6+s11+$0x0] =	vst.idx.add.f32.msk $0xffff, v5  }
0xed: {  	s18 =	sor.u32 $0xA0, s15;
	[tilespmem:v4+s11+$0x0] =	vst.idx.add.f32.msk $0xffff, v2  }
0xee: {  	v4 =	vld [tilespmem:s18+$0x0]  }
0xef: {  	v5 =	vld [tilespmem:s18+$0x2000];
	_ =	sdelay $0x3  }
0xf0: {  	v6 =	vadd.s32 v0, v4  }
0xf1: {  	vm0 =	veq.s32 v4, v5;
	v4 =	vadd.s32 v3, v5;
	_ =	sdelay $0x2  }
0xf2: {  	v5 =	vsel vm0, $0x46000400, v2  }
0xf3: {  	[tilespmem:v6+s11+$0x0] =	vst.idx.add.f32.msk $0xffff, v5  }
0xf4: {  	s15 =	sor.u32 $0xB0, s15;
	[tilespmem:v4+s11+$0x0] =	vst.idx.add.f32.msk $0xffff, v2  }
0xf5: {  	v4 =	vld [tilespmem:s15+$0x0]  }
0xf6: {  	v5 =	vld [tilespmem:s15+$0x2000];
	_ =	sdelay $0x3  }
0xf7: {  	v6 =	vadd.s32 v0, v4  }
.Ltmp1:
0xf8: {  	vm0 =	veq.s32 v4, v5;
	v4 =	vadd.s32 v3, v5;
	(pc) =	sbr.rel @p1 .LBB2_4-.Ltmp1, $4  }
0xf9: {  	p0 =	por !p0, !p0;
	s15 =	simm.s32 $0x1  }
0xfa: {  	s15 =	simm.s32 @!p0 $0x0  }
0xfb: {  	s17 =	sadd.s32 $0x80, s17;
	s15 =	sshll.u32 s15, $0x6;
	v5 =	vsel vm0, $0x46000400, v2  }
0xfc: {  	s15 =	sadd.s32 s15, s17;
	[tilespmem:v6+s11+$0x0] =	vst.idx.add.f32.msk $0xffff, v5  }
0xfd: {  	_ =	sdelay $0x3  }
0xfe: {  	s16 =	sor.u32 $0x80, s15;
	[tilespmem:v4+s11+$0x0] =	vst.idx.add.f32.msk $0xffff, v2  }
0xff: {  	v4 =	vld [tilespmem:s16+$0x0]  }
0x100: {  	v5 =	vld [tilespmem:s16+$0x2000];
	_ =	sdelay $0x3  }
0x101: {  	v6 =	vadd.s32 v0, v4  }
0x102: {  	v7 =	vadd.s32 v3, v5;
	_ =	sdelay $0x1  }
0x103: {  	vm0 =	veq.s32 v4, v5  }
0x104: {  	v4 =	vsel vm0, $0x46000400, v2  }
0x105: {  	[tilespmem:v6+s11+$0x0] =	vst.idx.add.f32.msk $0xffff, v4  }
0x106: {  	s29 =	sor.u32 $0x90, s15;
	[tilespmem:v7+s11+$0x0] =	vst.idx.add.f32.msk $0xffff, v2  }
0x107: {  	v4 =	vld [tilespmem:s29+$0x0]  }
0x108: {  	v5 =	vld [tilespmem:s29+$0x2000];
	_ =	sdelay $0x3  }
0x109: {  	v17 =	vadd.s32 v0, v4  }
0x10a: {  	v18 =	vadd.s32 v3, v5;
	_ =	sdelay $0x1  }
0x10b: {  	vm13 =	veq.s32 v4, v5  }
0x10c: {  	v4 =	vsel vm13, $0x46000400, v2  }
0x10d: {  	[tilespmem:v17+s11+$0x0] =	vst.idx.add.f32.msk $0xffff, v4  }
0x10e: {  	s30 =	sor.u32 $0xA0, s15;
	[tilespmem:v18+s11+$0x0] =	vst.idx.add.f32.msk $0xffff, v2  }
0x10f: {  	v4 =	vld [tilespmem:s30+$0x0]  }
0x110: {  	v5 =	vld [tilespmem:s30+$0x2000];
	_ =	sdelay $0x3  }
0x111: {  	v19 =	vadd.s32 v0, v4  }
0x112: {  	v20 =	vadd.s32 v3, v5;
	_ =	sdelay $0x1  }
0x113: {  	vm14 =	veq.s32 v4, v5  }
0x114: {  	v4 =	vsel vm14, $0x46000400, v2  }
0x115: {  	[tilespmem:v19+s11+$0x0] =	vst.idx.add.f32.msk $0xffff, v4  }
0x116: {  	s31 =	sor.u32 $0xB0, s15;
	[tilespmem:v20+s11+$0x0] =	vst.idx.add.f32.msk $0xffff, v2  }
0x117: {  	v4 =	vld [tilespmem:s31+$0x0]  }
0x118: {  	v5 =	vld [tilespmem:s31+$0x2000];
	_ =	sdelay $0x3  }
0x119: {  	v21 =	vadd.s32 v0, v4  }
0x11a: {  	v22 =	vadd.s32 v3, v5;
	_ =	sdelay $0x1  }
0x11b: {  	vm15 =	veq.s32 v4, v5  }
0x11c: {  	v4 =	vsel vm15, $0x46000400, v2  }
0x11d: {  	[tilespmem:v21+s11+$0x0] =	vst.idx.add.f32.msk $0xffff, v4  }
0x11e: {  	[tilespmem:v22+s11+$0x0] =	vst.idx.add.f32.msk $0xffff, v2  }
0x11f: {  	v4 =	vld [tilespmem:$0x4000]  }
0x120: {  	v5 =	vld [tilespmem:$0x4040]  }
0x121: {  	v6 =	vld [tilespmem:$0x4080]  }
0x122: {  	v8 =	vld [tilespmem:$0x40C0]  }
0x123: {  	v12 =	vld [tilespmem:$0x4100]  }
0x124: {  	v24 =	vld [tilespmem:$0x4140]  }
0x125: {  	v29 =	vld [tilespmem:$0x4180]  }
0x126: {  	v39 =	vld [tilespmem:$0x4200]  }
0x127: {  	v55 =	vld [tilespmem:$0x42C0]  }
0x128: {  	v4 =	vtrunc.f32 v4  }
0x129: {  	v7 =	vld [tilespmem:$0x4400];
	v5 =	vtrunc.f32 v5;
	v6 =	vtrunc.f32 v6  }
0x12a: {  	v8 =	vtrunc.f32 v8;
	v28 =	vtrunc.f32 v12  }
0x12b: {  	v33 =	vtrunc.f32 v24;
	v12 =	vtrunc.f32 v29  }
0x12c: {  	v48 =	vtrunc.f32 v39;
	v16 =	vtrunc.f32 v55  }
0x12d: {  	v45 =	vld [tilespmem:$0x4240];
	v4 =	vcvt.f32.s32 v4;
	v5 =	vcvt.f32.s32 v5  }
0x12e: {  	v7 =	vadd.f32 $0.0e+00, v7;
	v6 =	vcvt.f32.s32 v6;
	v8 =	vcvt.f32.s32 v8  }
0x12f: {  	v31 =	vcvt.f32.s32 v28;
	v12 =	vcvt.f32.s32 v12;
	v9 =	vshra.s32 v4, $0xD  }
0x130: {  	v4 =	vand.u32 $0x1FFF, v4;
	v11 =	vshra.s32 v5, $0xD;
	v5 =	vand.u32 $0x1FFF, v5  }
0x131: {  	v13 =	vshra.s32 v6, $0xD;
	v6 =	vand.u32 $0x1FFF, v6;
	v42 =	vshra.s32 v12, $0xD  }
0x132: {  	v10 =	vld [tilespmem:$0x4440];
	v44 =	vand.u32 $0x1FFF, v12;
	v12 =	vtrunc.f32 v45;
	v9 =	vcvt.s32.f32 v9  }
0x133: {  	v35 =	vld [tilespmem:$0x41C0];
	v26 =	vshra.s32 v8, $0xD;
	v4 =	vcvt.s32.f32 v4;
	v11 =	vcvt.s32.f32 v11  }
0x134: {  	v61 =	vld [tilespmem:$0x4300];
	v8 =	vand.u32 $0x1FFF, v8;
	v5 =	vcvt.s32.f32 v5;
	v23 =	vcvt.s32.f32 v13  }
0x135: {  	v6 =	vcvt.s32.f32 v6;
	v30 =	vcvt.s32.f32 v8;
	v8 =	vand.u32 $0x1FFF, v31  }
0x136: {  	v46 =	vcvt.s32.f32 v44;
	v12 =	vcvt.f32.s32 v12;
	v9 =	vadd.f32 v11, v9  }
0x137: {  	v14 =	vld [tilespmem:$0x4480];
	v8 =	vcvt.s32.f32 v8;
	v4 =	vadd.f32 v5, v4;
	v5 =	vadd.f32 v10, v7  }
0x138: {  	v11 =	vcvt.f32.s32 v33;
	v10 =	vtrunc.f32 v35;
	v58 =	vshra.s32 v12, $0xD  }
0x139: {  	v60 =	vand.u32 $0x1FFF, v12;
	v12 =	vtrunc.f32 v61;
	v10 =	vcvt.f32.s32 v10  }
0x13a: {  	v51 =	vld [tilespmem:$0x4280];
	v34 =	vshra.s32 v31, $0xD;
	v62 =	vcvt.s32.f32 v60;
	v12 =	vcvt.f32.s32 v12  }
0x13b: {  	v29 =	vld [tilespmem:$0x43C0];
	v25 =	vadd.f32 v23, v9;
	v9 =	vcvt.s32.f32 v26;
	v4 =	vadd.f32 v6, v4  }
0x13c: {  	v5 =	vadd.f32 v14, v5;
	v6 =	vcvt.s32.f32 v34;
	v36 =	vshra.s32 v11, $0xD  }
0x13d: {  	v40 =	vand.u32 $0x1FFF, v11;
	v11 =	vcvt.f32.s32 v48;
	v38 =	vcvt.s32.f32 v36  }
0x13e: {  	v27 =	vld [tilespmem:$0x44C0];
	v41 =	vcvt.s32.f32 v40;
	v49 =	vshra.s32 v10, $0xD;
	v50 =	vand.u32 $0x1FFF, v10  }
0x13f: {  	v15 =	vld [tilespmem:$0x4110];
	v10 =	vtrunc.f32 v51;
	v26 =	vshra.s32 v12, $0xD;
	v28 =	vand.u32 $0x1FFF, v12  }
0x140: {  	v32 =	vld [tilespmem:$0x4500];
	v12 =	vtrunc.f32 v29;
	v7 =	vadd.f32 v9, v25;
	v4 =	vadd.f32 v30, v4  }
0x141: {  	v9 =	vcvt.s32.f32 v50;
	v52 =	vshra.s32 v11, $0xD;
	v10 =	vcvt.f32.s32 v10  }
0x142: {  	v19 =	vld [tilespmem:$0x4340];
	v56 =	vand.u32 $0x1FFF, v11;
	v11 =	vcvt.f32.s32 v16;
	v30 =	vcvt.s32.f32 v28  }
0x143: {  	v5 =	vadd.f32 v27, v5;
	v12 =	vcvt.f32.s32 v12;
	v54 =	vcvt.s32.f32 v52  }
0x144: {  	v45 =	vld [tilespmem:$0x4410];
	v57 =	vcvt.s32.f32 v56;
	v56 =	vtrunc.f32 v15;
	v6 =	vadd.f32 v6, v7  }
0x145: {  	v23 =	vld [tilespmem:$0x4380];
	v4 =	vadd.f32 v8, v4;
	v5 =	vadd.f32 v32, v5;
	v8 =	vcvt.s32.f32 v42  }
0x146: {  	v37 =	vld [tilespmem:$0x4540];
	v7 =	vcvt.s32.f32 v49;
	v17 =	vshra.s32 v10, $0xD;
	v18 =	vand.u32 $0x1FFF, v10  }
0x147: {  	v35 =	vld [tilespmem:$0x4010];
	v20 =	vshra.s32 v11, $0xD;
	v24 =	vand.u32 $0x1FFF, v11;
	v10 =	vtrunc.f32 v19  }
0x148: {  	v42 =	vshra.s32 v12, $0xD;
	v44 =	vand.u32 $0x1FFF, v12;
	v22 =	vcvt.s32.f32 v20  }
0x149: {  	v43 =	vld [tilespmem:$0x4580];
	v12 =	vadd.f32 $0.0e+00, v45;
	v25 =	vcvt.s32.f32 v24;
	v10 =	vcvt.f32.s32 v10  }
0x14a: {  	v39 =	vld [tilespmem:$0x4050];
	v32 =	vtrunc.f32 v23;
	v6 =	vadd.f32 v38, v6;
	v4 =	vadd.f32 v41, v4  }
0x14b: {  	v52 =	vld [tilespmem:$0x4150];
	v5 =	vadd.f32 v37, v5;
	v11 =	vcvt.f32.s32 v32;
	v33 =	vshra.s32 v10, $0xD  }
0x14c: {  	v47 =	vld [tilespmem:$0x45C0];
	v34 =	vand.u32 $0x1FFF, v10;
	v10 =	vtrunc.f32 v35;
	v6 =	vadd.f32 v8, v6  }
0x14d: {  	v4 =	vadd.f32 v46, v4;
	v8 =	vcvt.s32.f32 v58;
	v36 =	vshra.s32 v11, $0xD  }
0x14e: {  	v53 =	vld [tilespmem:$0x4600];
	v40 =	vand.u32 $0x1FFF, v11;
	v11 =	vcvt.s32.f32 v44;
	v10 =	vcvt.f32.s32 v10  }
0x14f: {  	v59 =	vld [tilespmem:$0x4640];
	v5 =	vadd.f32 v43, v5;
	v46 =	vtrunc.f32 v39;
	v58 =	vcvt.f32.s32 v56  }
0x150: {  	v49 =	vld [tilespmem:$0x4450];
	v60 =	vtrunc.f32 v52;
	v6 =	vadd.f32 v7, v6;
	v4 =	vadd.f32 v9, v4  }
0x151: {  	v38 =	vcvt.s32.f32 v36;
	v41 =	vcvt.s32.f32 v40;
	v5 =	vadd.f32 v47, v5  }
0x152: {  	v63 =	vld [tilespmem:$0x4680];
	v7 =	vcvt.s32.f32 v17;
	v6 =	vadd.f32 v54, v6;
	v4 =	vadd.f32 v57, v4  }
0x153: {  	v9 =	vcvt.s32.f32 v18;
	v48 =	vshra.s32 v10, $0xD;
	v5 =	vadd.f32 v53, v5;
	v57 =	vld [tilespmem:$0x4190]  }
0x154: {  	v21 =	vld [tilespmem:$0x46C0];
	v10 =	vand.u32 $0x1FFF, v10;
	v6 =	vadd.f32 v8, v6;
	v4 =	vadd.f32 v62, v4  }
0x155: {  	v61 =	vshra.s32 v58, $0xD;
	v53 =	vadd.f32 v49, v12;
	v5 =	vadd.f32 v59, v5;
	v62 =	vld [tilespmem:$0x41D0]  }
0x156: {  	v27 =	vld [tilespmem:$0x4700];
	v10 =	vcvt.s32.f32 v10;
	v6 =	vadd.f32 v7, v6;
	v4 =	vadd.f32 v9, v4  }
0x157: {  	v28 =	vld [tilespmem:$0x4250];
	v8 =	vcvt.s32.f32 v26;
	v5 =	vadd.f32 v63, v5;
	v7 =	vcvt.s32.f32 v33  }
0x158: {  	v31 =	vld [tilespmem:$0x4740];
	v15 =	vtrunc.f32 v57;
	v6 =	vadd.f32 v22, v6;
	v4 =	vadd.f32 v25, v4  }
0x159: {  	v43 =	vld [tilespmem:$0x4090];
	v9 =	vcvt.s32.f32 v34;
	v5 =	vadd.f32 v21, v5;
	v15 =	vcvt.f32.s32 v15  }
0x15a: {  	v34 =	vld [tilespmem:$0x4290];
	v13 =	vtrunc.f32 v62;
	v6 =	vadd.f32 v8, v6;
	v4 =	vadd.f32 v30, v4  }
0x15b: {  	v22 =	vld [tilespmem:$0x4210];
	v5 =	vadd.f32 v27, v5;
	v8 =	vcvt.s32.f32 v42;
	v25 =	vshra.s32 v15, $0xD  }
0x15c: {  	v27 =	vand.u32 $0x1FFF, v15;
	v13 =	vcvt.f32.s32 v13;
	v15 =	vtrunc.f32 v28  }
0x15d: {  	v37 =	vld [tilespmem:$0x4780];
	v29 =	vcvt.s32.f32 v27;
	v15 =	vcvt.f32.s32 v15;
	v6 =	vadd.f32 v7, v6  }
0x15e: {  	v44 =	vld [tilespmem:$0x4310];
	v4 =	vadd.f32 v9, v4;
	v5 =	vadd.f32 v31, v5;
	v9 =	vtrunc.f32 v43  }
0x15f: {  	v32 =	vshra.s32 v13, $0xD;
	v33 =	vand.u32 $0x1FFF, v13;
	v13 =	vtrunc.f32 v34  }
0x160: {  	v47 =	vld [tilespmem:$0x40D0];
	v9 =	vcvt.f32.s32 v9;
	v31 =	vtrunc.f32 v22;
	v43 =	vand.u32 $0x1FFF, v15  }
0x161: {  	v13 =	vcvt.f32.s32 v13;
	v7 =	vadd.f32 v38, v6;
	v4 =	vadd.f32 v41, v4  }
0x162: {  	v6 =	vadd.f32 v37, v5;
	v41 =	vshra.s32 v15, $0xD;
	v45 =	vcvt.s32.f32 v43  }
0x163: {  	v22 =	vld [tilespmem:$0x4020];
	v15 =	vtrunc.f32 v44;
	v16 =	vshra.s32 v9, $0xD;
	v9 =	vand.u32 $0x1FFF, v9  }
0x164: {  	v15 =	vcvt.f32.s32 v15;
	v5 =	vadd.f32 v8, v7;
	v7 =	vcvt.f32.s32 v46  }
0x165: {  	v38 =	vld [tilespmem:$0x42D0];
	v4 =	vadd.f32 v11, v4;
	v11 =	vcvt.s32.f32 v48;
	v8 =	vtrunc.f32 v47  }
0x166: {  	v49 =	vand.u32 $0x1FFF, v13;
	v51 =	vcvt.s32.f32 v16;
	v9 =	vcvt.s32.f32 v9  }
0x167: {  	v17 =	vld [tilespmem:$0x4490];
	v48 =	vshra.s32 v13, $0xD;
	v8 =	vcvt.f32.s32 v8;
	v57 =	vshra.s32 v15, $0xD  }
0x168: {  	v50 =	vshra.s32 v7, $0xD;
	v7 =	vand.u32 $0x1FFF, v7;
	v16 =	vtrunc.f32 v22  }
0x169: {  	v55 =	vld [tilespmem:$0x44D0];
	v15 =	vand.u32 $0x1FFF, v15;
	v14 =	vcvt.s32.f32 v50;
	v7 =	vcvt.s32.f32 v7  }
0x16a: {  	v54 =	vshra.s32 v8, $0xD;
	v8 =	vand.u32 $0x1FFF, v8;
	v47 =	vtrunc.f32 v38  }
0x16b: {  	v50 =	vld [tilespmem:$0x4350];
	v12 =	vcvt.s32.f32 v54;
	v11 =	vadd.f32 v14, v11;
	v7 =	vadd.f32 v7, v10  }
0x16c: {  	v59 =	vld [tilespmem:$0x4510];
	v8 =	vcvt.s32.f32 v8;
	v10 =	vadd.f32 v17, v53;
	v14 =	vcvt.f32.s32 v60  }
0x16d: {  	v60 =	vcvt.s32.f32 v15;
	v11 =	vadd.f32 v51, v11;
	v7 =	vadd.f32 v9, v7  }
0x16e: {  	v10 =	vadd.f32 v55, v10;
	v9 =	vand.u32 $0x1FFF, v58;
	v63 =	vshra.s32 v14, $0xD  }
0x16f: {  	v24 =	vand.u32 $0x1FFF, v14;
	v14 =	vcvt.f32.s32 v31;
	v9 =	vcvt.s32.f32 v9  }
0x170: {  	v20 =	vld [tilespmem:$0x4550];
	v21 =	vcvt.s32.f32 v63;
	v13 =	vtrunc.f32 v50;
	v11 =	vadd.f32 v12, v11  }
0x171: {  	v7 =	vadd.f32 v8, v7;
	v8 =	vcvt.s32.f32 v61;
	v23 =	vadd.f32 v59, v10  }
0x172: {  	v10 =	vcvt.s32.f32 v24;
	v12 =	vcvt.s32.f32 v33;
	v35 =	vshra.s32 v14, $0xD  }
0x173: {  	v26 =	vld [tilespmem:$0x4590];
	v39 =	vand.u32 $0x1FFF, v14;
	v14 =	vcvt.f32.s32 v47;
	v13 =	vcvt.f32.s32 v13  }
0x174: {  	v59 =	vld [tilespmem:$0x43D0];
	v37 =	vcvt.s32.f32 v35;
	v40 =	vcvt.s32.f32 v39;
	v8 =	vadd.f32 v8, v11  }
0x175: {  	v33 =	vld [tilespmem:$0x4420];
	v7 =	vadd.f32 v9, v7;
	v11 =	vcvt.s32.f32 v25;
	v9 =	vadd.f32 v20, v23  }
0x176: {  	v30 =	vld [tilespmem:$0x45D0];
	v51 =	vshra.s32 v14, $0xD;
	v54 =	vand.u32 $0x1FFF, v14;
	v61 =	vshra.s32 v13, $0xD  }
0x177: {  	v13 =	vand.u32 $0x1FFF, v13;
	v25 =	vld [tilespmem:$0x4060];
	v52 =	vcvt.s32.f32 v51;
	v56 =	vcvt.s32.f32 v54  }
0x178: {  	v36 =	vld [tilespmem:$0x4610];
	v13 =	vcvt.s32.f32 v13;
	v8 =	vadd.f32 v21, v8;
	v7 =	vadd.f32 v10, v7  }
0x179: {  	v42 =	vld [tilespmem:$0x4650];
	v9 =	vadd.f32 v26, v9;
	v10 =	vcvt.s32.f32 v32;
	v32 =	vcvt.f32.s32 v16  }
0x17a: {  	v51 =	vld [tilespmem:$0x41E0];
	v21 =	vtrunc.f32 v59;
	v15 =	vadd.f32 $0.0e+00, v33;
	v8 =	vadd.f32 v11, v8  }
0x17b: {  	v7 =	vadd.f32 v29, v7;
	v9 =	vadd.f32 v30, v9;
	v11 =	vcvt.s32.f32 v41;
	v30 =	vld [tilespmem:$0x40A0]  }
0x17c: {  	v14 =	vcvt.f32.s32 v21;
	v41 =	vld [tilespmem:$0x4160];
	v34 =	vtrunc.f32 v25;
	v8 =	vadd.f32 v10, v8  }
0x17d: {  	v46 =	vld [tilespmem:$0x4690];
	v7 =	vadd.f32 v12, v7;
	v9 =	vadd.f32 v36, v9;
	v10 =	vcvt.s32.f32 v48  }
0x17e: {  	v39 =	vld [tilespmem:$0x4120];
	v12 =	vcvt.s32.f32 v49;
	v27 =	vshra.s32 v14, $0xD;
	v29 =	vand.u32 $0x1FFF, v14  }
0x17f: {  	v53 =	vld [tilespmem:$0x46D0];
	v36 =	vshra.s32 v32, $0xD;
	v16 =	vtrunc.f32 v51;
	v28 =	vcvt.s32.f32 v27  }
0x180: {  	v55 =	vld [tilespmem:$0x4390];
	v16 =	vcvt.f32.s32 v16;
	v8 =	vadd.f32 v37, v8;
	v7 =	vadd.f32 v40, v7  }
0x181: {  	v9 =	vadd.f32 v42, v9;
	v14 =	vtrunc.f32 v30;
	v49 =	vtrunc.f32 v41  }
0x182: {  	v37 =	vld [tilespmem:$0x4460];
	v25 =	vshra.s32 v16, $0xD;
	v8 =	vadd.f32 v11, v8;
	v7 =	vadd.f32 v45, v7  }
0x183: {  	v58 =	vld [tilespmem:$0x4710];
	v9 =	vadd.f32 v46, v9;
	v11 =	vcvt.s32.f32 v57;
	v45 =	vtrunc.f32 v39  }
0x184: {  	v14 =	vcvt.f32.s32 v14;
	v47 =	vcvt.f32.s32 v45;
	v8 =	vadd.f32 v10, v8  }
0x185: {  	v62 =	vld [tilespmem:$0x4750];
	v7 =	vadd.f32 v12, v7;
	v9 =	vadd.f32 v53, v9;
	v12 =	vtrunc.f32 v55  }
0x186: {  	v63 =	vld [tilespmem:$0x47C0];
	v10 =	vcvt.s32.f32 v61;
	v19 =	vshra.s32 v14, $0xD;
	v14 =	vand.u32 $0x1FFF, v14  }
0x187: {  	v18 =	vld [tilespmem:$0x47D0];
	v12 =	vcvt.f32.s32 v12;
	v42 =	vadd.f32 v37, v15;
	v8 =	vadd.f32 v52, v8  }
0x188: {  	v24 =	vld [tilespmem:$0x4790];
	v40 =	vcvt.s32.f32 v19;
	v7 =	vadd.f32 v56, v7;
	v9 =	vadd.f32 v58, v9  }
0x189: {  	v55 =	vld [tilespmem:$0x4220];
	v14 =	vcvt.s32.f32 v14;
	v23 =	vshra.s32 v12, $0xD;
	v8 =	vadd.f32 v11, v8  }
0x18a: {  	v27 =	vld [tilespmem:$0x42A0];
	v12 =	vand.u32 $0x1FFF, v12;
	v7 =	vadd.f32 v60, v7;
	v11 =	vadd.f32 v62, v9  }
0x18b: {  	v46 =	vld [tilespmem:$0x41A0];
	v26 =	vcvt.s32.f32 v12;
	v12 =	vcvt.s32.f32 v29;
	v9 =	vadd.f32 v63, v6  }
0x18c: {  	v8 =	vadd.f32 v10, v8;
	v7 =	vadd.f32 v13, v7;
	v10 =	vcvt.s32.f32 v23  }
0x18d: {  	v31 =	vadd.f32 v24, v11;
	v13 =	vcvt.s32.f32 v36;
	v11 =	vand.u32 $0x1FFF, v32  }
0x18e: {  	v35 =	vld [tilespmem:$0x40E0];
	v24 =	vtrunc.f32 v55;
	v11 =	vcvt.s32.f32 v11;
	v8 =	vadd.f32 v10, v8  }
0x18f: {  	v7 =	vadd.f32 v26, v7;
	v6 =	vadd.f32 v18, v31;
	v10 =	vcvt.f32.s32 v34  }
0x190: {  	v61 =	vld [tilespmem:$0x4260];
	v18 =	vtrunc.f32 v46;
	v26 =	vand.u32 $0x1FFF, v16;
	v16 =	vtrunc.f32 v27  }
0x191: {  	v50 =	vshra.s32 v47, $0xD;
	v18 =	vcvt.f32.s32 v18;
	v16 =	vcvt.f32.s32 v16  }
0x192: {  	v8 =	vadd.f32 v28, v8;
	v7 =	vadd.f32 v12, v7;
	v38 =	vshra.s32 v10, $0xD  }
0x193: {  	v20 =	vld [tilespmem:$0x44A0];
	v10 =	vand.u32 $0x1FFF, v10;
	v12 =	vtrunc.f32 v35;
	v17 =	vcvt.s32.f32 v38  }
0x194: {  	v10 =	vcvt.s32.f32 v10;
	v12 =	vcvt.f32.s32 v12;
	v58 =	vshra.s32 v18, $0xD  }
0x195: {  	v37 =	vld [tilespmem:$0x4320];
	v60 =	vand.u32 $0x1FFF, v18;
	v18 =	vtrunc.f32 v61;
	v41 =	vshra.s32 v16, $0xD  }
0x196: {  	v62 =	vcvt.s32.f32 v60;
	v18 =	vcvt.f32.s32 v18;
	v13 =	vadd.f32 v17, v13  }
0x197: {  	v31 =	vld [tilespmem:$0x42E0];
	v10 =	vadd.f32 v10, v11;
	v43 =	vshra.s32 v12, $0xD;
	v12 =	vand.u32 $0x1FFF, v12  }
0x198: {  	v11 =	vadd.f32 v20, v42;
	v17 =	vcvt.f32.s32 v49;
	v15 =	vcvt.s32.f32 v43  }
0x199: {  	v44 =	vld [tilespmem:$0x44E0];
	v12 =	vcvt.s32.f32 v12;
	v34 =	vshra.s32 v18, $0xD;
	v36 =	vand.u32 $0x1FFF, v18  }
0x19a: {  	v18 =	vtrunc.f32 v37;
	v13 =	vadd.f32 v40, v13;
	v10 =	vadd.f32 v14, v10  }
0x19b: {  	v48 =	vld [tilespmem:$0x4520];
	v52 =	vshra.s32 v17, $0xD;
	v56 =	vand.u32 $0x1FFF, v17;
	v17 =	vcvt.f32.s32 v24  }
0x19c: {  	v14 =	vand.u32 $0x1FFF, v47;
	v38 =	vcvt.s32.f32 v36;
	v40 =	vtrunc.f32 v31  }
0x19d: {  	v42 =	vand.u32 $0x1FFF, v16;
	v18 =	vcvt.f32.s32 v18;
	v14 =	vcvt.s32.f32 v14  }
0x19e: {  	v11 =	vadd.f32 v44, v11;
	v54 =	vcvt.s32.f32 v52;
	v57 =	vcvt.s32.f32 v56  }
0x19f: {  	v53 =	vld [tilespmem:$0x4560];
	v13 =	vadd.f32 v15, v13;
	v10 =	vadd.f32 v12, v10;
	v12 =	vcvt.s32.f32 v50  }
0x1a0: {  	v43 =	vld [tilespmem:$0x4360];
	v11 =	vadd.f32 v48, v11;
	v15 =	vcvt.s32.f32 v26;
	v28 =	vshra.s32 v17, $0xD  }
0x1a1: {  	v59 =	vld [tilespmem:$0x45A0];
	v32 =	vand.u32 $0x1FFF, v17;
	v17 =	vcvt.f32.s32 v40;
	v50 =	vshra.s32 v18, $0xD  }
0x1a2: {  	v47 =	vld [tilespmem:$0x43A0];
	v52 =	vand.u32 $0x1FFF, v18;
	v30 =	vcvt.s32.f32 v28;
	v33 =	vcvt.s32.f32 v32  }
0x1a3: {  	v12 =	vadd.f32 v12, v13;
	v10 =	vadd.f32 v14, v10;
	v14 =	vcvt.s32.f32 v58  }
0x1a4: {  	v11 =	vadd.f32 v53, v11;
	v13 =	vcvt.s32.f32 v25;
	v44 =	vshra.s32 v17, $0xD  }
0x1a5: {  	v28 =	vld [tilespmem:$0x40F0];
	v48 =	vand.u32 $0x1FFF, v17;
	v16 =	vtrunc.f32 v43;
	v46 =	vcvt.s32.f32 v44  }
0x1a6: {  	v53 =	vld [tilespmem:$0x43E0];
	v49 =	vcvt.s32.f32 v48;
	v16 =	vcvt.f32.s32 v16;
	v12 =	vadd.f32 v54, v12  }
0x1a7: {  	v63 =	vld [tilespmem:$0x45E0];
	v56 =	vtrunc.f32 v47;
	v10 =	vadd.f32 v57, v10;
	v11 =	vadd.f32 v59, v11  }
0x1a8: {  	v54 =	vcvt.s32.f32 v52;
	v17 =	vcvt.f32.s32 v56;
	v57 =	vshra.s32 v16, $0xD  }
0x1a9: {  	v29 =	vld [tilespmem:$0x4620];
	v58 =	vand.u32 $0x1FFF, v16;
	v12 =	vadd.f32 v14, v12;
	v10 =	vadd.f32 v62, v10  }
0x1aa: {  	v59 =	vld [tilespmem:$0x4030];
	v14 =	vcvt.s32.f32 v34;
	v60 =	vshra.s32 v17, $0xD;
	v19 =	vtrunc.f32 v28  }
0x1ab: {  	v35 =	vld [tilespmem:$0x4660];
	v21 =	vand.u32 $0x1FFF, v17;
	v18 =	vtrunc.f32 v53;
	v62 =	vcvt.s32.f32 v60  }
0x1ac: {  	v26 =	vld [tilespmem:$0x4430];
	v11 =	vadd.f32 v63, v11;
	v22 =	vcvt.s32.f32 v21;
	v19 =	vcvt.f32.s32 v19  }
0x1ad: {  	v63 =	vld [tilespmem:$0x4070];
	v12 =	vadd.f32 v13, v12;
	v10 =	vadd.f32 v15, v10;
	v13 =	vcvt.s32.f32 v41  }
0x1ae: {  	v11 =	vadd.f32 v29, v11;
	v15 =	vcvt.s32.f32 v42;
	v18 =	vcvt.f32.s32 v18  }
0x1af: {  	v21 =	vld [tilespmem:$0x4130];
	v16 =	vtrunc.f32 v59;
	v12 =	vadd.f32 v30, v12;
	v10 =	vadd.f32 v33, v10  }
0x1b0: {  	v39 =	vld [tilespmem:$0x46A0];
	v11 =	vadd.f32 v35, v11;
	v23 =	vshra.s32 v18, $0xD;
	v25 =	vand.u32 $0x1FFF, v18  }
0x1b1: {  	v45 =	vld [tilespmem:$0x46E0];
	v16 =	vcvt.f32.s32 v16;
	v18 =	vadd.f32 $0.0e+00, v26;
	v35 =	vshra.s32 v19, $0xD  }
0x1b2: {  	v30 =	vld [tilespmem:$0x4470];
	v19 =	vand.u32 $0x1FFF, v19;
	v17 =	vcvt.s32.f32 v25;
	v27 =	vtrunc.f32 v63  }
0x1b3: {  	v33 =	vld [tilespmem:$0x4170];
	v12 =	vadd.f32 v14, v12;
	v10 =	vadd.f32 v38, v10;
	v14 =	vcvt.s32.f32 v50  }
0x1b4: {  	v51 =	vld [tilespmem:$0x4720];
	v29 =	vshra.s32 v16, $0xD;
	v16 =	vand.u32 $0x1FFF, v16;
	v37 =	vtrunc.f32 v21  }
0x1b5: {  	v11 =	vadd.f32 v39, v11;
	v38 =	vld [tilespmem:$0x41B0];
	v39 =	vcvt.s32.f32 v19;
	v16 =	vcvt.s32.f32 v16  }
0x1b6: {  	v55 =	vld [tilespmem:$0x4760];
	v40 =	vcvt.f32.s32 v37;
	v12 =	vadd.f32 v13, v12;
	v10 =	vadd.f32 v15, v10  }
0x1b7: {  	v11 =	vadd.f32 v45, v11;
	v13 =	vcvt.s32.f32 v57;
	v15 =	vcvt.s32.f32 v58;
	v45 =	vld [tilespmem:$0x41F0]  }
0x1b8: {  	v24 =	vld [tilespmem:$0x40B0];
	v34 =	vadd.f32 v30, v18;
	v42 =	vtrunc.f32 v33;
	v43 =	vshra.s32 v40, $0xD  }
0x1b9: {  	v44 =	vand.u32 $0x1FFF, v40;
	v12 =	vadd.f32 v46, v12;
	v10 =	vadd.f32 v49, v10  }
0x1ba: {  	v61 =	vld [tilespmem:$0x47A0];
	v11 =	vadd.f32 v51, v11;
	v18 =	vcvt.s32.f32 v44;
	v21 =	vtrunc.f32 v38  }
0x1bb: {  	v49 =	vld [tilespmem:$0x4230];
	v12 =	vadd.f32 v14, v12;
	v10 =	vadd.f32 v54, v10;
	v14 =	vcvt.s32.f32 v23  }
0x1bc: {  	v11 =	vadd.f32 v55, v11;
	v21 =	vcvt.f32.s32 v21;
	v19 =	vtrunc.f32 v45  }
0x1bd: {  	v55 =	vld [tilespmem:$0x4270];
	v12 =	vadd.f32 v13, v12;
	v10 =	vadd.f32 v15, v10;
	v15 =	vtrunc.f32 v24  }
0x1be: {  	v52 =	vshra.s32 v21, $0xD;
	v54 =	vand.u32 $0x1FFF, v21;
	v19 =	vcvt.f32.s32 v19  }
0x1bf: {  	v15 =	vcvt.f32.s32 v15;
	v56 =	vcvt.s32.f32 v54;
	v12 =	vadd.f32 v62, v12  }
0x1c0: {  	v58 =	vtrunc.f32 v49;
	v13 =	vadd.f32 v22, v10;
	v10 =	vadd.f32 v61, v11  }
0x1c1: {  	v59 =	vshra.s32 v19, $0xD;
	v61 =	vld [tilespmem:$0x42B0];
	v22 =	vshra.s32 v15, $0xD;
	v15 =	vand.u32 $0x1FFF, v15  }
0x1c2: {  	v21 =	vtrunc.f32 v55;
	v11 =	vadd.f32 v14, v12;
	v14 =	vcvt.f32.s32 v27  }
0x1c3: {  	v23 =	vld [tilespmem:$0x44B0];
	v12 =	vadd.f32 v17, v13;
	v13 =	vcvt.s32.f32 v29;
	v32 =	vcvt.s32.f32 v22  }
0x1c4: {  	v25 =	vld [tilespmem:$0x42F0];
	v15 =	vcvt.s32.f32 v15;
	v17 =	vcvt.s32.f32 v35;
	v31 =	vshra.s32 v14, $0xD  }
0x1c5: {  	v36 =	vld [tilespmem:$0x44F0];
	v21 =	vcvt.f32.s32 v21;
	v14 =	vand.u32 $0x1FFF, v14;
	v20 =	vcvt.s32.f32 v31  }
0x1c6: {  	v60 =	vand.u32 $0x1FFF, v19;
	v14 =	vcvt.s32.f32 v14;
	v19 =	vtrunc.f32 v61  }
0x1c7: {  	v37 =	vld [tilespmem:$0x4370];
	v30 =	vand.u32 $0x1FFF, v21;
	v19 =	vcvt.f32.s32 v19;
	v13 =	vadd.f32 v20, v13  }
0x1c8: {  	v14 =	vadd.f32 v14, v16;
	v16 =	vadd.f32 v23, v34;
	v20 =	vcvt.f32.s32 v42  }
0x1c9: {  	v31 =	vld [tilespmem:$0x4330];
	v34 =	vtrunc.f32 v25;
	v35 =	vshra.s32 v19, $0xD;
	v13 =	vadd.f32 v32, v13  }
0x1ca: {  	v41 =	vld [tilespmem:$0x4530];
	v14 =	vadd.f32 v15, v14;
	v16 =	vadd.f32 v36, v16;
	v15 =	vcvt.s32.f32 v43  }
0x1cb: {  	v46 =	vshra.s32 v20, $0xD;
	v50 =	vand.u32 $0x1FFF, v20;
	v20 =	vcvt.f32.s32 v58  }
0x1cc: {  	v32 =	vcvt.s32.f32 v30;
	v36 =	vand.u32 $0x1FFF, v19;
	v19 =	vtrunc.f32 v37  }
0x1cd: {  	v47 =	vld [tilespmem:$0x4570];
	v28 =	vshra.s32 v21, $0xD;
	v48 =	vcvt.s32.f32 v46;
	v51 =	vcvt.s32.f32 v50  }
0x1ce: {  	v21 =	vtrunc.f32 v31;
	v19 =	vcvt.f32.s32 v19;
	v13 =	vadd.f32 v17, v13  }
0x1cf: {  	v53 =	vld [tilespmem:$0x45B0];
	v14 =	vadd.f32 v39, v14;
	v16 =	vadd.f32 v41, v16;
	v17 =	vcvt.s32.f32 v52  }
0x1d0: {  	v62 =	vshra.s32 v20, $0xD;
	v26 =	vand.u32 $0x1FFF, v20;
	v20 =	vcvt.f32.s32 v34  }
0x1d1: {  	v57 =	vld [tilespmem:$0x45F0];
	v21 =	vcvt.f32.s32 v21;
	v24 =	vcvt.s32.f32 v62;
	v13 =	vadd.f32 v15, v13  }
0x1d2: {  	v27 =	vcvt.s32.f32 v26;
	v14 =	vadd.f32 v18, v14;
	v16 =	vadd.f32 v47, v16  }
0x1d3: {  	v63 =	vld [tilespmem:$0x4630];
	v50 =	vand.u32 $0x1FFF, v19;
	v15 =	vcvt.s32.f32 v59;
	v13 =	vadd.f32 v48, v13  }
0x1d4: {  	v29 =	vld [tilespmem:$0x4670];
	v18 =	vcvt.s32.f32 v60;
	v14 =	vadd.f32 v51, v14;
	v16 =	vadd.f32 v53, v16  }
0x1d5: {  	v46 =	vld [tilespmem:$0x43F0];
	v38 =	vshra.s32 v20, $0xD;
	v41 =	vand.u32 $0x1FFF, v20;
	v13 =	vadd.f32 v17, v13  }
0x1d6: {  	v44 =	vshra.s32 v21, $0xD;
	v14 =	vadd.f32 v56, v14;
	v16 =	vadd.f32 v57, v16  }
0x1d7: {  	v33 =	vld [tilespmem:$0x46B0];
	v21 =	vand.u32 $0x1FFF, v21;
	v39 =	vcvt.s32.f32 v38;
	v13 =	vadd.f32 v15, v13  }
0x1d8: {  	v43 =	vcvt.s32.f32 v41;
	v14 =	vadd.f32 v18, v14;
	v16 =	vadd.f32 v63, v16  }
0x1d9: {  	v40 =	vld [tilespmem:$0x46F0];
	v48 =	vshra.s32 v19, $0xD;
	v17 =	vcvt.s32.f32 v28;
	v13 =	vadd.f32 v24, v13  }
0x1da: {  	v42 =	vld [tilespmem:$0x43B0];
	v52 =	vtrunc.f32 v46;
	v14 =	vadd.f32 v27, v14;
	v16 =	vadd.f32 v29, v16  }
0x1db: {  	v45 =	vld [tilespmem:$0x4730];
	v19 =	vcvt.f32.s32 v52;
	v15 =	vcvt.s32.f32 v35;
	v13 =	vadd.f32 v17, v13  }
0x1dc: {  	v18 =	vcvt.s32.f32 v36;
	v14 =	vadd.f32 v32, v14;
	v16 =	vadd.f32 v33, v16  }
0x1dd: {  	[tilespmem:$0x4800] =	vst v5;
	v49 =	vld [tilespmem:$0x4770];
	v47 =	vcvt.s32.f32 v21;
	v5 =	vcvt.s32.f32 v48;
	v13 =	vadd.f32 v15, v13  }
0x1de: {  	v58 =	vshra.s32 v19, $0xD;
	v14 =	vadd.f32 v18, v14;
	v16 =	vadd.f32 v40, v16  }
0x1df: {  	v54 =	vld [tilespmem:$0x47B0];
	v17 =	vcvt.s32.f32 v44;
	v18 =	vtrunc.f32 v42;
	v13 =	vadd.f32 v39, v13  }
0x1e0: {  	[tilespmem:$0x4840] =	vst v4;
	v51 =	vld [tilespmem:$0x47E0];
	v18 =	vcvt.f32.s32 v18;
	v14 =	vadd.f32 v43, v14;
	v4 =	vadd.f32 v45, v16  }
0x1e1: {  	[tilespmem:$0x4880] =	vst v9;
	v59 =	vld [tilespmem:$0x47F0];
	v61 =	vand.u32 $0x1FFF, v19;
	v15 =	vcvt.s32.f32 v50;
	v13 =	vadd.f32 v17, v13  }
0x1e2: {  	[tilespmem:$0x4890] =	vst v6;
	v53 =	vshra.s32 v18, $0xD;
	v14 =	vadd.f32 v47, v14;
	v4 =	vadd.f32 v49, v4  }
0x1e3: {  	[tilespmem:$0x4810] =	vst v8;
	v56 =	vand.u32 $0x1FFF, v18;
	v9 =	vcvt.s32.f32 v53;
	v5 =	vadd.f32 v5, v13  }
0x1e4: {  	[tilespmem:$0x4850] =	vst v7;
	v57 =	vcvt.s32.f32 v56;
	v55 =	vadd.f32 v15, v14;
	v4 =	vadd.f32 v54, v4  }
0x1e5: {  	[tilespmem:$0x4820] =	vst v11;
	v60 =	vcvt.s32.f32 v58;
	v10 =	vadd.f32 v51, v10;
	v5 =	vadd.f32 v9, v5  }
0x1e6: {  	[tilespmem:$0x4860] =	vst v12;
	v62 =	vcvt.s32.f32 v61;
	v7 =	vadd.f32 v57, v55;
	v4 =	vadd.f32 v59, v4  }
0x1e7: {  	[tilespmem:$0x48A0] =	vst v10;
	v5 =	vadd.f32 v60, v5  }
0x1e8: {  	s14 =	sadd.s32 $0x1, s14;
	v63 =	vadd.f32 v62, v7;
	[tilespmem:$0x48B0] =	vst v4  }
0x1e9: {  	p0 =	sne.s32 s14, s6;
	[tilespmem:$0x4830] =	vst v5  }
.Ltmp2:
0x1ea: {  	[tilespmem:$0x4870] =	vst v63;
	(pc) =	sbr.rel @p0 .LBB2_1-.Ltmp2, $4  }
0x1eb: {  	[hbm4b:s5+s12] =	stream.strided.scatter [tilespmem:s13], [sflag:$0x1], $0x100, s8, s12, $0x38;
	[tilespmem:$0x4900] =	vst v63  }
0x1ec: {  	_ =	swait.ge [sflag:s9], $0x100  }
0x1ed: {  	[sflag:s9] =	ssyncset.done $0x0  }
0x1ee: {  	[sflag:s9] =	ssyncadd.s32 $0xFFFFFF00  }
0x1ef: {  	_ =	sfence.sel $0x180000  }
0x1f0: {  	[bflag:$0x0] =	sbarrier.arrive $0xFFFF  }
0x1f1: {  	p0 =	sne.s32 s1, $0x0;
	_ =	strace $0x90000047  }
0x1f2: {  	s0 =	sadd.s32 @!p0 $0x100000, s0;
	[bflag:$0x2] =	sbarrier.arrive $0xFFFF  }
0x1f3: {  	[sflag:s0] =	ssyncadd.tile.s32 @!p0 $0x1;
	_ =	shalt  }
.Lfunc_end2:
_tile_overlayer_lowered:
.L_overlay_start_2:
0x1f4: {  	(tag) =	ssettag $0x2  }
0x1f5: {  	s0 =	rddreg [dreg:$0x0];
	s2 =	stileid.u32  }
0x1f6: {  	s1 =	rddreg [dreg:$0x1];
	p0 =	sne.s32 s2, $0x0  }
0x1f7: {  	s3 =	rddreg [dreg:$0x2];
	[bflag:$0x3] =	sbarrier.arrive $0xFFFF;
	s2 =	simm.s32 @!p0 $0x1C01  }
0x1f8: {  	[timem:s3], [sflag:s2] =	dma.local @!p0 [hbm:s0], s1  }
0x1f9: {  	s0 =	simm.s32 @!p0 $0x1  }
0x1fa: {  	_ =	swait.ge @!p0 [sflag:s0], s1  }
0x1fb: {  	s1 =	ssub.s32 @!p0 $0x0, s1;
	[sflag:s0] =	ssyncset.done @!p0 $0x0  }
0x1fc: {  	[sflag:s0] =	ssyncadd.s32 @!p0 s1  }
0x1fd: {  	[bflag:$0x3] =	sbarrier.arrive $0xFFFF  }
0x1fe: {  	_ =	shalt  }

</sc_bundles>
